<compile_context>
chip_gen: v7x
topology: tpu7x:2x2x1
jax: 0.10.2.dev20260603
libtpu: 0.0.44.dev20260713+nightly
codegen_flags: <defaults>
</compile_context>

<pallas_src>
import functools

import jax
import jax.numpy as jnp
from jax import lax
from jax.experimental import pallas as pl
from jax.experimental.pallas import tpu as pltpu
from jax.experimental.pallas import tpu_sc as plsc

M = 100000
G = 64
Q = 819200

NC = 2
NS = 16
NW = NC * NS
QPW = Q // NW
C = 128
NITER = QPW // C
NGRP = C // 16
SEGS = [(0, 128)]

RB = 2000

def _dbuild_body(hp_hbm, d_ref, buf, sem):
    i = pl.program_id(0)
    cp = pltpu.make_async_copy(hp_hbm.at[pl.ds(i * RB, RB + 8)], buf, sem)
    cp.start()
    cp.wait()
    b = buf[...]
    d_ref[:, 0:G] = b[0:RB, :]
    d_ref[:, G:2 * G] = b[1:RB + 1, :]


def _sc_body(tq_hbm, params_hbm, d_hbm, out_hbm,
             tq_all, par_v,
             w0, w1, i0, i1, d0, d1, o0, o1,
             g0, g1, s0, s1):
    ws = [w0, w1]
    idxs = [i0, i1]
    rows = [d0, d1]
    outs = [o0, o1]
    gsems = [g0, g1]
    osems = [s0, s1]

    wid = lax.axis_index("s") * NC + lax.axis_index("c")
    base0 = wid * QPW
    pltpu.sync_copy(params_hbm, par_v)
    pltpu.sync_copy(tq_hbm.at[pl.ds(base0, QPW)], tq_all)
    T0v = par_v[pl.ds(0, 16)]
    Dv = par_v[pl.ds(16, 16)]
    T1v = par_v[pl.ds(32, 16)]

    def start(b, k):
        def grp(j, _):
            tq = tq_all[pl.ds(k * C + j * 16, 16)]
            tqc = jnp.minimum(jnp.maximum(tq, T0v), T1v)
            pos = (tqc - T0v) / Dv
            idx = pos.astype(jnp.int32)
            t_lo = T0v + idx.astype(jnp.float32) * Dv
            idx = jnp.where(tqc < t_lo, idx - 1, idx)
            t_hi = T0v + (idx + 1).astype(jnp.float32) * Dv
            idx = jnp.where(tqc >= t_hi, idx + 1, idx)
            idx = jnp.clip(idx, 0, M - 2)
            t_lo = T0v + idx.astype(jnp.float32) * Dv
            t_hi = T0v + (idx + 1).astype(jnp.float32) * Dv
            w = (tqc - t_lo) / (t_hi - t_lo)
            ws[b][pl.ds(j * 16, 16)] = w
            idxs[b][pl.ds(j * 16, 16)] = idx
            return 0

        lax.fori_loop(0, NGRP, grp, 0)
        for off, n in SEGS:
            pltpu.async_copy(d_hbm.at[idxs[b].at[pl.ds(off, n)]],
                             rows[b].at[pl.ds(off, n), :], gsems[b])

    def drain_gather(b):
        for off, n in SEGS:
            pltpu.make_async_copy(d_hbm.at[pl.ds(0, n), :],
                                  rows[b].at[pl.ds(off, n), :],
                                  gsems[b]).wait()

    def drain_out(b):
        pltpu.make_async_copy(outs[b], out_hbm.at[:, pl.ds(0, C)],
                              osems[b]).wait()

    def finish(b, k):
        drain_gather(b)

        def blend(jq, _):
            c0 = jq * 16
            wv = ws[b][pl.ds(c0, 16)]
            ov = 1.0 - wv
            qv = lax.iota(jnp.int32, 16) + c0
            for g in range(G):
                lo = plsc.load_gather(
                    rows[b], [qv, jnp.full((16,), g, jnp.int32)])
                hi = plsc.load_gather(
                    rows[b], [qv, jnp.full((16,), G + g, jnp.int32)])
                outs[b][g, pl.ds(c0, 16)] = ov * lo + wv * hi
            return 0

        lax.fori_loop(0, NGRP, blend, 0)
        pltpu.async_copy(outs[b], out_hbm.at[:, pl.ds(base0 + k * C, C)],
                         osems[b])

    start(0, 0)

    def pair(k2, _):
        k = k2 * 2
        start(1, k + 1)

        @pl.when(k2 > 0)
        def _():
            drain_out(0)

        finish(0, k)

        @pl.when(k + 2 < NITER)
        def _():
            start(0, k + 2)

        @pl.when(k2 > 0)
        def _():
            drain_out(1)

        finish(1, k + 1)
        return 0

    lax.fori_loop(0, NITER // 2, pair, 0)
    drain_out(0)
    drain_out(1)


@jax.jit
def _interp(t_query, params, H):
    hpad = jnp.pad(H, ((0, 8), (0, 0)))
    dtab = pl.pallas_call(
        _dbuild_body,
        grid=(M // RB,),
        in_specs=[pl.BlockSpec(memory_space=pl.ANY)],
        out_specs=pl.BlockSpec((RB, 2 * G), lambda i: (i, 0)),
        out_shape=jax.ShapeDtypeStruct((M, 2 * G), jnp.float32),
        scratch_shapes=[pltpu.VMEM((RB + 8, G), jnp.float32),
                        pltpu.SemaphoreType.DMA],
    )(hpad)

    mesh = plsc.VectorSubcoreMesh(core_axis_name="c", subcore_axis_name="s")
    f = pl.kernel(
        _sc_body,
        mesh=mesh,
        compiler_params=pltpu.CompilerParams(needs_layout_passes=False),
        out_type=jax.ShapeDtypeStruct((G, Q), jnp.float32),
        scratch_types=[
            pltpu.VMEM((QPW,), jnp.float32),
            pltpu.VMEM((48,), jnp.float32),
            pltpu.VMEM((C,), jnp.float32),
            pltpu.VMEM((C,), jnp.float32),
            pltpu.VMEM((C,), jnp.int32),
            pltpu.VMEM((C,), jnp.int32),
            pltpu.VMEM((C, 2 * G), jnp.float32),
            pltpu.VMEM((C, 2 * G), jnp.float32),
            pltpu.VMEM((G, C), jnp.float32),
            pltpu.VMEM((G, C), jnp.float32),
            pltpu.SemaphoreType.DMA,
            pltpu.SemaphoreType.DMA,
            pltpu.SemaphoreType.DMA,
            pltpu.SemaphoreType.DMA,
        ],
    )
    return f(t_query, params, dtab).T


def kernel(t_query, t0, tau_max, H):
    t0 = jnp.asarray(t0, jnp.float32)
    T0 = (t0 - tau_max).astype(jnp.float32)
    delta = ((t0 - T0) / jnp.float32(M - 1)).astype(jnp.float32)
    T1 = T0 + jnp.float32(M - 1) * delta
    params = jnp.concatenate([
        jnp.broadcast_to(T0, (16,)),
        jnp.broadcast_to(delta, (16,)),
        jnp.broadcast_to(T1, (16,)),
    ]).astype(jnp.float32)
    return _interp(t_query, params, H)

# --- scband reference (transcript-rebuilt; emitter-appended) ---
"""Pipeline reference for scband-history-param-50714973831780 (READ-ONLY COPY).

The authoritative reference and input builder live on the scoring server;
editing this copy changes nothing except your own understanding.
"""

import jax, jax.numpy as jnp
import numpy as np

M = 100000
G = 64
Q = 819200

def setup_inputs(seed: int = 0) -> dict:
    key = jax.random.key(seed)
    k1, k2 = jax.random.split(key)
    t_query = jax.random.uniform(k1, (Q,), dtype=jnp.float32)  # in [0, 1] = [t0 - tau_max, t0]
    t0 = jnp.ones((), dtype=jnp.float32)
    tau_max = 1
    H = jax.random.normal(k2, (M, G), dtype=jnp.float32) * 0.02
    return {"t_query": t_query, "t0": t0, "tau_max": tau_max, "H": H}


def linear_interp_1d(T, H, tq):
    # clamp queries into knot range (safe-clamped interp)
    tq = jnp.clip(tq, T[0], T[-1])
    idx = jnp.searchsorted(T, tq, side='right') - 1
    idx = jnp.clip(idx, 0, T.shape[0] - 2)
    t_lo = jnp.take(T, idx)
    t_hi = jnp.take(T, idx + 1)
    w = (tq - t_lo) / (t_hi - t_lo)
    h_lo = jnp.take(H, idx, axis=0)      # gather (Q, G)
    h_hi = jnp.take(H, idx + 1, axis=0)  # gather (Q, G)
    return (1.0 - w)[:, None] * h_lo + w[:, None] * h_hi


def reference(t_query, t0, tau_max, H):
    # knot_times: uniform knots on [t0 - tau_max, t0]; original uses float(t0.item()),
    # i.e. t0 is treated as a constant scalar
    T = jnp.linspace(t0 - tau_max, t0, M)
    return linear_interp_1d(T, H, t_query)

if __name__ == "__main__":
    import jax
    _d = setup_inputs()
    print(jax.jit(kernel)(*tuple(_d.values())))

</pallas_src>

<mosaic_0001>
#map = affine_map<(d0, d1) -> (0)>
#map1 = affine_map<(d0, d1) -> (0, 0)>
module attributes {stable_mosaic.version = 14 : i64} {
  func.func @_sc_body(%arg0: i32, %arg1: i32, %arg2: memref<819200xf32, #tpu.memory_space<hbm>>, %arg3: memref<48xf32, #tpu.memory_space<hbm>>, %arg4: memref<100000x128xf32, #tpu.memory_space<hbm>>, %arg5: memref<64x819200xf32, #tpu.memory_space<hbm>>, %arg6: memref<25600xf32, #tpu.memory_space<vmem>>, %arg7: memref<48xf32, #tpu.memory_space<vmem>>, %arg8: memref<128xf32, #tpu.memory_space<vmem>>, %arg9: memref<128xf32, #tpu.memory_space<vmem>>, %arg10: memref<128xi32, #tpu.memory_space<vmem>>, %arg11: memref<128xi32, #tpu.memory_space<vmem>>, %arg12: memref<128x128xf32, #tpu.memory_space<vmem>>, %arg13: memref<128x128xf32, #tpu.memory_space<vmem>>, %arg14: memref<64x128xf32, #tpu.memory_space<vmem>>, %arg15: memref<64x128xf32, #tpu.memory_space<vmem>>, %arg16: memref<!tpu.dma_semaphore, #tpu.memory_space<semaphore_mem>>, %arg17: memref<!tpu.dma_semaphore, #tpu.memory_space<semaphore_mem>>, %arg18: memref<!tpu.dma_semaphore, #tpu.memory_space<semaphore_mem>>, %arg19: memref<!tpu.dma_semaphore, #tpu.memory_space<semaphore_mem>>) attributes {dimension_semantics = [#tpu.dimension_semantics<core_parallel>, #tpu.dimension_semantics<subcore_parallel>], iteration_bounds = array<i64: 2, 16>, scalar_prefetch = 0 : i64, scratch_operands = 14 : i64, tpu.core_type = #tpu.core_type<sc_vector_subcore>, window_params = [{transform_indices = #map}, {transform_indices = #map}, {transform_indices = #map1}, {transform_indices = #map1}]} {
    %mul3A = arith.constant 2 : i32
    %mul3A_0 = arith.muli %arg1, %mul3A : i32
    %add3A = arith.addi %mul3A_0, %arg0 : i32
    %mul3A_1 = arith.constant 25600 : i32
    %mul3A_2 = arith.muli %add3A, %mul3A_1 : i32
    "tpu.region"() ({
      %run_scoped3A = tpu.sem_alloc : memref<!tpu.dma_semaphore, #tpu.memory_space<semaphore_mem>>
      tpu.enqueue_dma source(%arg3 : memref<48xf32, #tpu.memory_space<hbm>>) target(%arg7 : memref<48xf32, #tpu.memory_space<vmem>>) target_semaphore(%run_scoped3A : memref<!tpu.dma_semaphore, #tpu.memory_space<semaphore_mem>>)
      tpu.wait_dma2 semaphore(%run_scoped3A : memref<!tpu.dma_semaphore, #tpu.memory_space<semaphore_mem>>) src(%arg3 : memref<48xf32, #tpu.memory_space<hbm>>) dst(%arg7 : memref<48xf32, #tpu.memory_space<vmem>>)
      tpu.yield
    }) : () -> ()
    "tpu.region"() ({
      %run_scoped3A = tpu.sem_alloc : memref<!tpu.dma_semaphore, #tpu.memory_space<semaphore_mem>>
      %dma_start3A_39 = tpu.memref_slice %arg2[%mul3A_2] : memref<819200xf32, #tpu.memory_space<hbm>> -> memref<25600xf32, #tpu.memory_space<hbm>>
      %dma_start3A_40 = tpu.memref_slice %arg2[%mul3A_2] : memref<819200xf32, #tpu.memory_space<hbm>> -> memref<25600xf32, #tpu.memory_space<hbm>>
      tpu.enqueue_dma source(%dma_start3A_40 : memref<25600xf32, #tpu.memory_space<hbm>>) target(%arg6 : memref<25600xf32, #tpu.memory_space<vmem>>) target_semaphore(%run_scoped3A : memref<!tpu.dma_semaphore, #tpu.memory_space<semaphore_mem>>)
      %dma_wait3A_41 = tpu.memref_slice %arg2[%mul3A_2] : memref<819200xf32, #tpu.memory_space<hbm>> -> memref<25600xf32, #tpu.memory_space<hbm>>
      %dma_wait3A_42 = tpu.memref_slice %arg2[%mul3A_2] : memref<819200xf32, #tpu.memory_space<hbm>> -> memref<25600xf32, #tpu.memory_space<hbm>>
      tpu.wait_dma2 semaphore(%run_scoped3A : memref<!tpu.dma_semaphore, #tpu.memory_space<semaphore_mem>>) src(%dma_wait3A_42 : memref<25600xf32, #tpu.memory_space<hbm>>) dst(%arg6 : memref<25600xf32, #tpu.memory_space<vmem>>)
      tpu.yield
    }) : () -> ()
    %get3A = arith.constant 0 : index
    %get3A_3 = tpu.vector_load %arg7[%get3A] {strides = array<i32>} : memref<48xf32, #tpu.memory_space<vmem>>, vector<16xf32>,
    %get3A_4 = arith.constant 16 : index
    %get3A_5 = tpu.vector_load %arg7[%get3A_4] {strides = array<i32>} : memref<48xf32, #tpu.memory_space<vmem>>, vector<16xf32>,
    %get3A_6 = arith.constant 32 : index
    %get3A_7 = tpu.vector_load %arg7[%get3A_6] {strides = array<i32>} : memref<48xf32, #tpu.memory_space<vmem>>, vector<16xf32>,
    %scan3A = arith.constant 0 : i32
    %scan3A_8 = arith.constant 0 : i32
    %scan3A_9 = arith.constant 8 : i32
    %scan3A_10 = arith.addi %scan3A_8, %scan3A_9 : i32
    %scan3A_11 = arith.constant 1 : i32
    %scan3A_12 = scf.for %scan3A_39 = %scan3A_8 to %scan3A_10 step %scan3A_11 iter_args(%scan3A_40 = %scan3A) -> (i32)  : i32 {
      %mul3A_41 = arith.constant 16 : i32
      %mul3A_42 = arith.muli %scan3A_39, %mul3A_41 : i32
      %add3A_43 = arith.constant 0 : i32
      %add3A_44 = arith.addi %add3A_43, %mul3A_42 : i32
      %get3A_45 = arith.index_cast %add3A_44 : i32 to index
      %get3A_46 = tpu.vector_load %arg6[%get3A_45] {strides = array<i32>} : memref<25600xf32, #tpu.memory_space<vmem>>, vector<16xf32>,
      %max3A = arith.maximumf %get3A_46, %get3A_3 : vector<16xf32>
      %min3A = arith.minimumf %max3A, %get3A_7 : vector<16xf32>
      %sub3A = arith.subf %min3A, %get3A_3 : vector<16xf32>
      %div3A = arith.divf %sub3A, %get3A_5 : vector<16xf32>
      %convert_element_type3A = arith.fptosi %div3A : vector<16xf32> to vector<16xi32>
      %convert_element_type3A_47 = arith.sitofp %convert_element_type3A : vector<16xi32> to vector<16xf32>
      %mul3A_48 = arith.mulf %convert_element_type3A_47, %get3A_5 : vector<16xf32>
      %add3A_49 = arith.addf %get3A_3, %mul3A_48 : vector<16xf32>
      %lt3A = arith.cmpf olt, %min3A, %add3A_49 : vector<16xf32>
      %sub3A_50 = arith.constant 1 : i32
      %sub3A_51 = vector.broadcast %sub3A_50 : i32 to vector<16xi32>
      %sub3A_52 = arith.subi %convert_element_type3A, %sub3A_51 : vector<16xi32>
      %select_n3A = arith.select %lt3A, %sub3A_52, %convert_element_type3A : vector<16xi1>, vector<16xi32>
      %add3A_53 = arith.constant 1 : i32
      %add3A_54 = vector.broadcast %add3A_53 : i32 to vector<16xi32>
      %add3A_55 = arith.addi %select_n3A, %add3A_54 : vector<16xi32>
      %convert_element_type3A_56 = arith.sitofp %add3A_55 : vector<16xi32> to vector<16xf32>
      %mul3A_57 = arith.mulf %convert_element_type3A_56, %get3A_5 : vector<16xf32>
      %add3A_58 = arith.addf %get3A_3, %mul3A_57 : vector<16xf32>
      %ge3A = arith.cmpf oge, %min3A, %add3A_58 : vector<16xf32>
      %add3A_59 = arith.constant 1 : i32
      %add3A_60 = vector.broadcast %add3A_59 : i32 to vector<16xi32>
      %add3A_61 = arith.addi %select_n3A, %add3A_60 : vector<16xi32>
      %select_n3A_62 = arith.select %ge3A, %add3A_61, %select_n3A : vector<16xi1>, vector<16xi32>
      %jit3A = arith.constant 0 : i32
      %jit3A_63 = arith.constant 99998 : i32
      %max3A_64 = vector.broadcast %jit3A : i32 to vector<16xi32>
      %max3A_65 = arith.maxsi %max3A_64, %select_n3A_62 : vector<16xi32>
      %min3A_66 = vector.broadcast %jit3A_63 : i32 to vector<16xi32>
      %min3A_67 = arith.minsi %min3A_66, %max3A_65 : vector<16xi32>
      %convert_element_type3A_68 = arith.sitofp %min3A_67 : vector<16xi32> to vector<16xf32>
      %mul3A_69 = arith.mulf %convert_element_type3A_68, %get3A_5 : vector<16xf32>
      %add3A_70 = arith.addf %get3A_3, %mul3A_69 : vector<16xf32>
      %add3A_71 = arith.constant 1 : i32
      %add3A_72 = vector.broadcast %add3A_71 : i32 to vector<16xi32>
      %add3A_73 = arith.addi %min3A_67, %add3A_72 : vector<16xi32>
      %convert_element_type3A_74 = arith.sitofp %add3A_73 : vector<16xi32> to vector<16xf32>
      %mul3A_75 = arith.mulf %convert_element_type3A_74, %get3A_5 : vector<16xf32>
      %add3A_76 = arith.addf %get3A_3, %mul3A_75 : vector<16xf32>
      %sub3A_77 = arith.subf %min3A, %add3A_70 : vector<16xf32>
      %sub3A_78 = arith.subf %add3A_76, %add3A_70 : vector<16xf32>
      %div3A_79 = arith.divf %sub3A_77, %sub3A_78 : vector<16xf32>
      %mul3A_80 = arith.constant 16 : i32
      %mul3A_81 = arith.muli %scan3A_39, %mul3A_80 : i32
      %swap3A = arith.index_cast %mul3A_81 : i32 to index
      %swap3A_82 = tpu.vector_load %arg8[%swap3A] {strides = array<i32>} : memref<128xf32, #tpu.memory_space<vmem>>, vector<16xf32>,
      tpu.vector_store %arg8[%swap3A], %div3A_79 {strides = array<i32>} : memref<128xf32, #tpu.memory_space<vmem>>, vector<16xf32>,
      %mul3A_83 = arith.constant 16 : i32
      %mul3A_84 = arith.muli %scan3A_39, %mul3A_83 : i32
      %swap3A_85 = arith.index_cast %mul3A_84 : i32 to index
      %swap3A_86 = tpu.vector_load %arg10[%swap3A_85] {strides = array<i32>} : memref<128xi32, #tpu.memory_space<vmem>>, vector<16xi32>,
      tpu.vector_store %arg10[%swap3A_85], %min3A_67 {strides = array<i32>} : memref<128xi32, #tpu.memory_space<vmem>>, vector<16xi32>,
      %scan3A_87 = arith.constant 0 : i32
      scf.yield %scan3A_87 : i32
    }
    %scan3A_13 = arith.constant 8 : i32
    %dma_start3A = arith.constant 0 : i32
    %dma_start3A_14 = arith.constant 0 : i32
    %dma_start3A_15 = tpu.memref_slice %arg12[%dma_start3A, %dma_start3A_14] : memref<128x128xf32, #tpu.memory_space<vmem>> -> memref<128x128xf32, #tpu.memory_space<vmem>>
    %dma_start3A_16 = arith.constant 0 : i32
    %dma_start3A_17 = tpu.memref_slice %arg10[%dma_start3A_16] : memref<128xi32, #tpu.memory_space<vmem>> -> memref<128xi32, #tpu.memory_space<vmem>>
    %dma_start3A_18 = arith.constant 0 : i32
    %dma_start3A_19 = arith.constant 0 : i32
    %dma_start3A_20 = tpu.memref_slice %arg4[%dma_start3A_18, %dma_start3A_19] : memref<100000x128xf32, #tpu.memory_space<hbm>> -> memref<100000x128xf32, #tpu.memory_space<hbm>>
    tpu.enqueue_indirect_dma source(%dma_start3A_20 : memref<100000x128xf32, #tpu.memory_space<hbm>>) target(%dma_start3A_15 : memref<128x128xf32, #tpu.memory_space<vmem>>) offsets(%dma_start3A_17 : memref<128xi32, #tpu.memory_space<vmem>>) semaphore(%arg16 : memref<!tpu.dma_semaphore, #tpu.memory_space<semaphore_mem>>)
    %scan3A_21 = arith.constant 0 : i32
    %scan3A_22 = arith.constant 0 : i32
    %scan3A_23 = arith.constant 100 : i32
    %scan3A_24 = arith.addi %scan3A_22, %scan3A_23 : i32
    %scan3A_25 = arith.constant 1 : i32
    %scan3A_26 = scf.for %scan3A_39 = %scan3A_22 to %scan3A_24 step %scan3A_25 iter_args(%scan3A_40 = %scan3A_21) -> (i32)  : i32 {
      %mul3A_41 = arith.constant 2 : i32
      %mul3A_42 = arith.muli %scan3A_39, %mul3A_41 : i32
      %add3A_43 = arith.constant 1 : i32
      %add3A_44 = arith.addi %mul3A_42, %add3A_43 : i32
      %scan3A_45 = arith.constant 0 : i32
      %scan3A_46 = arith.constant 0 : i32
      %scan3A_47 = arith.constant 8 : i32
      %scan3A_48 = arith.addi %scan3A_46, %scan3A_47 : i32
      %scan3A_49 = arith.constant 1 : i32
      %scan3A_50 = scf.for %scan3A_128 = %scan3A_46 to %scan3A_48 step %scan3A_49 iter_args(%scan3A_129 = %scan3A_45) -> (i32)  : i32 {
        %mul3A_130 = arith.constant 128 : i32
        %mul3A_131 = arith.muli %add3A_44, %mul3A_130 : i32
        %mul3A_132 = arith.constant 16 : i32
        %mul3A_133 = arith.muli %scan3A_128, %mul3A_132 : i32
        %add3A_134 = arith.addi %mul3A_131, %mul3A_133 : i32
        %get3A_135 = arith.index_cast %add3A_134 : i32 to index
        %get3A_136 = tpu.vector_load %arg6[%get3A_135] {strides = array<i32>} : memref<25600xf32, #tpu.memory_space<vmem>>, vector<16xf32>,
        %max3A = arith.maximumf %get3A_136, %get3A_3 : vector<16xf32>
        %min3A = arith.minimumf %max3A, %get3A_7 : vector<16xf32>
        %sub3A = arith.subf %min3A, %get3A_3 : vector<16xf32>
        %div3A = arith.divf %sub3A, %get3A_5 : vector<16xf32>
        %convert_element_type3A_137 = arith.fptosi %div3A : vector<16xf32> to vector<16xi32>
        %convert_element_type3A_138 = arith.sitofp %convert_element_type3A_137 : vector<16xi32> to vector<16xf32>
        %mul3A_139 = arith.mulf %convert_element_type3A_138, %get3A_5 : vector<16xf32>
        %add3A_140 = arith.addf %get3A_3, %mul3A_139 : vector<16xf32>
        %lt3A_141 = arith.cmpf olt, %min3A, %add3A_140 : vector<16xf32>
        %sub3A_142 = arith.constant 1 : i32
        %sub3A_143 = vector.broadcast %sub3A_142 : i32 to vector<16xi32>
        %sub3A_144 = arith.subi %convert_element_type3A_137, %sub3A_143 : vector<16xi32>
        %select_n3A = arith.select %lt3A_141, %sub3A_144, %convert_element_type3A_137 : vector<16xi1>, vector<16xi32>
        %add3A_145 = arith.constant 1 : i32
        %add3A_146 = vector.broadcast %add3A_145 : i32 to vector<16xi32>
        %add3A_147 = arith.addi %select_n3A, %add3A_146 : vector<16xi32>
        %convert_element_type3A_148 = arith.sitofp %add3A_147 : vector<16xi32> to vector<16xf32>
        %mul3A_149 = arith.mulf %convert_element_type3A_148, %get3A_5 : vector<16xf32>
        %add3A_150 = arith.addf %get3A_3, %mul3A_149 : vector<16xf32>
        %ge3A = arith.cmpf oge, %min3A, %add3A_150 : vector<16xf32>
        %add3A_151 = arith.constant 1 : i32
        %add3A_152 = vector.broadcast %add3A_151 : i32 to vector<16xi32>
        %add3A_153 = arith.addi %select_n3A, %add3A_152 : vector<16xi32>
        %select_n3A_154 = arith.select %ge3A, %add3A_153, %select_n3A : vector<16xi1>, vector<16xi32>
        %jit3A = arith.constant 0 : i32
        %jit3A_155 = arith.constant 99998 : i32
        %max3A_156 = vector.broadcast %jit3A : i32 to vector<16xi32>
        %max3A_157 = arith.maxsi %max3A_156, %select_n3A_154 : vector<16xi32>
        %min3A_158 = vector.broadcast %jit3A_155 : i32 to vector<16xi32>
        %min3A_159 = arith.minsi %min3A_158, %max3A_157 : vector<16xi32>
        %convert_element_type3A_160 = arith.sitofp %min3A_159 : vector<16xi32> to vector<16xf32>
        %mul3A_161 = arith.mulf %convert_element_type3A_160, %get3A_5 : vector<16xf32>
        %add3A_162 = arith.addf %get3A_3, %mul3A_161 : vector<16xf32>
        %add3A_163 = arith.constant 1 : i32
        %add3A_164 = vector.broadcast %add3A_163 : i32 to vector<16xi32>
        %add3A_165 = arith.addi %min3A_159, %add3A_164 : vector<16xi32>
        %convert_element_type3A_166 = arith.sitofp %add3A_165 : vector<16xi32> to vector<16xf32>
        %mul3A_167 = arith.mulf %convert_element_type3A_166, %get3A_5 : vector<16xf32>
        %add3A_168 = arith.addf %get3A_3, %mul3A_167 : vector<16xf32>
        %sub3A_169 = arith.subf %min3A, %add3A_162 : vector<16xf32>
        %sub3A_170 = arith.subf %add3A_168, %add3A_162 : vector<16xf32>
        %div3A_171 = arith.divf %sub3A_169, %sub3A_170 : vector<16xf32>
        %mul3A_172 = arith.constant 16 : i32
        %mul3A_173 = arith.muli %scan3A_128, %mul3A_172 : i32
        %swap3A = arith.index_cast %mul3A_173 : i32 to index
        %swap3A_174 = tpu.vector_load %arg9[%swap3A] {strides = array<i32>} : memref<128xf32, #tpu.memory_space<vmem>>, vector<16xf32>,
        tpu.vector_store %arg9[%swap3A], %div3A_171 {strides = array<i32>} : memref<128xf32, #tpu.memory_space<vmem>>, vector<16xf32>,
        %mul3A_175 = arith.constant 16 : i32
        %mul3A_176 = arith.muli %scan3A_128, %mul3A_175 : i32
        %swap3A_177 = arith.index_cast %mul3A_176 : i32 to index
        %swap3A_178 = tpu.vector_load %arg11[%swap3A_177] {strides = array<i32>} : memref<128xi32, #tpu.memory_space<vmem>>, vector<16xi32>,
        tpu.vector_store %arg11[%swap3A_177], %min3A_159 {strides = array<i32>} : memref<128xi32, #tpu.memory_space<vmem>>, vector<16xi32>,
        %scan3A_179 = arith.constant 0 : i32
        scf.yield %scan3A_179 : i32
      }
      %scan3A_51 = arith.constant 8 : i32
      %dma_start3A_52 = arith.constant 0 : i32
      %dma_start3A_53 = arith.constant 0 : i32
      %dma_start3A_54 = tpu.memref_slice %arg13[%dma_start3A_52, %dma_start3A_53] : memref<128x128xf32, #tpu.memory_space<vmem>> -> memref<128x128xf32, #tpu.memory_space<vmem>>
      %dma_start3A_55 = arith.constant 0 : i32
      %dma_start3A_56 = tpu.memref_slice %arg11[%dma_start3A_55] : memref<128xi32, #tpu.memory_space<vmem>> -> memref<128xi32, #tpu.memory_space<vmem>>
      %dma_start3A_57 = arith.constant 0 : i32
      %dma_start3A_58 = arith.constant 0 : i32
      %dma_start3A_59 = tpu.memref_slice %arg4[%dma_start3A_57, %dma_start3A_58] : memref<100000x128xf32, #tpu.memory_space<hbm>> -> memref<100000x128xf32, #tpu.memory_space<hbm>>
      tpu.enqueue_indirect_dma source(%dma_start3A_59 : memref<100000x128xf32, #tpu.memory_space<hbm>>) target(%dma_start3A_54 : memref<128x128xf32, #tpu.memory_space<vmem>>) offsets(%dma_start3A_56 : memref<128xi32, #tpu.memory_space<vmem>>) semaphore(%arg17 : memref<!tpu.dma_semaphore, #tpu.memory_space<semaphore_mem>>)
      %gt3A = arith.constant 0 : i32
      %gt3A_60 = arith.cmpi sgt, %scan3A_39, %gt3A : i32
      %convert_element_type3A = arith.extui %gt3A_60 : i1 to i32
      %cond3A = arith.constant 0 : i32
      %cond3A_61 = arith.cmpi ne, %convert_element_type3A, %cond3A : i32
      scf.if %cond3A_61 {
        %dma_wait3A_128 = arith.constant 0 : i32
        %dma_wait3A_129 = arith.constant 0 : i32
        %dma_wait3A_130 = tpu.memref_slice %arg5[%dma_wait3A_128, %dma_wait3A_129] : memref<64x819200xf32, #tpu.memory_space<hbm>> -> memref<64x128xf32, #tpu.memory_space<hbm>>
        %dma_wait3A_131 = arith.constant 0 : i32
        %dma_wait3A_132 = arith.constant 0 : i32
        %dma_wait3A_133 = tpu.memref_slice %arg5[%dma_wait3A_131, %dma_wait3A_132] : memref<64x819200xf32, #tpu.memory_space<hbm>> -> memref<64x128xf32, #tpu.memory_space<hbm>>
        tpu.wait_dma2 semaphore(%arg18 : memref<!tpu.dma_semaphore, #tpu.memory_space<semaphore_mem>>) src(%arg14 : memref<64x128xf32, #tpu.memory_space<vmem>>) dst(%dma_wait3A_133 : memref<64x128xf32, #tpu.memory_space<hbm>>)
      } else {
      }
      %dma_wait3A_62 = arith.constant 0 : i32
      %dma_wait3A_63 = arith.constant 0 : i32
      %dma_wait3A_64 = tpu.memref_slice %arg12[%dma_wait3A_62, %dma_wait3A_63] : memref<128x128xf32, #tpu.memory_space<vmem>> -> memref<128x128xf32, #tpu.memory_space<vmem>>
      %dma_wait3A_65 = arith.constant 0 : i32
      %dma_wait3A_66 = arith.constant 0 : i32
      %dma_wait3A_67 = tpu.memref_slice %arg4[%dma_wait3A_65, %dma_wait3A_66] : memref<100000x128xf32, #tpu.memory_space<hbm>> -> memref<128x128xf32, #tpu.memory_space<hbm>>
      %dma_wait3A_68 = arith.constant 0 : i32
      %dma_wait3A_69 = arith.constant 0 : i32
      %dma_wait3A_70 = tpu.memref_slice %arg12[%dma_wait3A_68, %dma_wait3A_69] : memref<128x128xf32, #tpu.memory_space<vmem>> -> memref<128x128xf32, #tpu.memory_space<vmem>>
      %dma_wait3A_71 = arith.constant 0 : i32
      %dma_wait3A_72 = arith.constant 0 : i32
      %dma_wait3A_73 = tpu.memref_slice %arg4[%dma_wait3A_71, %dma_wait3A_72] : memref<100000x128xf32, #tpu.memory_space<hbm>> -> memref<128x128xf32, #tpu.memory_space<hbm>>
      tpu.wait_dma2 semaphore(%arg16 : memref<!tpu.dma_semaphore, #tpu.memory_space<semaphore_mem>>) src(%dma_wait3A_73 : memref<128x128xf32, #tpu.memory_space<hbm>>) dst(%dma_wait3A_70 : memref<128x128xf32, #tpu.memory_space<vmem>>)
      %scan3A_74 = arith.constant 0 : i32
      %scan3A_75 = arith.constant 0 : i32
      %scan3A_76 = arith.constant 8 : i32
      %scan3A_77 = arith.addi %scan3A_75, %scan3A_76 : i32
      %scan3A_78 = arith.constant 1 : i32
      %scan3A_79 = scf.for %scan3A_128 = %scan3A_75 to %scan3A_77 step %scan3A_78 iter_args(%scan3A_129 = %scan3A_74) -> (i32)  : i32 {
        %mul3A_130 = arith.constant 16 : i32
        %mul3A_131 = arith.muli %scan3A_128, %mul3A_130 : i32
        %get3A_132 = arith.index_cast %mul3A_131 : i32 to index
        %get3A_133 = tpu.vector_load %arg8[%get3A_132] {strides = array<i32>} : memref<128xf32, #tpu.memory_space<vmem>>, vector<16xf32>,
        %sub3A = arith.constant 1.000000e+00 : f32
        %sub3A_134 = vector.broadcast %sub3A : f32 to vector<16xf32>
        %sub3A_135 = arith.subf %sub3A_134, %get3A_133 : vector<16xf32>
        %iota3A = tpu.iota {dimensions = array<i32: 0>} : vector<16xi32>
        %add3A_136 = vector.broadcast %mul3A_131 : i32 to vector<16xi32>
        %add3A_137 = arith.addi %iota3A, %add3A_136 : vector<16xi32>
        %broadcast_in_dim3A = arith.constant 0 : i32
        %broadcast_in_dim3A_138 = vector.broadcast %broadcast_in_dim3A : i32 to vector<16xi32>
        %gather3A = tpu.vector_load_idx %arg12[%add3A_137, %broadcast_in_dim3A_138] : memref<128x128xf32, #tpu.memory_space<vmem>>[vector<16xi32>, vector<16xi32>], vector<16xf32>,
        %broadcast_in_dim3A_139 = arith.constant 64 : i32
        %broadcast_in_dim3A_140 = vector.broadcast %broadcast_in_dim3A_139 : i32 to vector<16xi32>
        %gather3A_141 = tpu.vector_load_idx %arg12[%add3A_137, %broadcast_in_dim3A_140] : memref<128x128xf32, #tpu.memory_space<vmem>>[vector<16xi32>, vector<16xi32>], vector<16xf32>,
        %mul3A_142 = arith.mulf %sub3A_135, %gather3A : vector<16xf32>
        %mul3A_143 = arith.mulf %get3A_133, %gather3A_141 : vector<16xf32>
        %add3A_144 = arith.addf %mul3A_142, %mul3A_143 : vector<16xf32>
        %swap3A = arith.constant 0 : i32
        %swap3A_145 = arith.index_cast %swap3A : i32 to index
        %swap3A_146 = arith.index_cast %mul3A_131 : i32 to index
        %swap3A_147 = tpu.vector_load %arg14[%swap3A_145, %swap3A_146] {strides = array<i32>} : memref<64x128xf32, #tpu.memory_space<vmem>>, vector<16xf32>,
        tpu.vector_store %arg14[%swap3A_145, %swap3A_146], %add3A_144 {strides = array<i32>} : memref<64x128xf32, #tpu.memory_space<vmem>>, vector<16xf32>,
        %broadcast_in_dim3A_148 = arith.constant 1 : i32
        %broadcast_in_dim3A_149 = vector.broadcast %broadcast_in_dim3A_148 : i32 to vector<16xi32>
        %gather3A_150 = tpu.vector_load_idx %arg12[%add3A_137, %broadcast_in_dim3A_149] : memref<128x128xf32, #tpu.memory_space<vmem>>[vector<16xi32>, vector<16xi32>], vector<16xf32>,
        %broadcast_in_dim3A_151 = arith.constant 65 : i32
        %broadcast_in_dim3A_152 = vector.broadcast %broadcast_in_dim3A_151 : i32 to vector<16xi32>
        %gather3A_153 = tpu.vector_load_idx %arg12[%add3A_137, %broadcast_in_dim3A_152] : memref<128x128xf32, #tpu.memory_space<vmem>>[vector<16xi32>, vector<16xi32>], vector<16xf32>,
        %mul3A_154 = arith.mulf %sub3A_135, %gather3A_150 : vector<16xf32>
        %mul3A_155 = arith.mulf %get3A_133, %gather3A_153 : vector<16xf32>
        %add3A_156 = arith.addf %mul3A_154, %mul3A_155 : vector<16xf32>
        %swap3A_157 = arith.constant 1 : i32
        %swap3A_158 = arith.index_cast %swap3A_157 : i32 to index
        %swap3A_159 = arith.index_cast %mul3A_131 : i32 to index
        %swap3A_160 = tpu.vector_load %arg14[%swap3A_158, %swap3A_159] {strides = array<i32>} : memref<64x128xf32, #tpu.memory_space<vmem>>, vector<16xf32>,
        tpu.vector_store %arg14[%swap3A_158, %swap3A_159], %add3A_156 {strides = array<i32>} : memref<64x128xf32, #tpu.memory_space<vmem>>, vector<16xf32>,
        %broadcast_in_dim3A_161 = arith.constant 2 : i32
        %broadcast_in_dim3A_162 = vector.broadcast %broadcast_in_dim3A_161 : i32 to vector<16xi32>
        %gather3A_163 = tpu.vector_load_idx %arg12[%add3A_137, %broadcast_in_dim3A_162] : memref<128x128xf32, #tpu.memory_space<vmem>>[vector<16xi32>, vector<16xi32>], vector<16xf32>,
        %broadcast_in_dim3A_164 = arith.constant 66 : i32
        %broadcast_in_dim3A_165 = vector.broadcast %broadcast_in_dim3A_164 : i32 to vector<16xi32>
        %gather3A_166 = tpu.vector_load_idx %arg12[%add3A_137, %broadcast_in_dim3A_165] : memref<128x128xf32, #tpu.memory_space<vmem>>[vector<16xi32>, vector<16xi32>], vector<16xf32>,
        %mul3A_167 = arith.mulf %sub3A_135, %gather3A_163 : vector<16xf32>
        %mul3A_168 = arith.mulf %get3A_133, %gather3A_166 : vector<16xf32>
        %add3A_169 = arith.addf %mul3A_167, %mul3A_168 : vector<16xf32>
        %swap3A_170 = arith.constant 2 : i32
        %swap3A_171 = arith.index_cast %swap3A_170 : i32 to index
        %swap3A_172 = arith.index_cast %mul3A_131 : i32 to index
        %swap3A_173 = tpu.vector_load %arg14[%swap3A_171, %swap3A_172] {strides = array<i32>} : memref<64x128xf32, #tpu.memory_space<vmem>>, vector<16xf32>,
        tpu.vector_store %arg14[%swap3A_171, %swap3A_172], %add3A_169 {strides = array<i32>} : memref<64x128xf32, #tpu.memory_space<vmem>>, vector<16xf32>,
        %broadcast_in_dim3A_174 = arith.constant 3 : i32
        %broadcast_in_dim3A_175 = vector.broadcast %broadcast_in_dim3A_174 : i32 to vector<16xi32>
        %gather3A_176 = tpu.vector_load_idx %arg12[%add3A_137, %broadcast_in_dim3A_175] : memref<128x128xf32, #tpu.memory_space<vmem>>[vector<16xi32>, vector<16xi32>], vector<16xf32>,
        %broadcast_in_dim3A_177 = arith.constant 67 : i32
        %broadcast_in_dim3A_178 = vector.broadcast %broadcast_in_dim3A_177 : i32 to vector<16xi32>
        %gather3A_179 = tpu.vector_load_idx %arg12[%add3A_137, %broadcast_in_dim3A_178] : memref<128x128xf32, #tpu.memory_space<vmem>>[vector<16xi32>, vector<16xi32>], vector<16xf32>,
        %mul3A_180 = arith.mulf %sub3A_135, %gather3A_176 : vector<16xf32>
        %mul3A_181 = arith.mulf %get3A_133, %gather3A_179 : vector<16xf32>
        %add3A_182 = arith.addf %mul3A_180, %mul3A_181 : vector<16xf32>
        %swap3A_183 = arith.constant 3 : i32
        %swap3A_184 = arith.index_cast %swap3A_183 : i32 to index
        %swap3A_185 = arith.index_cast %mul3A_131 : i32 to index
        %swap3A_186 = tpu.vector_load %arg14[%swap3A_184, %swap3A_185] {strides = array<i32>} : memref<64x128xf32, #tpu.memory_space<vmem>>, vector<16xf32>,
        tpu.vector_store %arg14[%swap3A_184, %swap3A_185], %add3A_182 {strides = array<i32>} : memref<64x128xf32, #tpu.memory_space<vmem>>, vector<16xf32>,
        %broadcast_in_dim3A_187 = arith.constant 4 : i32
        %broadcast_in_dim3A_188 = vector.broadcast %broadcast_in_dim3A_187 : i32 to vector<16xi32>
        %gather3A_189 = tpu.vector_load_idx %arg12[%add3A_137, %broadcast_in_dim3A_188] : memref<128x128xf32, #tpu.memory_space<vmem>>[vector<16xi32>, vector<16xi32>], vector<16xf32>,
        %broadcast_in_dim3A_190 = arith.constant 68 : i32
        %broadcast_in_dim3A_191 = vector.broadcast %broadcast_in_dim3A_190 : i32 to vector<16xi32>
        %gather3A_192 = tpu.vector_load_idx %arg12[%add3A_137, %broadcast_in_dim3A_191] : memref<128x128xf32, #tpu.memory_space<vmem>>[vector<16xi32>, vector<16xi32>], vector<16xf32>,
        %mul3A_193 = arith.mulf %sub3A_135, %gather3A_189 : vector<16xf32>
        %mul3A_194 = arith.mulf %get3A_133, %gather3A_192 : vector<16xf32>
        %add3A_195 = arith.addf %mul3A_193, %mul3A_194 : vector<16xf32>
        %swap3A_196 = arith.constant 4 : i32
        %swap3A_197 = arith.index_cast %swap3A_196 : i32 to index
        %swap3A_198 = arith.index_cast %mul3A_131 : i32 to index
        %swap3A_199 = tpu.vector_load %arg14[%swap3A_197, %swap3A_198] {strides = array<i32>} : memref<64x128xf32, #tpu.memory_space<vmem>>, vector<16xf32>,
        tpu.vector_store %arg14[%swap3A_197, %swap3A_198], %add3A_195 {strides = array<i32>} : memref<64x128xf32, #tpu.memory_space<vmem>>, vector<16xf32>,
        %broadcast_in_dim3A_200 = arith.constant 5 : i32
        %broadcast_in_dim3A_201 = vector.broadcast %broadcast_in_dim3A_200 : i32 to vector<16xi32>
        %gather3A_202 = tpu.vector_load_idx %arg12[%add3A_137, %broadcast_in_dim3A_201] : memref<128x128xf32, #tpu.memory_space<vmem>>[vector<16xi32>, vector<16xi32>], vector<16xf32>,
        %broadcast_in_dim3A_203 = arith.constant 69 : i32
        %broadcast_in_dim3A_204 = vector.broadcast %broadcast_in_dim3A_203 : i32 to vector<16xi32>
        %gather3A_205 = tpu.vector_load_idx %arg12[%add3A_137, %broadcast_in_dim3A_204] : memref<128x128xf32, #tpu.memory_space<vmem>>[vector<16xi32>, vector<16xi32>], vector<16xf32>,
        %mul3A_206 = arith.mulf %sub3A_135, %gather3A_202 : vector<16xf32>
        %mul3A_207 = arith.mulf %get3A_133, %gather3A_205 : vector<16xf32>
        %add3A_208 = arith.addf %mul3A_206, %mul3A_207 : vector<16xf32>
        %swap3A_209 = arith.constant 5 : i32
        %swap3A_210 = arith.index_cast %swap3A_209 : i32 to index
        %swap3A_211 = arith.index_cast %mul3A_131 : i32 to index
        %swap3A_212 = tpu.vector_load %arg14[%swap3A_210, %swap3A_211] {strides = array<i32>} : memref<64x128xf32, #tpu.memory_space<vmem>>, vector<16xf32>,
        tpu.vector_store %arg14[%swap3A_210, %swap3A_211], %add3A_208 {strides = array<i32>} : memref<64x128xf32, #tpu.memory_space<vmem>>, vector<16xf32>,
        %broadcast_in_dim3A_213 = arith.constant 6 : i32
        %broadcast_in_dim3A_214 = vector.broadcast %broadcast_in_dim3A_213 : i32 to vector<16xi32>
        %gather3A_215 = tpu.vector_load_idx %arg12[%add3A_137, %broadcast_in_dim3A_214] : memref<128x128xf32, #tpu.memory_space<vmem>>[vector<16xi32>, vector<16xi32>], vector<16xf32>,
        %broadcast_in_dim3A_216 = arith.constant 70 : i32
        %broadcast_in_dim3A_217 = vector.broadcast %broadcast_in_dim3A_216 : i32 to vector<16xi32>
        %gather3A_218 = tpu.vector_load_idx %arg12[%add3A_137, %broadcast_in_dim3A_217] : memref<128x128xf32, #tpu.memory_space<vmem>>[vector<16xi32>, vector<16xi32>], vector<16xf32>,
        %mul3A_219 = arith.mulf %sub3A_135, %gather3A_215 : vector<16xf32>
        %mul3A_220 = arith.mulf %get3A_133, %gather3A_218 : vector<16xf32>
        %add3A_221 = arith.addf %mul3A_219, %mul3A_220 : vector<16xf32>
        %swap3A_222 = arith.constant 6 : i32
        %swap3A_223 = arith.index_cast %swap3A_222 : i32 to index
        %swap3A_224 = arith.index_cast %mul3A_131 : i32 to index
        %swap3A_225 = tpu.vector_load %arg14[%swap3A_223, %swap3A_224] {strides = array<i32>} : memref<64x128xf32, #tpu.memory_space<vmem>>, vector<16xf32>,
        tpu.vector_store %arg14[%swap3A_223, %swap3A_224], %add3A_221 {strides = array<i32>} : memref<64x128xf32, #tpu.memory_space<vmem>>, vector<16xf32>,
        %broadcast_in_dim3A_226 = arith.constant 7 : i32
        %broadcast_in_dim3A_227 = vector.broadcast %broadcast_in_dim3A_226 : i32 to vector<16xi32>
        %gather3A_228 = tpu.vector_load_idx %arg12[%add3A_137, %broadcast_in_dim3A_227] : memref<128x128xf32, #tpu.memory_space<vmem>>[vector<16xi32>, vector<16xi32>], vector<16xf32>,
        %broadcast_in_dim3A_229 = arith.constant 71 : i32
        %broadcast_in_dim3A_230 = vector.broadcast %broadcast_in_dim3A_229 : i32 to vector<16xi32>
        %gather3A_231 = tpu.vector_load_idx %arg12[%add3A_137, %broadcast_in_dim3A_230] : memref<128x128xf32, #tpu.memory_space<vmem>>[vector<16xi32>, vector<16xi32>], vector<16xf32>,
        %mul3A_232 = arith.mulf %sub3A_135, %gather3A_228 : vector<16xf32>
        %mul3A_233 = arith.mulf %get3A_133, %gather3A_231 : vector<16xf32>
        %add3A_234 = arith.addf %mul3A_232, %mul3A_233 : vector<16xf32>
        %swap3A_235 = arith.constant 7 : i32
        %swap3A_236 = arith.index_cast %swap3A_235 : i32 to index
        %swap3A_237 = arith.index_cast %mul3A_131 : i32 to index
        %swap3A_238 = tpu.vector_load %arg14[%swap3A_236, %swap3A_237] {strides = array<i32>} : memref<64x128xf32, #tpu.memory_space<vmem>>, vector<16xf32>,
        tpu.vector_store %arg14[%swap3A_236, %swap3A_237], %add3A_234 {strides = array<i32>} : memref<64x128xf32, #tpu.memory_space<vmem>>, vector<16xf32>,
        %broadcast_in_dim3A_239 = arith.constant 8 : i32
        %broadcast_in_dim3A_240 = vector.broadcast %broadcast_in_dim3A_239 : i32 to vector<16xi32>
        %gather3A_241 = tpu.vector_load_idx %arg12[%add3A_137, %broadcast_in_dim3A_240] : memref<128x128xf32, #tpu.memory_space<vmem>>[vector<16xi32>, vector<16xi32>], vector<16xf32>,
        %broadcast_in_dim3A_242 = arith.constant 72 : i32
        %broadcast_in_dim3A_243 = vector.broadcast %broadcast_in_dim3A_242 : i32 to vector<16xi32>
        %gather3A_244 = tpu.vector_load_idx %arg12[%add3A_137, %broadcast_in_dim3A_243] : memref<128x128xf32, #tpu.memory_space<vmem>>[vector<16xi32>, vector<16xi32>], vector<16xf32>,
        %mul3A_245 = arith.mulf %sub3A_135, %gather3A_241 : vector<16xf32>
        %mul3A_246 = arith.mulf %get3A_133, %gather3A_244 : vector<16xf32>
        %add3A_247 = arith.addf %mul3A_245, %mul3A_246 : vector<16xf32>
        %swap3A_248 = arith.constant 8 : i32
        %swap3A_249 = arith.index_cast %swap3A_248 : i32 to index
        %swap3A_250 = arith.index_cast %mul3A_131 : i32 to index
        %swap3A_251 = tpu.vector_load %arg14[%swap3A_249, %swap3A_250] {strides = array<i32>} : memref<64x128xf32, #tpu.memory_space<vmem>>, vector<16xf32>,
        tpu.vector_store %arg14[%swap3A_249, %swap3A_250], %add3A_247 {strides = array<i32>} : memref<64x128xf32, #tpu.memory_space<vmem>>, vector<16xf32>,
        %broadcast_in_dim3A_252 = arith.constant 9 : i32
        %broadcast_in_dim3A_253 = vector.broadcast %broadcast_in_dim3A_252 : i32 to vector<16xi32>
        %gather3A_254 = tpu.vector_load_idx %arg12[%add3A_137, %broadcast_in_dim3A_253] : memref<128x128xf32, #tpu.memory_space<vmem>>[vector<16xi32>, vector<16xi32>], vector<16xf32>,
        %broadcast_in_dim3A_255 = arith.constant 73 : i32
        %broadcast_in_dim3A_256 = vector.broadcast %broadcast_in_dim3A_255 : i32 to vector<16xi32>
        %gather3A_257 = tpu.vector_load_idx %arg12[%add3A_137, %broadcast_in_dim3A_256] : memref<128x128xf32, #tpu.memory_space<vmem>>[vector<16xi32>, vector<16xi32>], vector<16xf32>,
        %mul3A_258 = arith.mulf %sub3A_135, %gather3A_254 : vector<16xf32>
        %mul3A_259 = arith.mulf %get3A_133, %gather3A_257 : vector<16xf32>
        %add3A_260 = arith.addf %mul3A_258, %mul3A_259 : vector<16xf32>
        %swap3A_261 = arith.constant 9 : i32
        %swap3A_262 = arith.index_cast %swap3A_261 : i32 to index
        %swap3A_263 = arith.index_cast %mul3A_131 : i32 to index
        %swap3A_264 = tpu.vector_load %arg14[%swap3A_262, %swap3A_263] {strides = array<i32>} : memref<64x128xf32, #tpu.memory_space<vmem>>, vector<16xf32>,
        tpu.vector_store %arg14[%swap3A_262, %swap3A_263], %add3A_260 {strides = array<i32>} : memref<64x128xf32, #tpu.memory_space<vmem>>, vector<16xf32>,
        %broadcast_in_dim3A_265 = arith.constant 10 : i32
        %broadcast_in_dim3A_266 = vector.broadcast %broadcast_in_dim3A_265 : i32 to vector<16xi32>
        %gather3A_267 = tpu.vector_load_idx %arg12[%add3A_137, %broadcast_in_dim3A_266] : memref<128x128xf32, #tpu.memory_space<vmem>>[vector<16xi32>, vector<16xi32>], vector<16xf32>,
        %broadcast_in_dim3A_268 = arith.constant 74 : i32
        %broadcast_in_dim3A_269 = vector.broadcast %broadcast_in_dim3A_268 : i32 to vector<16xi32>
        %gather3A_270 = tpu.vector_load_idx %arg12[%add3A_137, %broadcast_in_dim3A_269] : memref<128x128xf32, #tpu.memory_space<vmem>>[vector<16xi32>, vector<16xi32>], vector<16xf32>,
        %mul3A_271 = arith.mulf %sub3A_135, %gather3A_267 : vector<16xf32>
        %mul3A_272 = arith.mulf %get3A_133, %gather3A_270 : vector<16xf32>
        %add3A_273 = arith.addf %mul3A_271, %mul3A_272 : vector<16xf32>
        %swap3A_274 = arith.constant 10 : i32
        %swap3A_275 = arith.index_cast %swap3A_274 : i32 to index
        %swap3A_276 = arith.index_cast %mul3A_131 : i32 to index
        %swap3A_277 = tpu.vector_load %arg14[%swap3A_275, %swap3A_276] {strides = array<i32>} : memref<64x128xf32, #tpu.memory_space<vmem>>, vector<16xf32>,
        tpu.vector_store %arg14[%swap3A_275, %swap3A_276], %add3A_273 {strides = array<i32>} : memref<64x128xf32, #tpu.memory_space<vmem>>, vector<16xf32>,
        %broadcast_in_dim3A_278 = arith.constant 11 : i32
        %broadcast_in_dim3A_279 = vector.broadcast %broadcast_in_dim3A_278 : i32 to vector<16xi32>
        %gather3A_280 = tpu.vector_load_idx %arg12[%add3A_137, %broadcast_in_dim3A_279] : memref<128x128xf32, #tpu.memory_space<vmem>>[vector<16xi32>, vector<16xi32>], vector<16xf32>,
        %broadcast_in_dim3A_281 = arith.constant 75 : i32
        %broadcast_in_dim3A_282 = vector.broadcast %broadcast_in_dim3A_281 : i32 to vector<16xi32>
        %gather3A_283 = tpu.vector_load_idx %arg12[%add3A_137, %broadcast_in_dim3A_282] : memref<128x128xf32, #tpu.memory_space<vmem>>[vector<16xi32>, vector<16xi32>], vector<16xf32>,
        %mul3A_284 = arith.mulf %sub3A_135, %gather3A_280 : vector<16xf32>
        %mul3A_285 = arith.mulf %get3A_133, %gather3A_283 : vector<16xf32>
        %add3A_286 = arith.addf %mul3A_284, %mul3A_285 : vector<16xf32>
        %swap3A_287 = arith.constant 11 : i32
        %swap3A_288 = arith.index_cast %swap3A_287 : i32 to index
        %swap3A_289 = arith.index_cast %mul3A_131 : i32 to index
        %swap3A_290 = tpu.vector_load %arg14[%swap3A_288, %swap3A_289] {strides = array<i32>} : memref<64x128xf32, #tpu.memory_space<vmem>>, vector<16xf32>,
        tpu.vector_store %arg14[%swap3A_288, %swap3A_289], %add3A_286 {strides = array<i32>} : memref<64x128xf32, #tpu.memory_space<vmem>>, vector<16xf32>,
        %broadcast_in_dim3A_291 = arith.constant 12 : i32
        %broadcast_in_dim3A_292 = vector.broadcast %broadcast_in_dim3A_291 : i32 to vector<16xi32>
        %gather3A_293 = tpu.vector_load_idx %arg12[%add3A_137, %broadcast_in_dim3A_292] : memref<128x128xf32, #tpu.memory_space<vmem>>[vector<16xi32>, vector<16xi32>], vector<16xf32>,
        %broadcast_in_dim3A_294 = arith.constant 76 : i32
        %broadcast_in_dim3A_295 = vector.broadcast %broadcast_in_dim3A_294 : i32 to vector<16xi32>
        %gather3A_296 = tpu.vector_load_idx %arg12[%add3A_137, %broadcast_in_dim3A_295] : memref<128x128xf32, #tpu.memory_space<vmem>>[vector<16xi32>, vector<16xi32>], vector<16xf32>,
        %mul3A_297 = arith.mulf %sub3A_135, %gather3A_293 : vector<16xf32>
        %mul3A_298 = arith.mulf %get3A_133, %gather3A_296 : vector<16xf32>
        %add3A_299 = arith.addf %mul3A_297, %mul3A_298 : vector<16xf32>
        %swap3A_300 = arith.constant 12 : i32
        %swap3A_301 = arith.index_cast %swap3A_300 : i32 to index
        %swap3A_302 = arith.index_cast %mul3A_131 : i32 to index
        %swap3A_303 = tpu.vector_load %arg14[%swap3A_301, %swap3A_302] {strides = array<i32>} : memref<64x128xf32, #tpu.memory_space<vmem>>, vector<16xf32>,
        tpu.vector_store %arg14[%swap3A_301, %swap3A_302], %add3A_299 {strides = array<i32>} : memref<64x128xf32, #tpu.memory_space<vmem>>, vector<16xf32>,
        %broadcast_in_dim3A_304 = arith.constant 13 : i32
        %broadcast_in_dim3A_305 = vector.broadcast %broadcast_in_dim3A_304 : i32 to vector<16xi32>
        %gather3A_306 = tpu.vector_load_idx %arg12[%add3A_137, %broadcast_in_dim3A_305] : memref<128x128xf32, #tpu.memory_space<vmem>>[vector<16xi32>, vector<16xi32>], vector<16xf32>,
        %broadcast_in_dim3A_307 = arith.constant 77 : i32
        %broadcast_in_dim3A_308 = vector.broadcast %broadcast_in_dim3A_307 : i32 to vector<16xi32>
        %gather3A_309 = tpu.vector_load_idx %arg12[%add3A_137, %broadcast_in_dim3A_308] : memref<128x128xf32, #tpu.memory_space<vmem>>[vector<16xi32>, vector<16xi32>], vector<16xf32>,
        %mul3A_310 = arith.mulf %sub3A_135, %gather3A_306 : vector<16xf32>
        %mul3A_311 = arith.mulf %get3A_133, %gather3A_309 : vector<16xf32>
        %add3A_312 = arith.addf %mul3A_310, %mul3A_311 : vector<16xf32>
        %swap3A_313 = arith.constant 13 : i32
        %swap3A_314 = arith.index_cast %swap3A_313 : i32 to index
        %swap3A_315 = arith.index_cast %mul3A_131 : i32 to index
        %swap3A_316 = tpu.vector_load %arg14[%swap3A_314, %swap3A_315] {strides = array<i32>} : memref<64x128xf32, #tpu.memory_space<vmem>>, vector<16xf32>,
        tpu.vector_store %arg14[%swap3A_314, %swap3A_315], %add3A_312 {strides = array<i32>} : memref<64x128xf32, #tpu.memory_space<vmem>>, vector<16xf32>,
        %broadcast_in_dim3A_317 = arith.constant 14 : i32
        %broadcast_in_dim3A_318 = vector.broadcast %broadcast_in_dim3A_317 : i32 to vector<16xi32>
        %gather3A_319 = tpu.vector_load_idx %arg12[%add3A_137, %broadcast_in_dim3A_318] : memref<128x128xf32, #tpu.memory_space<vmem>>[vector<16xi32>, vector<16xi32>], vector<16xf32>,
        %broadcast_in_dim3A_320 = arith.constant 78 : i32
        %broadcast_in_dim3A_321 = vector.broadcast %broadcast_in_dim3A_320 : i32 to vector<16xi32>
        %gather3A_322 = tpu.vector_load_idx %arg12[%add3A_137, %broadcast_in_dim3A_321] : memref<128x128xf32, #tpu.memory_space<vmem>>[vector<16xi32>, vector<16xi32>], vector<16xf32>,
        %mul3A_323 = arith.mulf %sub3A_135, %gather3A_319 : vector<16xf32>
        %mul3A_324 = arith.mulf %get3A_133, %gather3A_322 : vector<16xf32>
        %add3A_325 = arith.addf %mul3A_323, %mul3A_324 : vector<16xf32>
        %swap3A_326 = arith.constant 14 : i32
        %swap3A_327 = arith.index_cast %swap3A_326 : i32 to index
        %swap3A_328 = arith.index_cast %mul3A_131 : i32 to index
        %swap3A_329 = tpu.vector_load %arg14[%swap3A_327, %swap3A_328] {strides = array<i32>} : memref<64x128xf32, #tpu.memory_space<vmem>>, vector<16xf32>,
        tpu.vector_store %arg14[%swap3A_327, %swap3A_328], %add3A_325 {strides = array<i32>} : memref<64x128xf32, #tpu.memory_space<vmem>>, vector<16xf32>,
        %broadcast_in_dim3A_330 = arith.constant 15 : i32
        %broadcast_in_dim3A_331 = vector.broadcast %broadcast_in_dim3A_330 : i32 to vector<16xi32>
        %gather3A_332 = tpu.vector_load_idx %arg12[%add3A_137, %broadcast_in_dim3A_331] : memref<128x128xf32, #tpu.memory_space<vmem>>[vector<16xi32>, vector<16xi32>], vector<16xf32>,
        %broadcast_in_dim3A_333 = arith.constant 79 : i32
        %broadcast_in_dim3A_334 = vector.broadcast %broadcast_in_dim3A_333 : i32 to vector<16xi32>
        %gather3A_335 = tpu.vector_load_idx %arg12[%add3A_137, %broadcast_in_dim3A_334] : memref<128x128xf32, #tpu.memory_space<vmem>>[vector<16xi32>, vector<16xi32>], vector<16xf32>,
        %mul3A_336 = arith.mulf %sub3A_135, %gather3A_332 : vector<16xf32>
        %mul3A_337 = arith.mulf %get3A_133, %gather3A_335 : vector<16xf32>
        %add3A_338 = arith.addf %mul3A_336, %mul3A_337 : vector<16xf32>
        %swap3A_339 = arith.constant 15 : i32
        %swap3A_340 = arith.index_cast %swap3A_339 : i32 to index
        %swap3A_341 = arith.index_cast %mul3A_131 : i32 to index
        %swap3A_342 = tpu.vector_load %arg14[%swap3A_340, %swap3A_341] {strides = array<i32>} : memref<64x128xf32, #tpu.memory_space<vmem>>, vector<16xf32>,
        tpu.vector_store %arg14[%swap3A_340, %swap3A_341], %add3A_338 {strides = array<i32>} : memref<64x128xf32, #tpu.memory_space<vmem>>, vector<16xf32>,
        %broadcast_in_dim3A_343 = arith.constant 16 : i32
        %broadcast_in_dim3A_344 = vector.broadcast %broadcast_in_dim3A_343 : i32 to vector<16xi32>
        %gather3A_345 = tpu.vector_load_idx %arg12[%add3A_137, %broadcast_in_dim3A_344] : memref<128x128xf32, #tpu.memory_space<vmem>>[vector<16xi32>, vector<16xi32>], vector<16xf32>,
        %broadcast_in_dim3A_346 = arith.constant 80 : i32
        %broadcast_in_dim3A_347 = vector.broadcast %broadcast_in_dim3A_346 : i32 to vector<16xi32>
        %gather3A_348 = tpu.vector_load_idx %arg12[%add3A_137, %broadcast_in_dim3A_347] : memref<128x128xf32, #tpu.memory_space<vmem>>[vector<16xi32>, vector<16xi32>], vector<16xf32>,
        %mul3A_349 = arith.mulf %sub3A_135, %gather3A_345 : vector<16xf32>
        %mul3A_350 = arith.mulf %get3A_133, %gather3A_348 : vector<16xf32>
        %add3A_351 = arith.addf %mul3A_349, %mul3A_350 : vector<16xf32>
        %swap3A_352 = arith.constant 16 : i32
        %swap3A_353 = arith.index_cast %swap3A_352 : i32 to index
        %swap3A_354 = arith.index_cast %mul3A_131 : i32 to index
        %swap3A_355 = tpu.vector_load %arg14[%swap3A_353, %swap3A_354] {strides = array<i32>} : memref<64x128xf32, #tpu.memory_space<vmem>>, vector<16xf32>,
        tpu.vector_store %arg14[%swap3A_353, %swap3A_354], %add3A_351 {strides = array<i32>} : memref<64x128xf32, #tpu.memory_space<vmem>>, vector<16xf32>,
        %broadcast_in_dim3A_356 = arith.constant 17 : i32
        %broadcast_in_dim3A_357 = vector.broadcast %broadcast_in_dim3A_356 : i32 to vector<16xi32>
        %gather3A_358 = tpu.vector_load_idx %arg12[%add3A_137, %broadcast_in_dim3A_357] : memref<128x128xf32, #tpu.memory_space<vmem>>[vector<16xi32>, vector<16xi32>], vector<16xf32>,
        %broadcast_in_dim3A_359 = arith.constant 81 : i32
        %broadcast_in_dim3A_360 = vector.broadcast %broadcast_in_dim3A_359 : i32 to vector<16xi32>
        %gather3A_361 = tpu.vector_load_idx %arg12[%add3A_137, %broadcast_in_dim3A_360] : memref<128x128xf32, #tpu.memory_space<vmem>>[vector<16xi32>, vector<16xi32>], vector<16xf32>,
        %mul3A_362 = arith.mulf %sub3A_135, %gather3A_358 : vector<16xf32>
        %mul3A_363 = arith.mulf %get3A_133, %gather3A_361 : vector<16xf32>
        %add3A_364 = arith.addf %mul3A_362, %mul3A_363 : vector<16xf32>
        %swap3A_365 = arith.constant 17 : i32
        %swap3A_366 = arith.index_cast %swap3A_365 : i32 to index
        %swap3A_367 = arith.index_cast %mul3A_131 : i32 to index
        %swap3A_368 = tpu.vector_load %arg14[%swap3A_366, %swap3A_367] {strides = array<i32>} : memref<64x128xf32, #tpu.memory_space<vmem>>, vector<16xf32>,
        tpu.vector_store %arg14[%swap3A_366, %swap3A_367], %add3A_364 {strides = array<i32>} : memref<64x128xf32, #tpu.memory_space<vmem>>, vector<16xf32>,
        %broadcast_in_dim3A_369 = arith.constant 18 : i32
        %broadcast_in_dim3A_370 = vector.broadcast %broadcast_in_dim3A_369 : i32 to vector<16xi32>
        %gather3A_371 = tpu.vector_load_idx %arg12[%add3A_137, %broadcast_in_dim3A_370] : memref<128x128xf32, #tpu.memory_space<vmem>>[vector<16xi32>, vector<16xi32>], vector<16xf32>,
        %broadcast_in_dim3A_372 = arith.constant 82 : i32
        %broadcast_in_dim3A_373 = vector.broadcast %broadcast_in_dim3A_372 : i32 to vector<16xi32>
        %gather3A_374 = tpu.vector_load_idx %arg12[%add3A_137, %broadcast_in_dim3A_373] : memref<128x128xf32, #tpu.memory_space<vmem>>[vector<16xi32>, vector<16xi32>], vector<16xf32>,
        %mul3A_375 = arith.mulf %sub3A_135, %gather3A_371 : vector<16xf32>
        %mul3A_376 = arith.mulf %get3A_133, %gather3A_374 : vector<16xf32>
        %add3A_377 = arith.addf %mul3A_375, %mul3A_376 : vector<16xf32>
        %swap3A_378 = arith.constant 18 : i32
        %swap3A_379 = arith.index_cast %swap3A_378 : i32 to index
        %swap3A_380 = arith.index_cast %mul3A_131 : i32 to index
        %swap3A_381 = tpu.vector_load %arg14[%swap3A_379, %swap3A_380] {strides = array<i32>} : memref<64x128xf32, #tpu.memory_space<vmem>>, vector<16xf32>,
        tpu.vector_store %arg14[%swap3A_379, %swap3A_380], %add3A_377 {strides = array<i32>} : memref<64x128xf32, #tpu.memory_space<vmem>>, vector<16xf32>,
        %broadcast_in_dim3A_382 = arith.constant 19 : i32
        %broadcast_in_dim3A_383 = vector.broadcast %broadcast_in_dim3A_382 : i32 to vector<16xi32>
        %gather3A_384 = tpu.vector_load_idx %arg12[%add3A_137, %broadcast_in_dim3A_383] : memref<128x128xf32, #tpu.memory_space<vmem>>[vector<16xi32>, vector<16xi32>], vector<16xf32>,
        %broadcast_in_dim3A_385 = arith.constant 83 : i32
        %broadcast_in_dim3A_386 = vector.broadcast %broadcast_in_dim3A_385 : i32 to vector<16xi32>
        %gather3A_387 = tpu.vector_load_idx %arg12[%add3A_137, %broadcast_in_dim3A_386] : memref<128x128xf32, #tpu.memory_space<vmem>>[vector<16xi32>, vector<16xi32>], vector<16xf32>,
        %mul3A_388 = arith.mulf %sub3A_135, %gather3A_384 : vector<16xf32>
        %mul3A_389 = arith.mulf %get3A_133, %gather3A_387 : vector<16xf32>
        %add3A_390 = arith.addf %mul3A_388, %mul3A_389 : vector<16xf32>
        %swap3A_391 = arith.constant 19 : i32
        %swap3A_392 = arith.index_cast %swap3A_391 : i32 to index
        %swap3A_393 = arith.index_cast %mul3A_131 : i32 to index
        %swap3A_394 = tpu.vector_load %arg14[%swap3A_392, %swap3A_393] {strides = array<i32>} : memref<64x128xf32, #tpu.memory_space<vmem>>, vector<16xf32>,
        tpu.vector_store %arg14[%swap3A_392, %swap3A_393], %add3A_390 {strides = array<i32>} : memref<64x128xf32, #tpu.memory_space<vmem>>, vector<16xf32>,
        %broadcast_in_dim3A_395 = arith.constant 20 : i32
        %broadcast_in_dim3A_396 = vector.broadcast %broadcast_in_dim3A_395 : i32 to vector<16xi32>
        %gather3A_397 = tpu.vector_load_idx %arg12[%add3A_137, %broadcast_in_dim3A_396] : memref<128x128xf32, #tpu.memory_space<vmem>>[vector<16xi32>, vector<16xi32>], vector<16xf32>,
        %broadcast_in_dim3A_398 = arith.constant 84 : i32
        %broadcast_in_dim3A_399 = vector.broadcast %broadcast_in_dim3A_398 : i32 to vector<16xi32>
        %gather3A_400 = tpu.vector_load_idx %arg12[%add3A_137, %broadcast_in_dim3A_399] : memref<128x128xf32, #tpu.memory_space<vmem>>[vector<16xi32>, vector<16xi32>], vector<16xf32>,
        %mul3A_401 = arith.mulf %sub3A_135, %gather3A_397 : vector<16xf32>
        %mul3A_402 = arith.mulf %get3A_133, %gather3A_400 : vector<16xf32>
        %add3A_403 = arith.addf %mul3A_401, %mul3A_402 : vector<16xf32>
        %swap3A_404 = arith.constant 20 : i32
        %swap3A_405 = arith.index_cast %swap3A_404 : i32 to index
        %swap3A_406 = arith.index_cast %mul3A_131 : i32 to index
        %swap3A_407 = tpu.vector_load %arg14[%swap3A_405, %swap3A_406] {strides = array<i32>} : memref<64x128xf32, #tpu.memory_space<vmem>>, vector<16xf32>,
        tpu.vector_store %arg14[%swap3A_405, %swap3A_406], %add3A_403 {strides = array<i32>} : memref<64x128xf32, #tpu.memory_space<vmem>>, vector<16xf32>,
        %broadcast_in_dim3A_408 = arith.constant 21 : i32
        %broadcast_in_dim3A_409 = vector.broadcast %broadcast_in_dim3A_408 : i32 to vector<16xi32>
        %gather3A_410 = tpu.vector_load_idx %arg12[%add3A_137, %broadcast_in_dim3A_409] : memref<128x128xf32, #tpu.memory_space<vmem>>[vector<16xi32>, vector<16xi32>], vector<16xf32>,
        %broadcast_in_dim3A_411 = arith.constant 85 : i32
        %broadcast_in_dim3A_412 = vector.broadcast %broadcast_in_dim3A_411 : i32 to vector<16xi32>
        %gather3A_413 = tpu.vector_load_idx %arg12[%add3A_137, %broadcast_in_dim3A_412] : memref<128x128xf32, #tpu.memory_space<vmem>>[vector<16xi32>, vector<16xi32>], vector<16xf32>,
        %mul3A_414 = arith.mulf %sub3A_135, %gather3A_410 : vector<16xf32>
        %mul3A_415 = arith.mulf %get3A_133, %gather3A_413 : vector<16xf32>
        %add3A_416 = arith.addf %mul3A_414, %mul3A_415 : vector<16xf32>
        %swap3A_417 = arith.constant 21 : i32
        %swap3A_418 = arith.index_cast %swap3A_417 : i32 to index
        %swap3A_419 = arith.index_cast %mul3A_131 : i32 to index
        %swap3A_420 = tpu.vector_load %arg14[%swap3A_418, %swap3A_419] {strides = array<i32>} : memref<64x128xf32, #tpu.memory_space<vmem>>, vector<16xf32>,
        tpu.vector_store %arg14[%swap3A_418, %swap3A_419], %add3A_416 {strides = array<i32>} : memref<64x128xf32, #tpu.memory_space<vmem>>, vector<16xf32>,
        %broadcast_in_dim3A_421 = arith.constant 22 : i32
        %broadcast_in_dim3A_422 = vector.broadcast %broadcast_in_dim3A_421 : i32 to vector<16xi32>
        %gather3A_423 = tpu.vector_load_idx %arg12[%add3A_137, %broadcast_in_dim3A_422] : memref<128x128xf32, #tpu.memory_space<vmem>>[vector<16xi32>, vector<16xi32>], vector<16xf32>,
        %broadcast_in_dim3A_424 = arith.constant 86 : i32
        %broadcast_in_dim3A_425 = vector.broadcast %broadcast_in_dim3A_424 : i32 to vector<16xi32>
        %gather3A_426 = tpu.vector_load_idx %arg12[%add3A_137, %broadcast_in_dim3A_425] : memref<128x128xf32, #tpu.memory_space<vmem>>[vector<16xi32>, vector<16xi32>], vector<16xf32>,
        %mul3A_427 = arith.mulf %sub3A_135, %gather3A_423 : vector<16xf32>
        %mul3A_428 = arith.mulf %get3A_133, %gather3A_426 : vector<16xf32>
        %add3A_429 = arith.addf %mul3A_427, %mul3A_428 : vector<16xf32>
        %swap3A_430 = arith.constant 22 : i32
        %swap3A_431 = arith.index_cast %swap3A_430 : i32 to index
        %swap3A_432 = arith.index_cast %mul3A_131 : i32 to index
        %swap3A_433 = tpu.vector_load %arg14[%swap3A_431, %swap3A_432] {strides = array<i32>} : memref<64x128xf32, #tpu.memory_space<vmem>>, vector<16xf32>,
        tpu.vector_store %arg14[%swap3A_431, %swap3A_432], %add3A_429 {strides = array<i32>} : memref<64x128xf32, #tpu.memory_space<vmem>>, vector<16xf32>,
        %broadcast_in_dim3A_434 = arith.constant 23 : i32
        %broadcast_in_dim3A_435 = vector.broadcast %broadcast_in_dim3A_434 : i32 to vector<16xi32>
        %gather3A_436 = tpu.vector_load_idx %arg12[%add3A_137, %broadcast_in_dim3A_435] : memref<128x128xf32, #tpu.memory_space<vmem>>[vector<16xi32>, vector<16xi32>], vector<16xf32>,
        %broadcast_in_dim3A_437 = arith.constant 87 : i32
        %broadcast_in_dim3A_438 = vector.broadcast %broadcast_in_dim3A_437 : i32 to vector<16xi32>
        %gather3A_439 = tpu.vector_load_idx %arg12[%add3A_137, %broadcast_in_dim3A_438] : memref<128x128xf32, #tpu.memory_space<vmem>>[vector<16xi32>, vector<16xi32>], vector<16xf32>,
        %mul3A_440 = arith.mulf %sub3A_135, %gather3A_436 : vector<16xf32>
        %mul3A_441 = arith.mulf %get3A_133, %gather3A_439 : vector<16xf32>
        %add3A_442 = arith.addf %mul3A_440, %mul3A_441 : vector<16xf32>
        %swap3A_443 = arith.constant 23 : i32
        %swap3A_444 = arith.index_cast %swap3A_443 : i32 to index
        %swap3A_445 = arith.index_cast %mul3A_131 : i32 to index
        %swap3A_446 = tpu.vector_load %arg14[%swap3A_444, %swap3A_445] {strides = array<i32>} : memref<64x128xf32, #tpu.memory_space<vmem>>, vector<16xf32>,
        tpu.vector_store %arg14[%swap3A_444, %swap3A_445], %add3A_442 {strides = array<i32>} : memref<64x128xf32, #tpu.memory_space<vmem>>, vector<16xf32>,
        %broadcast_in_dim3A_447 = arith.constant 24 : i32
        %broadcast_in_dim3A_448 = vector.broadcast %broadcast_in_dim3A_447 : i32 to vector<16xi32>
        %gather3A_449 = tpu.vector_load_idx %arg12[%add3A_137, %broadcast_in_dim3A_448] : memref<128x128xf32, #tpu.memory_space<vmem>>[vector<16xi32>, vector<16xi32>], vector<16xf32>,
        %broadcast_in_dim3A_450 = arith.constant 88 : i32
        %broadcast_in_dim3A_451 = vector.broadcast %broadcast_in_dim3A_450 : i32 to vector<16xi32>
        %gather3A_452 = tpu.vector_load_idx %arg12[%add3A_137, %broadcast_in_dim3A_451] : memref<128x128xf32, #tpu.memory_space<vmem>>[vector<16xi32>, vector<16xi32>], vector<16xf32>,
        %mul3A_453 = arith.mulf %sub3A_135, %gather3A_449 : vector<16xf32>
        %mul3A_454 = arith.mulf %get3A_133, %gather3A_452 : vector<16xf32>
        %add3A_455 = arith.addf %mul3A_453, %mul3A_454 : vector<16xf32>
        %swap3A_456 = arith.constant 24 : i32
        %swap3A_457 = arith.index_cast %swap3A_456 : i32 to index
        %swap3A_458 = arith.index_cast %mul3A_131 : i32 to index
        %swap3A_459 = tpu.vector_load %arg14[%swap3A_457, %swap3A_458] {strides = array<i32>} : memref<64x128xf32, #tpu.memory_space<vmem>>, vector<16xf32>,
        tpu.vector_store %arg14[%swap3A_457, %swap3A_458], %add3A_455 {strides = array<i32>} : memref<64x128xf32, #tpu.memory_space<vmem>>, vector<16xf32>,
        %broadcast_in_dim3A_460 = arith.constant 25 : i32
        %broadcast_in_dim3A_461 = vector.broadcast %broadcast_in_dim3A_460 : i32 to vector<16xi32>
        %gather3A_462 = tpu.vector_load_idx %arg12[%add3A_137, %broadcast_in_dim3A_461] : memref<128x128xf32, #tpu.memory_space<vmem>>[vector<16xi32>, vector<16xi32>], vector<16xf32>,
        %broadcast_in_dim3A_463 = arith.constant 89 : i32
        %broadcast_in_dim3A_464 = vector.broadcast %broadcast_in_dim3A_463 : i32 to vector<16xi32>
        %gather3A_465 = tpu.vector_load_idx %arg12[%add3A_137, %broadcast_in_dim3A_464] : memref<128x128xf32, #tpu.memory_space<vmem>>[vector<16xi32>, vector<16xi32>], vector<16xf32>,
        %mul3A_466 = arith.mulf %sub3A_135, %gather3A_462 : vector<16xf32>
        %mul3A_467 = arith.mulf %get3A_133, %gather3A_465 : vector<16xf32>
        %add3A_468 = arith.addf %mul3A_466, %mul3A_467 : vector<16xf32>
        %swap3A_469 = arith.constant 25 : i32
        %swap3A_470 = arith.index_cast %swap3A_469 : i32 to index
        %swap3A_471 = arith.index_cast %mul3A_131 : i32 to index
        %swap3A_472 = tpu.vector_load %arg14[%swap3A_470, %swap3A_471] {strides = array<i32>} : memref<64x128xf32, #tpu.memory_space<vmem>>, vector<16xf32>,
        tpu.vector_store %arg14[%swap3A_470, %swap3A_471], %add3A_468 {strides = array<i32>} : memref<64x128xf32, #tpu.memory_space<vmem>>, vector<16xf32>,
        %broadcast_in_dim3A_473 = arith.constant 26 : i32
        %broadcast_in_dim3A_474 = vector.broadcast %broadcast_in_dim3A_473 : i32 to vector<16xi32>
        %gather3A_475 = tpu.vector_load_idx %arg12[%add3A_137, %broadcast_in_dim3A_474] : memref<128x128xf32, #tpu.memory_space<vmem>>[vector<16xi32>, vector<16xi32>], vector<16xf32>,
        %broadcast_in_dim3A_476 = arith.constant 90 : i32
        %broadcast_in_dim3A_477 = vector.broadcast %broadcast_in_dim3A_476 : i32 to vector<16xi32>
        %gather3A_478 = tpu.vector_load_idx %arg12[%add3A_137, %broadcast_in_dim3A_477] : memref<128x128xf32, #tpu.memory_space<vmem>>[vector<16xi32>, vector<16xi32>], vector<16xf32>,
        %mul3A_479 = arith.mulf %sub3A_135, %gather3A_475 : vector<16xf32>
        %mul3A_480 = arith.mulf %get3A_133, %gather3A_478 : vector<16xf32>
        %add3A_481 = arith.addf %mul3A_479, %mul3A_480 : vector<16xf32>
        %swap3A_482 = arith.constant 26 : i32
        %swap3A_483 = arith.index_cast %swap3A_482 : i32 to index
        %swap3A_484 = arith.index_cast %mul3A_131 : i32 to index
        %swap3A_485 = tpu.vector_load %arg14[%swap3A_483, %swap3A_484] {strides = array<i32>} : memref<64x128xf32, #tpu.memory_space<vmem>>, vector<16xf32>,
        tpu.vector_store %arg14[%swap3A_483, %swap3A_484], %add3A_481 {strides = array<i32>} : memref<64x128xf32, #tpu.memory_space<vmem>>, vector<16xf32>,
        %broadcast_in_dim3A_486 = arith.constant 27 : i32
        %broadcast_in_dim3A_487 = vector.broadcast %broadcast_in_dim3A_486 : i32 to vector<16xi32>
        %gather3A_488 = tpu.vector_load_idx %arg12[%add3A_137, %broadcast_in_dim3A_487] : memref<128x128xf32, #tpu.memory_space<vmem>>[vector<16xi32>, vector<16xi32>], vector<16xf32>,
        %broadcast_in_dim3A_489 = arith.constant 91 : i32
        %broadcast_in_dim3A_490 = vector.broadcast %broadcast_in_dim3A_489 : i32 to vector<16xi32>
        %gather3A_491 = tpu.vector_load_idx %arg12[%add3A_137, %broadcast_in_dim3A_490] : memref<128x128xf32, #tpu.memory_space<vmem>>[vector<16xi32>, vector<16xi32>], vector<16xf32>,
        %mul3A_492 = arith.mulf %sub3A_135, %gather3A_488 : vector<16xf32>
        %mul3A_493 = arith.mulf %get3A_133, %gather3A_491 : vector<16xf32>
        %add3A_494 = arith.addf %mul3A_492, %mul3A_493 : vector<16xf32>
        %swap3A_495 = arith.constant 27 : i32
        %swap3A_496 = arith.index_cast %swap3A_495 : i32 to index
        %swap3A_497 = arith.index_cast %mul3A_131 : i32 to index
        %swap3A_498 = tpu.vector_load %arg14[%swap3A_496, %swap3A_497] {strides = array<i32>} : memref<64x128xf32, #tpu.memory_space<vmem>>, vector<16xf32>,
        tpu.vector_store %arg14[%swap3A_496, %swap3A_497], %add3A_494 {strides = array<i32>} : memref<64x128xf32, #tpu.memory_space<vmem>>, vector<16xf32>,
        %broadcast_in_dim3A_499 = arith.constant 28 : i32
        %broadcast_in_dim3A_500 = vector.broadcast %broadcast_in_dim3A_499 : i32 to vector<16xi32>
        %gather3A_501 = tpu.vector_load_idx %arg12[%add3A_137, %broadcast_in_dim3A_500] : memref<128x128xf32, #tpu.memory_space<vmem>>[vector<16xi32>, vector<16xi32>], vector<16xf32>,
        %broadcast_in_dim3A_502 = arith.constant 92 : i32
        %broadcast_in_dim3A_503 = vector.broadcast %broadcast_in_dim3A_502 : i32 to vector<16xi32>
        %gather3A_504 = tpu.vector_load_idx %arg12[%add3A_137, %broadcast_in_dim3A_503] : memref<128x128xf32, #tpu.memory_space<vmem>>[vector<16xi32>, vector<16xi32>], vector<16xf32>,
        %mul3A_505 = arith.mulf %sub3A_135, %gather3A_501 : vector<16xf32>
        %mul3A_506 = arith.mulf %get3A_133, %gather3A_504 : vector<16xf32>
        %add3A_507 = arith.addf %mul3A_505, %mul3A_506 : vector<16xf32>
        %swap3A_508 = arith.constant 28 : i32
        %swap3A_509 = arith.index_cast %swap3A_508 : i32 to index
        %swap3A_510 = arith.index_cast %mul3A_131 : i32 to index
        %swap3A_511 = tpu.vector_load %arg14[%swap3A_509, %swap3A_510] {strides = array<i32>} : memref<64x128xf32, #tpu.memory_space<vmem>>, vector<16xf32>,
        tpu.vector_store %arg14[%swap3A_509, %swap3A_510], %add3A_507 {strides = array<i32>} : memref<64x128xf32, #tpu.memory_space<vmem>>, vector<16xf32>,
        %broadcast_in_dim3A_512 = arith.constant 29 : i32
        %broadcast_in_dim3A_513 = vector.broadcast %broadcast_in_dim3A_512 : i32 to vector<16xi32>
        %gather3A_514 = tpu.vector_load_idx %arg12[%add3A_137, %broadcast_in_dim3A_513] : memref<128x128xf32, #tpu.memory_space<vmem>>[vector<16xi32>, vector<16xi32>], vector<16xf32>,
        %broadcast_in_dim3A_515 = arith.constant 93 : i32
        %broadcast_in_dim3A_516 = vector.broadcast %broadcast_in_dim3A_515 : i32 to vector<16xi32>
        %gather3A_517 = tpu.vector_load_idx %arg12[%add3A_137, %broadcast_in_dim3A_516] : memref<128x128xf32, #tpu.memory_space<vmem>>[vector<16xi32>, vector<16xi32>], vector<16xf32>,
        %mul3A_518 = arith.mulf %sub3A_135, %gather3A_514 : vector<16xf32>
        %mul3A_519 = arith.mulf %get3A_133, %gather3A_517 : vector<16xf32>
        %add3A_520 = arith.addf %mul3A_518, %mul3A_519 : vector<16xf32>
        %swap3A_521 = arith.constant 29 : i32
        %swap3A_522 = arith.index_cast %swap3A_521 : i32 to index
        %swap3A_523 = arith.index_cast %mul3A_131 : i32 to index
        %swap3A_524 = tpu.vector_load %arg14[%swap3A_522, %swap3A_523] {strides = array<i32>} : memref<64x128xf32, #tpu.memory_space<vmem>>, vector<16xf32>,
        tpu.vector_store %arg14[%swap3A_522, %swap3A_523], %add3A_520 {strides = array<i32>} : memref<64x128xf32, #tpu.memory_space<vmem>>, vector<16xf32>,
        %broadcast_in_dim3A_525 = arith.constant 30 : i32
        %broadcast_in_dim3A_526 = vector.broadcast %broadcast_in_dim3A_525 : i32 to vector<16xi32>
        %gather3A_527 = tpu.vector_load_idx %arg12[%add3A_137, %broadcast_in_dim3A_526] : memref<128x128xf32, #tpu.memory_space<vmem>>[vector<16xi32>, vector<16xi32>], vector<16xf32>,
        %broadcast_in_dim3A_528 = arith.constant 94 : i32
        %broadcast_in_dim3A_529 = vector.broadcast %broadcast_in_dim3A_528 : i32 to vector<16xi32>
        %gather3A_530 = tpu.vector_load_idx %arg12[%add3A_137, %broadcast_in_dim3A_529] : memref<128x128xf32, #tpu.memory_space<vmem>>[vector<16xi32>, vector<16xi32>], vector<16xf32>,
        %mul3A_531 = arith.mulf %sub3A_135, %gather3A_527 : vector<16xf32>
        %mul3A_532 = arith.mulf %get3A_133, %gather3A_530 : vector<16xf32>
        %add3A_533 = arith.addf %mul3A_531, %mul3A_532 : vector<16xf32>
        %swap3A_534 = arith.constant 30 : i32
        %swap3A_535 = arith.index_cast %swap3A_534 : i32 to index
        %swap3A_536 = arith.index_cast %mul3A_131 : i32 to index
        %swap3A_537 = tpu.vector_load %arg14[%swap3A_535, %swap3A_536] {strides = array<i32>} : memref<64x128xf32, #tpu.memory_space<vmem>>, vector<16xf32>,
        tpu.vector_store %arg14[%swap3A_535, %swap3A_536], %add3A_533 {strides = array<i32>} : memref<64x128xf32, #tpu.memory_space<vmem>>, vector<16xf32>,
        %broadcast_in_dim3A_538 = arith.constant 31 : i32
        %broadcast_in_dim3A_539 = vector.broadcast %broadcast_in_dim3A_538 : i32 to vector<16xi32>
        %gather3A_540 = tpu.vector_load_idx %arg12[%add3A_137, %broadcast_in_dim3A_539] : memref<128x128xf32, #tpu.memory_space<vmem>>[vector<16xi32>, vector<16xi32>], vector<16xf32>,
        %broadcast_in_dim3A_541 = arith.constant 95 : i32
        %broadcast_in_dim3A_542 = vector.broadcast %broadcast_in_dim3A_541 : i32 to vector<16xi32>
        %gather3A_543 = tpu.vector_load_idx %arg12[%add3A_137, %broadcast_in_dim3A_542] : memref<128x128xf32, #tpu.memory_space<vmem>>[vector<16xi32>, vector<16xi32>], vector<16xf32>,
        %mul3A_544 = arith.mulf %sub3A_135, %gather3A_540 : vector<16xf32>
        %mul3A_545 = arith.mulf %get3A_133, %gather3A_543 : vector<16xf32>
        %add3A_546 = arith.addf %mul3A_544, %mul3A_545 : vector<16xf32>
        %swap3A_547 = arith.constant 31 : i32
        %swap3A_548 = arith.index_cast %swap3A_547 : i32 to index
        %swap3A_549 = arith.index_cast %mul3A_131 : i32 to index
        %swap3A_550 = tpu.vector_load %arg14[%swap3A_548, %swap3A_549] {strides = array<i32>} : memref<64x128xf32, #tpu.memory_space<vmem>>, vector<16xf32>,
        tpu.vector_store %arg14[%swap3A_548, %swap3A_549], %add3A_546 {strides = array<i32>} : memref<64x128xf32, #tpu.memory_space<vmem>>, vector<16xf32>,
        %broadcast_in_dim3A_551 = arith.constant 32 : i32
        %broadcast_in_dim3A_552 = vector.broadcast %broadcast_in_dim3A_551 : i32 to vector<16xi32>
        %gather3A_553 = tpu.vector_load_idx %arg12[%add3A_137, %broadcast_in_dim3A_552] : memref<128x128xf32, #tpu.memory_space<vmem>>[vector<16xi32>, vector<16xi32>], vector<16xf32>,
        %broadcast_in_dim3A_554 = arith.constant 96 : i32
        %broadcast_in_dim3A_555 = vector.broadcast %broadcast_in_dim3A_554 : i32 to vector<16xi32>
        %gather3A_556 = tpu.vector_load_idx %arg12[%add3A_137, %broadcast_in_dim3A_555] : memref<128x128xf32, #tpu.memory_space<vmem>>[vector<16xi32>, vector<16xi32>], vector<16xf32>,
        %mul3A_557 = arith.mulf %sub3A_135, %gather3A_553 : vector<16xf32>
        %mul3A_558 = arith.mulf %get3A_133, %gather3A_556 : vector<16xf32>
        %add3A_559 = arith.addf %mul3A_557, %mul3A_558 : vector<16xf32>
        %swap3A_560 = arith.constant 32 : i32
        %swap3A_561 = arith.index_cast %swap3A_560 : i32 to index
        %swap3A_562 = arith.index_cast %mul3A_131 : i32 to index
        %swap3A_563 = tpu.vector_load %arg14[%swap3A_561, %swap3A_562] {strides = array<i32>} : memref<64x128xf32, #tpu.memory_space<vmem>>, vector<16xf32>,
        tpu.vector_store %arg14[%swap3A_561, %swap3A_562], %add3A_559 {strides = array<i32>} : memref<64x128xf32, #tpu.memory_space<vmem>>, vector<16xf32>,
        %broadcast_in_dim3A_564 = arith.constant 33 : i32
        %broadcast_in_dim3A_565 = vector.broadcast %broadcast_in_dim3A_564 : i32 to vector<16xi32>
        %gather3A_566 = tpu.vector_load_idx %arg12[%add3A_137, %broadcast_in_dim3A_565] : memref<128x128xf32, #tpu.memory_space<vmem>>[vector<16xi32>, vector<16xi32>], vector<16xf32>,
        %broadcast_in_dim3A_567 = arith.constant 97 : i32
        %broadcast_in_dim3A_568 = vector.broadcast %broadcast_in_dim3A_567 : i32 to vector<16xi32>
        %gather3A_569 = tpu.vector_load_idx %arg12[%add3A_137, %broadcast_in_dim3A_568] : memref<128x128xf32, #tpu.memory_space<vmem>>[vector<16xi32>, vector<16xi32>], vector<16xf32>,
        %mul3A_570 = arith.mulf %sub3A_135, %gather3A_566 : vector<16xf32>
        %mul3A_571 = arith.mulf %get3A_133, %gather3A_569 : vector<16xf32>
        %add3A_572 = arith.addf %mul3A_570, %mul3A_571 : vector<16xf32>
        %swap3A_573 = arith.constant 33 : i32
        %swap3A_574 = arith.index_cast %swap3A_573 : i32 to index
        %swap3A_575 = arith.index_cast %mul3A_131 : i32 to index
        %swap3A_576 = tpu.vector_load %arg14[%swap3A_574, %swap3A_575] {strides = array<i32>} : memref<64x128xf32, #tpu.memory_space<vmem>>, vector<16xf32>,
        tpu.vector_store %arg14[%swap3A_574, %swap3A_575], %add3A_572 {strides = array<i32>} : memref<64x128xf32, #tpu.memory_space<vmem>>, vector<16xf32>,
        %broadcast_in_dim3A_577 = arith.constant 34 : i32
        %broadcast_in_dim3A_578 = vector.broadcast %broadcast_in_dim3A_577 : i32 to vector<16xi32>
        %gather3A_579 = tpu.vector_load_idx %arg12[%add3A_137, %broadcast_in_dim3A_578] : memref<128x128xf32, #tpu.memory_space<vmem>>[vector<16xi32>, vector<16xi32>], vector<16xf32>,
        %broadcast_in_dim3A_580 = arith.constant 98 : i32
        %broadcast_in_dim3A_581 = vector.broadcast %broadcast_in_dim3A_580 : i32 to vector<16xi32>
        %gather3A_582 = tpu.vector_load_idx %arg12[%add3A_137, %broadcast_in_dim3A_581] : memref<128x128xf32, #tpu.memory_space<vmem>>[vector<16xi32>, vector<16xi32>], vector<16xf32>,
        %mul3A_583 = arith.mulf %sub3A_135, %gather3A_579 : vector<16xf32>
        %mul3A_584 = arith.mulf %get3A_133, %gather3A_582 : vector<16xf32>
        %add3A_585 = arith.addf %mul3A_583, %mul3A_584 : vector<16xf32>
        %swap3A_586 = arith.constant 34 : i32
        %swap3A_587 = arith.index_cast %swap3A_586 : i32 to index
        %swap3A_588 = arith.index_cast %mul3A_131 : i32 to index
        %swap3A_589 = tpu.vector_load %arg14[%swap3A_587, %swap3A_588] {strides = array<i32>} : memref<64x128xf32, #tpu.memory_space<vmem>>, vector<16xf32>,
        tpu.vector_store %arg14[%swap3A_587, %swap3A_588], %add3A_585 {strides = array<i32>} : memref<64x128xf32, #tpu.memory_space<vmem>>, vector<16xf32>,
        %broadcast_in_dim3A_590 = arith.constant 35 : i32
        %broadcast_in_dim3A_591 = vector.broadcast %broadcast_in_dim3A_590 : i32 to vector<16xi32>
        %gather3A_592 = tpu.vector_load_idx %arg12[%add3A_137, %broadcast_in_dim3A_591] : memref<128x128xf32, #tpu.memory_space<vmem>>[vector<16xi32>, vector<16xi32>], vector<16xf32>,
        %broadcast_in_dim3A_593 = arith.constant 99 : i32
        %broadcast_in_dim3A_594 = vector.broadcast %broadcast_in_dim3A_593 : i32 to vector<16xi32>
        %gather3A_595 = tpu.vector_load_idx %arg12[%add3A_137, %broadcast_in_dim3A_594] : memref<128x128xf32, #tpu.memory_space<vmem>>[vector<16xi32>, vector<16xi32>], vector<16xf32>,
        %mul3A_596 = arith.mulf %sub3A_135, %gather3A_592 : vector<16xf32>
        %mul3A_597 = arith.mulf %get3A_133, %gather3A_595 : vector<16xf32>
        %add3A_598 = arith.addf %mul3A_596, %mul3A_597 : vector<16xf32>
        %swap3A_599 = arith.constant 35 : i32
        %swap3A_600 = arith.index_cast %swap3A_599 : i32 to index
        %swap3A_601 = arith.index_cast %mul3A_131 : i32 to index
        %swap3A_602 = tpu.vector_load %arg14[%swap3A_600, %swap3A_601] {strides = array<i32>} : memref<64x128xf32, #tpu.memory_space<vmem>>, vector<16xf32>,
        tpu.vector_store %arg14[%swap3A_600, %swap3A_601], %add3A_598 {strides = array<i32>} : memref<64x128xf32, #tpu.memory_space<vmem>>, vector<16xf32>,
        %broadcast_in_dim3A_603 = arith.constant 36 : i32
        %broadcast_in_dim3A_604 = vector.broadcast %broadcast_in_dim3A_603 : i32 to vector<16xi32>
        %gather3A_605 = tpu.vector_load_idx %arg12[%add3A_137, %broadcast_in_dim3A_604] : memref<128x128xf32, #tpu.memory_space<vmem>>[vector<16xi32>, vector<16xi32>], vector<16xf32>,
        %broadcast_in_dim3A_606 = arith.constant 100 : i32
        %broadcast_in_dim3A_607 = vector.broadcast %broadcast_in_dim3A_606 : i32 to vector<16xi32>
        %gather3A_608 = tpu.vector_load_idx %arg12[%add3A_137, %broadcast_in_dim3A_607] : memref<128x128xf32, #tpu.memory_space<vmem>>[vector<16xi32>, vector<16xi32>], vector<16xf32>,
        %mul3A_609 = arith.mulf %sub3A_135, %gather3A_605 : vector<16xf32>
        %mul3A_610 = arith.mulf %get3A_133, %gather3A_608 : vector<16xf32>
        %add3A_611 = arith.addf %mul3A_609, %mul3A_610 : vector<16xf32>
        %swap3A_612 = arith.constant 36 : i32
        %swap3A_613 = arith.index_cast %swap3A_612 : i32 to index
        %swap3A_614 = arith.index_cast %mul3A_131 : i32 to index
        %swap3A_615 = tpu.vector_load %arg14[%swap3A_613, %swap3A_614] {strides = array<i32>} : memref<64x128xf32, #tpu.memory_space<vmem>>, vector<16xf32>,
        tpu.vector_store %arg14[%swap3A_613, %swap3A_614], %add3A_611 {strides = array<i32>} : memref<64x128xf32, #tpu.memory_space<vmem>>, vector<16xf32>,
        %broadcast_in_dim3A_616 = arith.constant 37 : i32
        %broadcast_in_dim3A_617 = vector.broadcast %broadcast_in_dim3A_616 : i32 to vector<16xi32>
        %gather3A_618 = tpu.vector_load_idx %arg12[%add3A_137, %broadcast_in_dim3A_617] : memref<128x128xf32, #tpu.memory_space<vmem>>[vector<16xi32>, vector<16xi32>], vector<16xf32>,
        %broadcast_in_dim3A_619 = arith.constant 101 : i32
        %broadcast_in_dim3A_620 = vector.broadcast %broadcast_in_dim3A_619 : i32 to vector<16xi32>
        %gather3A_621 = tpu.vector_load_idx %arg12[%add3A_137, %broadcast_in_dim3A_620] : memref<128x128xf32, #tpu.memory_space<vmem>>[vector<16xi32>, vector<16xi32>], vector<16xf32>,
        %mul3A_622 = arith.mulf %sub3A_135, %gather3A_618 : vector<16xf32>
        %mul3A_623 = arith.mulf %get3A_133, %gather3A_621 : vector<16xf32>
        %add3A_624 = arith.addf %mul3A_622, %mul3A_623 : vector<16xf32>
        %swap3A_625 = arith.constant 37 : i32
        %swap3A_626 = arith.index_cast %swap3A_625 : i32 to index
        %swap3A_627 = arith.index_cast %mul3A_131 : i32 to index
        %swap3A_628 = tpu.vector_load %arg14[%swap3A_626, %swap3A_627] {strides = array<i32>} : memref<64x128xf32, #tpu.memory_space<vmem>>, vector<16xf32>,
        tpu.vector_store %arg14[%swap3A_626, %swap3A_627], %add3A_624 {strides = array<i32>} : memref<64x128xf32, #tpu.memory_space<vmem>>, vector<16xf32>,
        %broadcast_in_dim3A_629 = arith.constant 38 : i32
        %broadcast_in_dim3A_630 = vector.broadcast %broadcast_in_dim3A_629 : i32 to vector<16xi32>
        %gather3A_631 = tpu.vector_load_idx %arg12[%add3A_137, %broadcast_in_dim3A_630] : memref<128x128xf32, #tpu.memory_space<vmem>>[vector<16xi32>, vector<16xi32>], vector<16xf32>,
        %broadcast_in_dim3A_632 = arith.constant 102 : i32
        %broadcast_in_dim3A_633 = vector.broadcast %broadcast_in_dim3A_632 : i32 to vector<16xi32>
        %gather3A_634 = tpu.vector_load_idx %arg12[%add3A_137, %broadcast_in_dim3A_633] : memref<128x128xf32, #tpu.memory_space<vmem>>[vector<16xi32>, vector<16xi32>], vector<16xf32>,
        %mul3A_635 = arith.mulf %sub3A_135, %gather3A_631 : vector<16xf32>
        %mul3A_636 = arith.mulf %get3A_133, %gather3A_634 : vector<16xf32>
        %add3A_637 = arith.addf %mul3A_635, %mul3A_636 : vector<16xf32>
        %swap3A_638 = arith.constant 38 : i32
        %swap3A_639 = arith.index_cast %swap3A_638 : i32 to index
        %swap3A_640 = arith.index_cast %mul3A_131 : i32 to index
        %swap3A_641 = tpu.vector_load %arg14[%swap3A_639, %swap3A_640] {strides = array<i32>} : memref<64x128xf32, #tpu.memory_space<vmem>>, vector<16xf32>,
        tpu.vector_store %arg14[%swap3A_639, %swap3A_640], %add3A_637 {strides = array<i32>} : memref<64x128xf32, #tpu.memory_space<vmem>>, vector<16xf32>,
        %broadcast_in_dim3A_642 = arith.constant 39 : i32
        %broadcast_in_dim3A_643 = vector.broadcast %broadcast_in_dim3A_642 : i32 to vector<16xi32>
        %gather3A_644 = tpu.vector_load_idx %arg12[%add3A_137, %broadcast_in_dim3A_643] : memref<128x128xf32, #tpu.memory_space<vmem>>[vector<16xi32>, vector<16xi32>], vector<16xf32>,
        %broadcast_in_dim3A_645 = arith.constant 103 : i32
        %broadcast_in_dim3A_646 = vector.broadcast %broadcast_in_dim3A_645 : i32 to vector<16xi32>
        %gather3A_647 = tpu.vector_load_idx %arg12[%add3A_137, %broadcast_in_dim3A_646] : memref<128x128xf32, #tpu.memory_space<vmem>>[vector<16xi32>, vector<16xi32>], vector<16xf32>,
        %mul3A_648 = arith.mulf %sub3A_135, %gather3A_644 : vector<16xf32>
        %mul3A_649 = arith.mulf %get3A_133, %gather3A_647 : vector<16xf32>
        %add3A_650 = arith.addf %mul3A_648, %mul3A_649 : vector<16xf32>
        %swap3A_651 = arith.constant 39 : i32
        %swap3A_652 = arith.index_cast %swap3A_651 : i32 to index
        %swap3A_653 = arith.index_cast %mul3A_131 : i32 to index
        %swap3A_654 = tpu.vector_load %arg14[%swap3A_652, %swap3A_653] {strides = array<i32>} : memref<64x128xf32, #tpu.memory_space<vmem>>, vector<16xf32>,
        tpu.vector_store %arg14[%swap3A_652, %swap3A_653], %add3A_650 {strides = array<i32>} : memref<64x128xf32, #tpu.memory_space<vmem>>, vector<16xf32>,
        %broadcast_in_dim3A_655 = arith.constant 40 : i32
        %broadcast_in_dim3A_656 = vector.broadcast %broadcast_in_dim3A_655 : i32 to vector<16xi32>
        %gather3A_657 = tpu.vector_load_idx %arg12[%add3A_137, %broadcast_in_dim3A_656] : memref<128x128xf32, #tpu.memory_space<vmem>>[vector<16xi32>, vector<16xi32>], vector<16xf32>,
        %broadcast_in_dim3A_658 = arith.constant 104 : i32
        %broadcast_in_dim3A_659 = vector.broadcast %broadcast_in_dim3A_658 : i32 to vector<16xi32>
        %gather3A_660 = tpu.vector_load_idx %arg12[%add3A_137, %broadcast_in_dim3A_659] : memref<128x128xf32, #tpu.memory_space<vmem>>[vector<16xi32>, vector<16xi32>], vector<16xf32>,
        %mul3A_661 = arith.mulf %sub3A_135, %gather3A_657 : vector<16xf32>
        %mul3A_662 = arith.mulf %get3A_133, %gather3A_660 : vector<16xf32>
        %add3A_663 = arith.addf %mul3A_661, %mul3A_662 : vector<16xf32>
        %swap3A_664 = arith.constant 40 : i32
        %swap3A_665 = arith.index_cast %swap3A_664 : i32 to index
        %swap3A_666 = arith.index_cast %mul3A_131 : i32 to index
        %swap3A_667 = tpu.vector_load %arg14[%swap3A_665, %swap3A_666] {strides = array<i32>} : memref<64x128xf32, #tpu.memory_space<vmem>>, vector<16xf32>,
        tpu.vector_store %arg14[%swap3A_665, %swap3A_666], %add3A_663 {strides = array<i32>} : memref<64x128xf32, #tpu.memory_space<vmem>>, vector<16xf32>,
        %broadcast_in_dim3A_668 = arith.constant 41 : i32
        %broadcast_in_dim3A_669 = vector.broadcast %broadcast_in_dim3A_668 : i32 to vector<16xi32>
        %gather3A_670 = tpu.vector_load_idx %arg12[%add3A_137, %broadcast_in_dim3A_669] : memref<128x128xf32, #tpu.memory_space<vmem>>[vector<16xi32>, vector<16xi32>], vector<16xf32>,
        %broadcast_in_dim3A_671 = arith.constant 105 : i32
        %broadcast_in_dim3A_672 = vector.broadcast %broadcast_in_dim3A_671 : i32 to vector<16xi32>
        %gather3A_673 = tpu.vector_load_idx %arg12[%add3A_137, %broadcast_in_dim3A_672] : memref<128x128xf32, #tpu.memory_space<vmem>>[vector<16xi32>, vector<16xi32>], vector<16xf32>,
        %mul3A_674 = arith.mulf %sub3A_135, %gather3A_670 : vector<16xf32>
        %mul3A_675 = arith.mulf %get3A_133, %gather3A_673 : vector<16xf32>
        %add3A_676 = arith.addf %mul3A_674, %mul3A_675 : vector<16xf32>
        %swap3A_677 = arith.constant 41 : i32
        %swap3A_678 = arith.index_cast %swap3A_677 : i32 to index
        %swap3A_679 = arith.index_cast %mul3A_131 : i32 to index
        %swap3A_680 = tpu.vector_load %arg14[%swap3A_678, %swap3A_679] {strides = array<i32>} : memref<64x128xf32, #tpu.memory_space<vmem>>, vector<16xf32>,
        tpu.vector_store %arg14[%swap3A_678, %swap3A_679], %add3A_676 {strides = array<i32>} : memref<64x128xf32, #tpu.memory_space<vmem>>, vector<16xf32>,
        %broadcast_in_dim3A_681 = arith.constant 42 : i32
        %broadcast_in_dim3A_682 = vector.broadcast %broadcast_in_dim3A_681 : i32 to vector<16xi32>
        %gather3A_683 = tpu.vector_load_idx %arg12[%add3A_137, %broadcast_in_dim3A_682] : memref<128x128xf32, #tpu.memory_space<vmem>>[vector<16xi32>, vector<16xi32>], vector<16xf32>,
        %broadcast_in_dim3A_684 = arith.constant 106 : i32
        %broadcast_in_dim3A_685 = vector.broadcast %broadcast_in_dim3A_684 : i32 to vector<16xi32>
        %gather3A_686 = tpu.vector_load_idx %arg12[%add3A_137, %broadcast_in_dim3A_685] : memref<128x128xf32, #tpu.memory_space<vmem>>[vector<16xi32>, vector<16xi32>], vector<16xf32>,
        %mul3A_687 = arith.mulf %sub3A_135, %gather3A_683 : vector<16xf32>
        %mul3A_688 = arith.mulf %get3A_133, %gather3A_686 : vector<16xf32>
        %add3A_689 = arith.addf %mul3A_687, %mul3A_688 : vector<16xf32>
        %swap3A_690 = arith.constant 42 : i32
        %swap3A_691 = arith.index_cast %swap3A_690 : i32 to index
        %swap3A_692 = arith.index_cast %mul3A_131 : i32 to index
        %swap3A_693 = tpu.vector_load %arg14[%swap3A_691, %swap3A_692] {strides = array<i32>} : memref<64x128xf32, #tpu.memory_space<vmem>>, vector<16xf32>,
        tpu.vector_store %arg14[%swap3A_691, %swap3A_692], %add3A_689 {strides = array<i32>} : memref<64x128xf32, #tpu.memory_space<vmem>>, vector<16xf32>,
        %broadcast_in_dim3A_694 = arith.constant 43 : i32
        %broadcast_in_dim3A_695 = vector.broadcast %broadcast_in_dim3A_694 : i32 to vector<16xi32>
        %gather3A_696 = tpu.vector_load_idx %arg12[%add3A_137, %broadcast_in_dim3A_695] : memref<128x128xf32, #tpu.memory_space<vmem>>[vector<16xi32>, vector<16xi32>], vector<16xf32>,
        %broadcast_in_dim3A_697 = arith.constant 107 : i32
        %broadcast_in_dim3A_698 = vector.broadcast %broadcast_in_dim3A_697 : i32 to vector<16xi32>
        %gather3A_699 = tpu.vector_load_idx %arg12[%add3A_137, %broadcast_in_dim3A_698] : memref<128x128xf32, #tpu.memory_space<vmem>>[vector<16xi32>, vector<16xi32>], vector<16xf32>,
        %mul3A_700 = arith.mulf %sub3A_135, %gather3A_696 : vector<16xf32>
        %mul3A_701 = arith.mulf %get3A_133, %gather3A_699 : vector<16xf32>
        %add3A_702 = arith.addf %mul3A_700, %mul3A_701 : vector<16xf32>
        %swap3A_703 = arith.constant 43 : i32
        %swap3A_704 = arith.index_cast %swap3A_703 : i32 to index
        %swap3A_705 = arith.index_cast %mul3A_131 : i32 to index
        %swap3A_706 = tpu.vector_load %arg14[%swap3A_704, %swap3A_705] {strides = array<i32>} : memref<64x128xf32, #tpu.memory_space<vmem>>, vector<16xf32>,
        tpu.vector_store %arg14[%swap3A_704, %swap3A_705], %add3A_702 {strides = array<i32>} : memref<64x128xf32, #tpu.memory_space<vmem>>, vector<16xf32>,
        %broadcast_in_dim3A_707 = arith.constant 44 : i32
        %broadcast_in_dim3A_708 = vector.broadcast %broadcast_in_dim3A_707 : i32 to vector<16xi32>
        %gather3A_709 = tpu.vector_load_idx %arg12[%add3A_137, %broadcast_in_dim3A_708] : memref<128x128xf32, #tpu.memory_space<vmem>>[vector<16xi32>, vector<16xi32>], vector<16xf32>,
        %broadcast_in_dim3A_710 = arith.constant 108 : i32
        %broadcast_in_dim3A_711 = vector.broadcast %broadcast_in_dim3A_710 : i32 to vector<16xi32>
        %gather3A_712 = tpu.vector_load_idx %arg12[%add3A_137, %broadcast_in_dim3A_711] : memref<128x128xf32, #tpu.memory_space<vmem>>[vector<16xi32>, vector<16xi32>], vector<16xf32>,
        %mul3A_713 = arith.mulf %sub3A_135, %gather3A_709 : vector<16xf32>
        %mul3A_714 = arith.mulf %get3A_133, %gather3A_712 : vector<16xf32>
        %add3A_715 = arith.addf %mul3A_713, %mul3A_714 : vector<16xf32>
        %swap3A_716 = arith.constant 44 : i32
        %swap3A_717 = arith.index_cast %swap3A_716 : i32 to index
        %swap3A_718 = arith.index_cast %mul3A_131 : i32 to index
        %swap3A_719 = tpu.vector_load %arg14[%swap3A_717, %swap3A_718] {strides = array<i32>} : memref<64x128xf32, #tpu.memory_space<vmem>>, vector<16xf32>,
        tpu.vector_store %arg14[%swap3A_717, %swap3A_718], %add3A_715 {strides = array<i32>} : memref<64x128xf32, #tpu.memory_space<vmem>>, vector<16xf32>,
        %broadcast_in_dim3A_720 = arith.constant 45 : i32
        %broadcast_in_dim3A_721 = vector.broadcast %broadcast_in_dim3A_720 : i32 to vector<16xi32>
        %gather3A_722 = tpu.vector_load_idx %arg12[%add3A_137, %broadcast_in_dim3A_721] : memref<128x128xf32, #tpu.memory_space<vmem>>[vector<16xi32>, vector<16xi32>], vector<16xf32>,
        %broadcast_in_dim3A_723 = arith.constant 109 : i32
        %broadcast_in_dim3A_724 = vector.broadcast %broadcast_in_dim3A_723 : i32 to vector<16xi32>
        %gather3A_725 = tpu.vector_load_idx %arg12[%add3A_137, %broadcast_in_dim3A_724] : memref<128x128xf32, #tpu.memory_space<vmem>>[vector<16xi32>, vector<16xi32>], vector<16xf32>,
        %mul3A_726 = arith.mulf %sub3A_135, %gather3A_722 : vector<16xf32>
        %mul3A_727 = arith.mulf %get3A_133, %gather3A_725 : vector<16xf32>
        %add3A_728 = arith.addf %mul3A_726, %mul3A_727 : vector<16xf32>
        %swap3A_729 = arith.constant 45 : i32
        %swap3A_730 = arith.index_cast %swap3A_729 : i32 to index
        %swap3A_731 = arith.index_cast %mul3A_131 : i32 to index
        %swap3A_732 = tpu.vector_load %arg14[%swap3A_730, %swap3A_731] {strides = array<i32>} : memref<64x128xf32, #tpu.memory_space<vmem>>, vector<16xf32>,
        tpu.vector_store %arg14[%swap3A_730, %swap3A_731], %add3A_728 {strides = array<i32>} : memref<64x128xf32, #tpu.memory_space<vmem>>, vector<16xf32>,
        %broadcast_in_dim3A_733 = arith.constant 46 : i32
        %broadcast_in_dim3A_734 = vector.broadcast %broadcast_in_dim3A_733 : i32 to vector<16xi32>
        %gather3A_735 = tpu.vector_load_idx %arg12[%add3A_137, %broadcast_in_dim3A_734] : memref<128x128xf32, #tpu.memory_space<vmem>>[vector<16xi32>, vector<16xi32>], vector<16xf32>,
        %broadcast_in_dim3A_736 = arith.constant 110 : i32
        %broadcast_in_dim3A_737 = vector.broadcast %broadcast_in_dim3A_736 : i32 to vector<16xi32>
        %gather3A_738 = tpu.vector_load_idx %arg12[%add3A_137, %broadcast_in_dim3A_737] : memref<128x128xf32, #tpu.memory_space<vmem>>[vector<16xi32>, vector<16xi32>], vector<16xf32>,
        %mul3A_739 = arith.mulf %sub3A_135, %gather3A_735 : vector<16xf32>
        %mul3A_740 = arith.mulf %get3A_133, %gather3A_738 : vector<16xf32>
        %add3A_741 = arith.addf %mul3A_739, %mul3A_740 : vector<16xf32>
        %swap3A_742 = arith.constant 46 : i32
        %swap3A_743 = arith.index_cast %swap3A_742 : i32 to index
        %swap3A_744 = arith.index_cast %mul3A_131 : i32 to index
        %swap3A_745 = tpu.vector_load %arg14[%swap3A_743, %swap3A_744] {strides = array<i32>} : memref<64x128xf32, #tpu.memory_space<vmem>>, vector<16xf32>,
        tpu.vector_store %arg14[%swap3A_743, %swap3A_744], %add3A_741 {strides = array<i32>} : memref<64x128xf32, #tpu.memory_space<vmem>>, vector<16xf32>,
        %broadcast_in_dim3A_746 = arith.constant 47 : i32
        %broadcast_in_dim3A_747 = vector.broadcast %broadcast_in_dim3A_746 : i32 to vector<16xi32>
        %gather3A_748 = tpu.vector_load_idx %arg12[%add3A_137, %broadcast_in_dim3A_747] : memref<128x128xf32, #tpu.memory_space<vmem>>[vector<16xi32>, vector<16xi32>], vector<16xf32>,
        %broadcast_in_dim3A_749 = arith.constant 111 : i32
        %broadcast_in_dim3A_750 = vector.broadcast %broadcast_in_dim3A_749 : i32 to vector<16xi32>
        %gather3A_751 = tpu.vector_load_idx %arg12[%add3A_137, %broadcast_in_dim3A_750] : memref<128x128xf32, #tpu.memory_space<vmem>>[vector<16xi32>, vector<16xi32>], vector<16xf32>,
        %mul3A_752 = arith.mulf %sub3A_135, %gather3A_748 : vector<16xf32>
        %mul3A_753 = arith.mulf %get3A_133, %gather3A_751 : vector<16xf32>
        %add3A_754 = arith.addf %mul3A_752, %mul3A_753 : vector<16xf32>
        %swap3A_755 = arith.constant 47 : i32
        %swap3A_756 = arith.index_cast %swap3A_755 : i32 to index
        %swap3A_757 = arith.index_cast %mul3A_131 : i32 to index
        %swap3A_758 = tpu.vector_load %arg14[%swap3A_756, %swap3A_757] {strides = array<i32>} : memref<64x128xf32, #tpu.memory_space<vmem>>, vector<16xf32>,
        tpu.vector_store %arg14[%swap3A_756, %swap3A_757], %add3A_754 {strides = array<i32>} : memref<64x128xf32, #tpu.memory_space<vmem>>, vector<16xf32>,
        %broadcast_in_dim3A_759 = arith.constant 48 : i32
        %broadcast_in_dim3A_760 = vector.broadcast %broadcast_in_dim3A_759 : i32 to vector<16xi32>
        %gather3A_761 = tpu.vector_load_idx %arg12[%add3A_137, %broadcast_in_dim3A_760] : memref<128x128xf32, #tpu.memory_space<vmem>>[vector<16xi32>, vector<16xi32>], vector<16xf32>,
        %broadcast_in_dim3A_762 = arith.constant 112 : i32
        %broadcast_in_dim3A_763 = vector.broadcast %broadcast_in_dim3A_762 : i32 to vector<16xi32>
        %gather3A_764 = tpu.vector_load_idx %arg12[%add3A_137, %broadcast_in_dim3A_763] : memref<128x128xf32, #tpu.memory_space<vmem>>[vector<16xi32>, vector<16xi32>], vector<16xf32>,
        %mul3A_765 = arith.mulf %sub3A_135, %gather3A_761 : vector<16xf32>
        %mul3A_766 = arith.mulf %get3A_133, %gather3A_764 : vector<16xf32>
        %add3A_767 = arith.addf %mul3A_765, %mul3A_766 : vector<16xf32>
        %swap3A_768 = arith.constant 48 : i32
        %swap3A_769 = arith.index_cast %swap3A_768 : i32 to index
        %swap3A_770 = arith.index_cast %mul3A_131 : i32 to index
        %swap3A_771 = tpu.vector_load %arg14[%swap3A_769, %swap3A_770] {strides = array<i32>} : memref<64x128xf32, #tpu.memory_space<vmem>>, vector<16xf32>,
        tpu.vector_store %arg14[%swap3A_769, %swap3A_770], %add3A_767 {strides = array<i32>} : memref<64x128xf32, #tpu.memory_space<vmem>>, vector<16xf32>,
        %broadcast_in_dim3A_772 = arith.constant 49 : i32
        %broadcast_in_dim3A_773 = vector.broadcast %broadcast_in_dim3A_772 : i32 to vector<16xi32>
        %gather3A_774 = tpu.vector_load_idx %arg12[%add3A_137, %broadcast_in_dim3A_773] : memref<128x128xf32, #tpu.memory_space<vmem>>[vector<16xi32>, vector<16xi32>], vector<16xf32>,
        %broadcast_in_dim3A_775 = arith.constant 113 : i32
        %broadcast_in_dim3A_776 = vector.broadcast %broadcast_in_dim3A_775 : i32 to vector<16xi32>
        %gather3A_777 = tpu.vector_load_idx %arg12[%add3A_137, %broadcast_in_dim3A_776] : memref<128x128xf32, #tpu.memory_space<vmem>>[vector<16xi32>, vector<16xi32>], vector<16xf32>,
        %mul3A_778 = arith.mulf %sub3A_135, %gather3A_774 : vector<16xf32>
        %mul3A_779 = arith.mulf %get3A_133, %gather3A_777 : vector<16xf32>
        %add3A_780 = arith.addf %mul3A_778, %mul3A_779 : vector<16xf32>
        %swap3A_781 = arith.constant 49 : i32
        %swap3A_782 = arith.index_cast %swap3A_781 : i32 to index
        %swap3A_783 = arith.index_cast %mul3A_131 : i32 to index
        %swap3A_784 = tpu.vector_load %arg14[%swap3A_782, %swap3A_783] {strides = array<i32>} : memref<64x128xf32, #tpu.memory_space<vmem>>, vector<16xf32>,
        tpu.vector_store %arg14[%swap3A_782, %swap3A_783], %add3A_780 {strides = array<i32>} : memref<64x128xf32, #tpu.memory_space<vmem>>, vector<16xf32>,
        %broadcast_in_dim3A_785 = arith.constant 50 : i32
        %broadcast_in_dim3A_786 = vector.broadcast %broadcast_in_dim3A_785 : i32 to vector<16xi32>
        %gather3A_787 = tpu.vector_load_idx %arg12[%add3A_137, %broadcast_in_dim3A_786] : memref<128x128xf32, #tpu.memory_space<vmem>>[vector<16xi32>, vector<16xi32>], vector<16xf32>,
        %broadcast_in_dim3A_788 = arith.constant 114 : i32
        %broadcast_in_dim3A_789 = vector.broadcast %broadcast_in_dim3A_788 : i32 to vector<16xi32>
        %gather3A_790 = tpu.vector_load_idx %arg12[%add3A_137, %broadcast_in_dim3A_789] : memref<128x128xf32, #tpu.memory_space<vmem>>[vector<16xi32>, vector<16xi32>], vector<16xf32>,
        %mul3A_791 = arith.mulf %sub3A_135, %gather3A_787 : vector<16xf32>
        %mul3A_792 = arith.mulf %get3A_133, %gather3A_790 : vector<16xf32>
        %add3A_793 = arith.addf %mul3A_791, %mul3A_792 : vector<16xf32>
        %swap3A_794 = arith.constant 50 : i32
        %swap3A_795 = arith.index_cast %swap3A_794 : i32 to index
        %swap3A_796 = arith.index_cast %mul3A_131 : i32 to index
        %swap3A_797 = tpu.vector_load %arg14[%swap3A_795, %swap3A_796] {strides = array<i32>} : memref<64x128xf32, #tpu.memory_space<vmem>>, vector<16xf32>,
        tpu.vector_store %arg14[%swap3A_795, %swap3A_796], %add3A_793 {strides = array<i32>} : memref<64x128xf32, #tpu.memory_space<vmem>>, vector<16xf32>,
        %broadcast_in_dim3A_798 = arith.constant 51 : i32
        %broadcast_in_dim3A_799 = vector.broadcast %broadcast_in_dim3A_798 : i32 to vector<16xi32>
        %gather3A_800 = tpu.vector_load_idx %arg12[%add3A_137, %broadcast_in_dim3A_799] : memref<128x128xf32, #tpu.memory_space<vmem>>[vector<16xi32>, vector<16xi32>], vector<16xf32>,
        %broadcast_in_dim3A_801 = arith.constant 115 : i32
        %broadcast_in_dim3A_802 = vector.broadcast %broadcast_in_dim3A_801 : i32 to vector<16xi32>
        %gather3A_803 = tpu.vector_load_idx %arg12[%add3A_137, %broadcast_in_dim3A_802] : memref<128x128xf32, #tpu.memory_space<vmem>>[vector<16xi32>, vector<16xi32>], vector<16xf32>,
        %mul3A_804 = arith.mulf %sub3A_135, %gather3A_800 : vector<16xf32>
        %mul3A_805 = arith.mulf %get3A_133, %gather3A_803 : vector<16xf32>
        %add3A_806 = arith.addf %mul3A_804, %mul3A_805 : vector<16xf32>
        %swap3A_807 = arith.constant 51 : i32
        %swap3A_808 = arith.index_cast %swap3A_807 : i32 to index
        %swap3A_809 = arith.index_cast %mul3A_131 : i32 to index
        %swap3A_810 = tpu.vector_load %arg14[%swap3A_808, %swap3A_809] {strides = array<i32>} : memref<64x128xf32, #tpu.memory_space<vmem>>, vector<16xf32>,
        tpu.vector_store %arg14[%swap3A_808, %swap3A_809], %add3A_806 {strides = array<i32>} : memref<64x128xf32, #tpu.memory_space<vmem>>, vector<16xf32>,
        %broadcast_in_dim3A_811 = arith.constant 52 : i32
        %broadcast_in_dim3A_812 = vector.broadcast %broadcast_in_dim3A_811 : i32 to vector<16xi32>
        %gather3A_813 = tpu.vector_load_idx %arg12[%add3A_137, %broadcast_in_dim3A_812] : memref<128x128xf32, #tpu.memory_space<vmem>>[vector<16xi32>, vector<16xi32>], vector<16xf32>,
        %broadcast_in_dim3A_814 = arith.constant 116 : i32
        %broadcast_in_dim3A_815 = vector.broadcast %broadcast_in_dim3A_814 : i32 to vector<16xi32>
        %gather3A_816 = tpu.vector_load_idx %arg12[%add3A_137, %broadcast_in_dim3A_815] : memref<128x128xf32, #tpu.memory_space<vmem>>[vector<16xi32>, vector<16xi32>], vector<16xf32>,
        %mul3A_817 = arith.mulf %sub3A_135, %gather3A_813 : vector<16xf32>
        %mul3A_818 = arith.mulf %get3A_133, %gather3A_816 : vector<16xf32>
        %add3A_819 = arith.addf %mul3A_817, %mul3A_818 : vector<16xf32>
        %swap3A_820 = arith.constant 52 : i32
        %swap3A_821 = arith.index_cast %swap3A_820 : i32 to index
        %swap3A_822 = arith.index_cast %mul3A_131 : i32 to index
        %swap3A_823 = tpu.vector_load %arg14[%swap3A_821, %swap3A_822] {strides = array<i32>} : memref<64x128xf32, #tpu.memory_space<vmem>>, vector<16xf32>,
        tpu.vector_store %arg14[%swap3A_821, %swap3A_822], %add3A_819 {strides = array<i32>} : memref<64x128xf32, #tpu.memory_space<vmem>>, vector<16xf32>,
        %broadcast_in_dim3A_824 = arith.constant 53 : i32
        %broadcast_in_dim3A_825 = vector.broadcast %broadcast_in_dim3A_824 : i32 to vector<16xi32>
        %gather3A_826 = tpu.vector_load_idx %arg12[%add3A_137, %broadcast_in_dim3A_825] : memref<128x128xf32, #tpu.memory_space<vmem>>[vector<16xi32>, vector<16xi32>], vector<16xf32>,
        %broadcast_in_dim3A_827 = arith.constant 117 : i32
        %broadcast_in_dim3A_828 = vector.broadcast %broadcast_in_dim3A_827 : i32 to vector<16xi32>
        %gather3A_829 = tpu.vector_load_idx %arg12[%add3A_137, %broadcast_in_dim3A_828] : memref<128x128xf32, #tpu.memory_space<vmem>>[vector<16xi32>, vector<16xi32>], vector<16xf32>,
        %mul3A_830 = arith.mulf %sub3A_135, %gather3A_826 : vector<16xf32>
        %mul3A_831 = arith.mulf %get3A_133, %gather3A_829 : vector<16xf32>
        %add3A_832 = arith.addf %mul3A_830, %mul3A_831 : vector<16xf32>
        %swap3A_833 = arith.constant 53 : i32
        %swap3A_834 = arith.index_cast %swap3A_833 : i32 to index
        %swap3A_835 = arith.index_cast %mul3A_131 : i32 to index
        %swap3A_836 = tpu.vector_load %arg14[%swap3A_834, %swap3A_835] {strides = array<i32>} : memref<64x128xf32, #tpu.memory_space<vmem>>, vector<16xf32>,
        tpu.vector_store %arg14[%swap3A_834, %swap3A_835], %add3A_832 {strides = array<i32>} : memref<64x128xf32, #tpu.memory_space<vmem>>, vector<16xf32>,
        %broadcast_in_dim3A_837 = arith.constant 54 : i32
        %broadcast_in_dim3A_838 = vector.broadcast %broadcast_in_dim3A_837 : i32 to vector<16xi32>
        %gather3A_839 = tpu.vector_load_idx %arg12[%add3A_137, %broadcast_in_dim3A_838] : memref<128x128xf32, #tpu.memory_space<vmem>>[vector<16xi32>, vector<16xi32>], vector<16xf32>,
        %broadcast_in_dim3A_840 = arith.constant 118 : i32
        %broadcast_in_dim3A_841 = vector.broadcast %broadcast_in_dim3A_840 : i32 to vector<16xi32>
        %gather3A_842 = tpu.vector_load_idx %arg12[%add3A_137, %broadcast_in_dim3A_841] : memref<128x128xf32, #tpu.memory_space<vmem>>[vector<16xi32>, vector<16xi32>], vector<16xf32>,
        %mul3A_843 = arith.mulf %sub3A_135, %gather3A_839 : vector<16xf32>
        %mul3A_844 = arith.mulf %get3A_133, %gather3A_842 : vector<16xf32>
        %add3A_845 = arith.addf %mul3A_843, %mul3A_844 : vector<16xf32>
        %swap3A_846 = arith.constant 54 : i32
        %swap3A_847 = arith.index_cast %swap3A_846 : i32 to index
        %swap3A_848 = arith.index_cast %mul3A_131 : i32 to index
        %swap3A_849 = tpu.vector_load %arg14[%swap3A_847, %swap3A_848] {strides = array<i32>} : memref<64x128xf32, #tpu.memory_space<vmem>>, vector<16xf32>,
        tpu.vector_store %arg14[%swap3A_847, %swap3A_848], %add3A_845 {strides = array<i32>} : memref<64x128xf32, #tpu.memory_space<vmem>>, vector<16xf32>,
        %broadcast_in_dim3A_850 = arith.constant 55 : i32
        %broadcast_in_dim3A_851 = vector.broadcast %broadcast_in_dim3A_850 : i32 to vector<16xi32>
        %gather3A_852 = tpu.vector_load_idx %arg12[%add3A_137, %broadcast_in_dim3A_851] : memref<128x128xf32, #tpu.memory_space<vmem>>[vector<16xi32>, vector<16xi32>], vector<16xf32>,
        %broadcast_in_dim3A_853 = arith.constant 119 : i32
        %broadcast_in_dim3A_854 = vector.broadcast %broadcast_in_dim3A_853 : i32 to vector<16xi32>
        %gather3A_855 = tpu.vector_load_idx %arg12[%add3A_137, %broadcast_in_dim3A_854] : memref<128x128xf32, #tpu.memory_space<vmem>>[vector<16xi32>, vector<16xi32>], vector<16xf32>,
        %mul3A_856 = arith.mulf %sub3A_135, %gather3A_852 : vector<16xf32>
        %mul3A_857 = arith.mulf %get3A_133, %gather3A_855 : vector<16xf32>
        %add3A_858 = arith.addf %mul3A_856, %mul3A_857 : vector<16xf32>
        %swap3A_859 = arith.constant 55 : i32
        %swap3A_860 = arith.index_cast %swap3A_859 : i32 to index
        %swap3A_861 = arith.index_cast %mul3A_131 : i32 to index
        %swap3A_862 = tpu.vector_load %arg14[%swap3A_860, %swap3A_861] {strides = array<i32>} : memref<64x128xf32, #tpu.memory_space<vmem>>, vector<16xf32>,
        tpu.vector_store %arg14[%swap3A_860, %swap3A_861], %add3A_858 {strides = array<i32>} : memref<64x128xf32, #tpu.memory_space<vmem>>, vector<16xf32>,
        %broadcast_in_dim3A_863 = arith.constant 56 : i32
        %broadcast_in_dim3A_864 = vector.broadcast %broadcast_in_dim3A_863 : i32 to vector<16xi32>
        %gather3A_865 = tpu.vector_load_idx %arg12[%add3A_137, %broadcast_in_dim3A_864] : memref<128x128xf32, #tpu.memory_space<vmem>>[vector<16xi32>, vector<16xi32>], vector<16xf32>,
        %broadcast_in_dim3A_866 = arith.constant 120 : i32
        %broadcast_in_dim3A_867 = vector.broadcast %broadcast_in_dim3A_866 : i32 to vector<16xi32>
        %gather3A_868 = tpu.vector_load_idx %arg12[%add3A_137, %broadcast_in_dim3A_867] : memref<128x128xf32, #tpu.memory_space<vmem>>[vector<16xi32>, vector<16xi32>], vector<16xf32>,
        %mul3A_869 = arith.mulf %sub3A_135, %gather3A_865 : vector<16xf32>
        %mul3A_870 = arith.mulf %get3A_133, %gather3A_868 : vector<16xf32>
        %add3A_871 = arith.addf %mul3A_869, %mul3A_870 : vector<16xf32>
        %swap3A_872 = arith.constant 56 : i32
        %swap3A_873 = arith.index_cast %swap3A_872 : i32 to index
        %swap3A_874 = arith.index_cast %mul3A_131 : i32 to index
        %swap3A_875 = tpu.vector_load %arg14[%swap3A_873, %swap3A_874] {strides = array<i32>} : memref<64x128xf32, #tpu.memory_space<vmem>>, vector<16xf32>,
        tpu.vector_store %arg14[%swap3A_873, %swap3A_874], %add3A_871 {strides = array<i32>} : memref<64x128xf32, #tpu.memory_space<vmem>>, vector<16xf32>,
        %broadcast_in_dim3A_876 = arith.constant 57 : i32
        %broadcast_in_dim3A_877 = vector.broadcast %broadcast_in_dim3A_876 : i32 to vector<16xi32>
        %gather3A_878 = tpu.vector_load_idx %arg12[%add3A_137, %broadcast_in_dim3A_877] : memref<128x128xf32, #tpu.memory_space<vmem>>[vector<16xi32>, vector<16xi32>], vector<16xf32>,
        %broadcast_in_dim3A_879 = arith.constant 121 : i32
        %broadcast_in_dim3A_880 = vector.broadcast %broadcast_in_dim3A_879 : i32 to vector<16xi32>
        %gather3A_881 = tpu.vector_load_idx %arg12[%add3A_137, %broadcast_in_dim3A_880] : memref<128x128xf32, #tpu.memory_space<vmem>>[vector<16xi32>, vector<16xi32>], vector<16xf32>,
        %mul3A_882 = arith.mulf %sub3A_135, %gather3A_878 : vector<16xf32>
        %mul3A_883 = arith.mulf %get3A_133, %gather3A_881 : vector<16xf32>
        %add3A_884 = arith.addf %mul3A_882, %mul3A_883 : vector<16xf32>
        %swap3A_885 = arith.constant 57 : i32
        %swap3A_886 = arith.index_cast %swap3A_885 : i32 to index
        %swap3A_887 = arith.index_cast %mul3A_131 : i32 to index
        %swap3A_888 = tpu.vector_load %arg14[%swap3A_886, %swap3A_887] {strides = array<i32>} : memref<64x128xf32, #tpu.memory_space<vmem>>, vector<16xf32>,
        tpu.vector_store %arg14[%swap3A_886, %swap3A_887], %add3A_884 {strides = array<i32>} : memref<64x128xf32, #tpu.memory_space<vmem>>, vector<16xf32>,
        %broadcast_in_dim3A_889 = arith.constant 58 : i32
        %broadcast_in_dim3A_890 = vector.broadcast %broadcast_in_dim3A_889 : i32 to vector<16xi32>
        %gather3A_891 = tpu.vector_load_idx %arg12[%add3A_137, %broadcast_in_dim3A_890] : memref<128x128xf32, #tpu.memory_space<vmem>>[vector<16xi32>, vector<16xi32>], vector<16xf32>,
        %broadcast_in_dim3A_892 = arith.constant 122 : i32
        %broadcast_in_dim3A_893 = vector.broadcast %broadcast_in_dim3A_892 : i32 to vector<16xi32>
        %gather3A_894 = tpu.vector_load_idx %arg12[%add3A_137, %broadcast_in_dim3A_893] : memref<128x128xf32, #tpu.memory_space<vmem>>[vector<16xi32>, vector<16xi32>], vector<16xf32>,
        %mul3A_895 = arith.mulf %sub3A_135, %gather3A_891 : vector<16xf32>
        %mul3A_896 = arith.mulf %get3A_133, %gather3A_894 : vector<16xf32>
        %add3A_897 = arith.addf %mul3A_895, %mul3A_896 : vector<16xf32>
        %swap3A_898 = arith.constant 58 : i32
        %swap3A_899 = arith.index_cast %swap3A_898 : i32 to index
        %swap3A_900 = arith.index_cast %mul3A_131 : i32 to index
        %swap3A_901 = tpu.vector_load %arg14[%swap3A_899, %swap3A_900] {strides = array<i32>} : memref<64x128xf32, #tpu.memory_space<vmem>>, vector<16xf32>,
        tpu.vector_store %arg14[%swap3A_899, %swap3A_900], %add3A_897 {strides = array<i32>} : memref<64x128xf32, #tpu.memory_space<vmem>>, vector<16xf32>,
        %broadcast_in_dim3A_902 = arith.constant 59 : i32
        %broadcast_in_dim3A_903 = vector.broadcast %broadcast_in_dim3A_902 : i32 to vector<16xi32>
        %gather3A_904 = tpu.vector_load_idx %arg12[%add3A_137, %broadcast_in_dim3A_903] : memref<128x128xf32, #tpu.memory_space<vmem>>[vector<16xi32>, vector<16xi32>], vector<16xf32>,
        %broadcast_in_dim3A_905 = arith.constant 123 : i32
        %broadcast_in_dim3A_906 = vector.broadcast %broadcast_in_dim3A_905 : i32 to vector<16xi32>
        %gather3A_907 = tpu.vector_load_idx %arg12[%add3A_137, %broadcast_in_dim3A_906] : memref<128x128xf32, #tpu.memory_space<vmem>>[vector<16xi32>, vector<16xi32>], vector<16xf32>,
        %mul3A_908 = arith.mulf %sub3A_135, %gather3A_904 : vector<16xf32>
        %mul3A_909 = arith.mulf %get3A_133, %gather3A_907 : vector<16xf32>
        %add3A_910 = arith.addf %mul3A_908, %mul3A_909 : vector<16xf32>
        %swap3A_911 = arith.constant 59 : i32
        %swap3A_912 = arith.index_cast %swap3A_911 : i32 to index
        %swap3A_913 = arith.index_cast %mul3A_131 : i32 to index
        %swap3A_914 = tpu.vector_load %arg14[%swap3A_912, %swap3A_913] {strides = array<i32>} : memref<64x128xf32, #tpu.memory_space<vmem>>, vector<16xf32>,
        tpu.vector_store %arg14[%swap3A_912, %swap3A_913], %add3A_910 {strides = array<i32>} : memref<64x128xf32, #tpu.memory_space<vmem>>, vector<16xf32>,
        %broadcast_in_dim3A_915 = arith.constant 60 : i32
        %broadcast_in_dim3A_916 = vector.broadcast %broadcast_in_dim3A_915 : i32 to vector<16xi32>
        %gather3A_917 = tpu.vector_load_idx %arg12[%add3A_137, %broadcast_in_dim3A_916] : memref<128x128xf32, #tpu.memory_space<vmem>>[vector<16xi32>, vector<16xi32>], vector<16xf32>,
        %broadcast_in_dim3A_918 = arith.constant 124 : i32
        %broadcast_in_dim3A_919 = vector.broadcast %broadcast_in_dim3A_918 : i32 to vector<16xi32>
        %gather3A_920 = tpu.vector_load_idx %arg12[%add3A_137, %broadcast_in_dim3A_919] : memref<128x128xf32, #tpu.memory_space<vmem>>[vector<16xi32>, vector<16xi32>], vector<16xf32>,
        %mul3A_921 = arith.mulf %sub3A_135, %gather3A_917 : vector<16xf32>
        %mul3A_922 = arith.mulf %get3A_133, %gather3A_920 : vector<16xf32>
        %add3A_923 = arith.addf %mul3A_921, %mul3A_922 : vector<16xf32>
        %swap3A_924 = arith.constant 60 : i32
        %swap3A_925 = arith.index_cast %swap3A_924 : i32 to index
        %swap3A_926 = arith.index_cast %mul3A_131 : i32 to index
        %swap3A_927 = tpu.vector_load %arg14[%swap3A_925, %swap3A_926] {strides = array<i32>} : memref<64x128xf32, #tpu.memory_space<vmem>>, vector<16xf32>,
        tpu.vector_store %arg14[%swap3A_925, %swap3A_926], %add3A_923 {strides = array<i32>} : memref<64x128xf32, #tpu.memory_space<vmem>>, vector<16xf32>,
        %broadcast_in_dim3A_928 = arith.constant 61 : i32
        %broadcast_in_dim3A_929 = vector.broadcast %broadcast_in_dim3A_928 : i32 to vector<16xi32>
        %gather3A_930 = tpu.vector_load_idx %arg12[%add3A_137, %broadcast_in_dim3A_929] : memref<128x128xf32, #tpu.memory_space<vmem>>[vector<16xi32>, vector<16xi32>], vector<16xf32>,
        %broadcast_in_dim3A_931 = arith.constant 125 : i32
        %broadcast_in_dim3A_932 = vector.broadcast %broadcast_in_dim3A_931 : i32 to vector<16xi32>
        %gather3A_933 = tpu.vector_load_idx %arg12[%add3A_137, %broadcast_in_dim3A_932] : memref<128x128xf32, #tpu.memory_space<vmem>>[vector<16xi32>, vector<16xi32>], vector<16xf32>,
        %mul3A_934 = arith.mulf %sub3A_135, %gather3A_930 : vector<16xf32>
        %mul3A_935 = arith.mulf %get3A_133, %gather3A_933 : vector<16xf32>
        %add3A_936 = arith.addf %mul3A_934, %mul3A_935 : vector<16xf32>
        %swap3A_937 = arith.constant 61 : i32
        %swap3A_938 = arith.index_cast %swap3A_937 : i32 to index
        %swap3A_939 = arith.index_cast %mul3A_131 : i32 to index
        %swap3A_940 = tpu.vector_load %arg14[%swap3A_938, %swap3A_939] {strides = array<i32>} : memref<64x128xf32, #tpu.memory_space<vmem>>, vector<16xf32>,
        tpu.vector_store %arg14[%swap3A_938, %swap3A_939], %add3A_936 {strides = array<i32>} : memref<64x128xf32, #tpu.memory_space<vmem>>, vector<16xf32>,
        %broadcast_in_dim3A_941 = arith.constant 62 : i32
        %broadcast_in_dim3A_942 = vector.broadcast %broadcast_in_dim3A_941 : i32 to vector<16xi32>
        %gather3A_943 = tpu.vector_load_idx %arg12[%add3A_137, %broadcast_in_dim3A_942] : memref<128x128xf32, #tpu.memory_space<vmem>>[vector<16xi32>, vector<16xi32>], vector<16xf32>,
        %broadcast_in_dim3A_944 = arith.constant 126 : i32
        %broadcast_in_dim3A_945 = vector.broadcast %broadcast_in_dim3A_944 : i32 to vector<16xi32>
        %gather3A_946 = tpu.vector_load_idx %arg12[%add3A_137, %broadcast_in_dim3A_945] : memref<128x128xf32, #tpu.memory_space<vmem>>[vector<16xi32>, vector<16xi32>], vector<16xf32>,
        %mul3A_947 = arith.mulf %sub3A_135, %gather3A_943 : vector<16xf32>
        %mul3A_948 = arith.mulf %get3A_133, %gather3A_946 : vector<16xf32>
        %add3A_949 = arith.addf %mul3A_947, %mul3A_948 : vector<16xf32>
        %swap3A_950 = arith.constant 62 : i32
        %swap3A_951 = arith.index_cast %swap3A_950 : i32 to index
        %swap3A_952 = arith.index_cast %mul3A_131 : i32 to index
        %swap3A_953 = tpu.vector_load %arg14[%swap3A_951, %swap3A_952] {strides = array<i32>} : memref<64x128xf32, #tpu.memory_space<vmem>>, vector<16xf32>,
        tpu.vector_store %arg14[%swap3A_951, %swap3A_952], %add3A_949 {strides = array<i32>} : memref<64x128xf32, #tpu.memory_space<vmem>>, vector<16xf32>,
        %broadcast_in_dim3A_954 = arith.constant 63 : i32
        %broadcast_in_dim3A_955 = vector.broadcast %broadcast_in_dim3A_954 : i32 to vector<16xi32>
        %gather3A_956 = tpu.vector_load_idx %arg12[%add3A_137, %broadcast_in_dim3A_955] : memref<128x128xf32, #tpu.memory_space<vmem>>[vector<16xi32>, vector<16xi32>], vector<16xf32>,
        %broadcast_in_dim3A_957 = arith.constant 127 : i32
        %broadcast_in_dim3A_958 = vector.broadcast %broadcast_in_dim3A_957 : i32 to vector<16xi32>
        %gather3A_959 = tpu.vector_load_idx %arg12[%add3A_137, %broadcast_in_dim3A_958] : memref<128x128xf32, #tpu.memory_space<vmem>>[vector<16xi32>, vector<16xi32>], vector<16xf32>,
        %mul3A_960 = arith.mulf %sub3A_135, %gather3A_956 : vector<16xf32>
        %mul3A_961 = arith.mulf %get3A_133, %gather3A_959 : vector<16xf32>
        %add3A_962 = arith.addf %mul3A_960, %mul3A_961 : vector<16xf32>
        %swap3A_963 = arith.constant 63 : i32
        %swap3A_964 = arith.index_cast %swap3A_963 : i32 to index
        %swap3A_965 = arith.index_cast %mul3A_131 : i32 to index
        %swap3A_966 = tpu.vector_load %arg14[%swap3A_964, %swap3A_965] {strides = array<i32>} : memref<64x128xf32, #tpu.memory_space<vmem>>, vector<16xf32>,
        tpu.vector_store %arg14[%swap3A_964, %swap3A_965], %add3A_962 {strides = array<i32>} : memref<64x128xf32, #tpu.memory_space<vmem>>, vector<16xf32>,
        %scan3A_967 = arith.constant 0 : i32
        scf.yield %scan3A_967 : i32
      }
      %scan3A_80 = arith.constant 8 : i32
      %mul3A_81 = arith.constant 128 : i32
      %mul3A_82 = arith.muli %mul3A_42, %mul3A_81 : i32
      %add3A_83 = arith.addi %mul3A_2, %mul3A_82 : i32
      %dma_start3A_84 = arith.constant 0 : i32
      %dma_start3A_85 = tpu.memref_slice %arg5[%dma_start3A_84, %add3A_83] : memref<64x819200xf32, #tpu.memory_space<hbm>> -> memref<64x128xf32, #tpu.memory_space<hbm>>
      %dma_start3A_86 = arith.constant 0 : i32
      %dma_start3A_87 = tpu.memref_slice %arg5[%dma_start3A_86, %add3A_83] : memref<64x819200xf32, #tpu.memory_space<hbm>> -> memref<64x128xf32, #tpu.memory_space<hbm>>
      tpu.enqueue_dma source(%arg14 : memref<64x128xf32, #tpu.memory_space<vmem>>) target(%dma_start3A_87 : memref<64x128xf32, #tpu.memory_space<hbm>>) target_semaphore(%arg18 : memref<!tpu.dma_semaphore, #tpu.memory_space<semaphore_mem>>)
      %add3A_88 = arith.constant 2 : i32
      %add3A_89 = arith.addi %mul3A_42, %add3A_88 : i32
      %lt3A = arith.constant 200 : i32
      %lt3A_90 = arith.cmpi slt, %add3A_89, %lt3A : i32
      %convert_element_type3A_91 = arith.extui %lt3A_90 : i1 to i32
      %cond3A_92 = arith.constant 0 : i32
      %cond3A_93 = arith.cmpi ne, %convert_element_type3A_91, %cond3A_92 : i32
      scf.if %cond3A_93 {
        %add3A_128 = arith.constant 2 : i32
        %add3A_129 = arith.addi %mul3A_42, %add3A_128 : i32
        %scan3A_130 = arith.constant 0 : i32
        %scan3A_131 = arith.constant 0 : i32
        %scan3A_132 = arith.constant 8 : i32
        %scan3A_133 = arith.addi %scan3A_131, %scan3A_132 : i32
        %scan3A_134 = arith.constant 1 : i32
        %scan3A_135 = scf.for %scan3A_145 = %scan3A_131 to %scan3A_133 step %scan3A_134 iter_args(%scan3A_146 = %scan3A_130) -> (i32)  : i32 {
          %mul3A_147 = arith.constant 128 : i32
          %mul3A_148 = arith.muli %add3A_129, %mul3A_147 : i32
          %mul3A_149 = arith.constant 16 : i32
          %mul3A_150 = arith.muli %scan3A_145, %mul3A_149 : i32
          %add3A_151 = arith.addi %mul3A_148, %mul3A_150 : i32
          %get3A_152 = arith.index_cast %add3A_151 : i32 to index
          %get3A_153 = tpu.vector_load %arg6[%get3A_152] {strides = array<i32>} : memref<25600xf32, #tpu.memory_space<vmem>>, vector<16xf32>,
          %max3A = arith.maximumf %get3A_153, %get3A_3 : vector<16xf32>
          %min3A = arith.minimumf %max3A, %get3A_7 : vector<16xf32>
          %sub3A = arith.subf %min3A, %get3A_3 : vector<16xf32>
          %div3A = arith.divf %sub3A, %get3A_5 : vector<16xf32>
          %convert_element_type3A_154 = arith.fptosi %div3A : vector<16xf32> to vector<16xi32>
          %convert_element_type3A_155 = arith.sitofp %convert_element_type3A_154 : vector<16xi32> to vector<16xf32>
          %mul3A_156 = arith.mulf %convert_element_type3A_155, %get3A_5 : vector<16xf32>
          %add3A_157 = arith.addf %get3A_3, %mul3A_156 : vector<16xf32>
          %lt3A_158 = arith.cmpf olt, %min3A, %add3A_157 : vector<16xf32>
          %sub3A_159 = arith.constant 1 : i32
          %sub3A_160 = vector.broadcast %sub3A_159 : i32 to vector<16xi32>
          %sub3A_161 = arith.subi %convert_element_type3A_154, %sub3A_160 : vector<16xi32>
          %select_n3A = arith.select %lt3A_158, %sub3A_161, %convert_element_type3A_154 : vector<16xi1>, vector<16xi32>
          %add3A_162 = arith.constant 1 : i32
          %add3A_163 = vector.broadcast %add3A_162 : i32 to vector<16xi32>
          %add3A_164 = arith.addi %select_n3A, %add3A_163 : vector<16xi32>
          %convert_element_type3A_165 = arith.sitofp %add3A_164 : vector<16xi32> to vector<16xf32>
          %mul3A_166 = arith.mulf %convert_element_type3A_165, %get3A_5 : vector<16xf32>
          %add3A_167 = arith.addf %get3A_3, %mul3A_166 : vector<16xf32>
          %ge3A = arith.cmpf oge, %min3A, %add3A_167 : vector<16xf32>
          %add3A_168 = arith.constant 1 : i32
          %add3A_169 = vector.broadcast %add3A_168 : i32 to vector<16xi32>
          %add3A_170 = arith.addi %select_n3A, %add3A_169 : vector<16xi32>
          %select_n3A_171 = arith.select %ge3A, %add3A_170, %select_n3A : vector<16xi1>, vector<16xi32>
          %jit3A = arith.constant 0 : i32
          %jit3A_172 = arith.constant 99998 : i32
          %max3A_173 = vector.broadcast %jit3A : i32 to vector<16xi32>
          %max3A_174 = arith.maxsi %max3A_173, %select_n3A_171 : vector<16xi32>
          %min3A_175 = vector.broadcast %jit3A_172 : i32 to vector<16xi32>
          %min3A_176 = arith.minsi %min3A_175, %max3A_174 : vector<16xi32>
          %convert_element_type3A_177 = arith.sitofp %min3A_176 : vector<16xi32> to vector<16xf32>
          %mul3A_178 = arith.mulf %convert_element_type3A_177, %get3A_5 : vector<16xf32>
          %add3A_179 = arith.addf %get3A_3, %mul3A_178 : vector<16xf32>
          %add3A_180 = arith.constant 1 : i32
          %add3A_181 = vector.broadcast %add3A_180 : i32 to vector<16xi32>
          %add3A_182 = arith.addi %min3A_176, %add3A_181 : vector<16xi32>
          %convert_element_type3A_183 = arith.sitofp %add3A_182 : vector<16xi32> to vector<16xf32>
          %mul3A_184 = arith.mulf %convert_element_type3A_183, %get3A_5 : vector<16xf32>
          %add3A_185 = arith.addf %get3A_3, %mul3A_184 : vector<16xf32>
          %sub3A_186 = arith.subf %min3A, %add3A_179 : vector<16xf32>
          %sub3A_187 = arith.subf %add3A_185, %add3A_179 : vector<16xf32>
          %div3A_188 = arith.divf %sub3A_186, %sub3A_187 : vector<16xf32>
          %mul3A_189 = arith.constant 16 : i32
          %mul3A_190 = arith.muli %scan3A_145, %mul3A_189 : i32
          %swap3A = arith.index_cast %mul3A_190 : i32 to index
          %swap3A_191 = tpu.vector_load %arg8[%swap3A] {strides = array<i32>} : memref<128xf32, #tpu.memory_space<vmem>>, vector<16xf32>,
          tpu.vector_store %arg8[%swap3A], %div3A_188 {strides = array<i32>} : memref<128xf32, #tpu.memory_space<vmem>>, vector<16xf32>,
          %mul3A_192 = arith.constant 16 : i32
          %mul3A_193 = arith.muli %scan3A_145, %mul3A_192 : i32
          %swap3A_194 = arith.index_cast %mul3A_193 : i32 to index
          %swap3A_195 = tpu.vector_load %arg10[%swap3A_194] {strides = array<i32>} : memref<128xi32, #tpu.memory_space<vmem>>, vector<16xi32>,
          tpu.vector_store %arg10[%swap3A_194], %min3A_176 {strides = array<i32>} : memref<128xi32, #tpu.memory_space<vmem>>, vector<16xi32>,
          %scan3A_196 = arith.constant 0 : i32
          scf.yield %scan3A_196 : i32
        }
        %scan3A_136 = arith.constant 8 : i32
        %dma_start3A_137 = arith.constant 0 : i32
        %dma_start3A_138 = arith.constant 0 : i32
        %dma_start3A_139 = tpu.memref_slice %arg12[%dma_start3A_137, %dma_start3A_138] : memref<128x128xf32, #tpu.memory_space<vmem>> -> memref<128x128xf32, #tpu.memory_space<vmem>>
        %dma_start3A_140 = arith.constant 0 : i32
        %dma_start3A_141 = tpu.memref_slice %arg10[%dma_start3A_140] : memref<128xi32, #tpu.memory_space<vmem>> -> memref<128xi32, #tpu.memory_space<vmem>>
        %dma_start3A_142 = arith.constant 0 : i32
        %dma_start3A_143 = arith.constant 0 : i32
        %dma_start3A_144 = tpu.memref_slice %arg4[%dma_start3A_142, %dma_start3A_143] : memref<100000x128xf32, #tpu.memory_space<hbm>> -> memref<100000x128xf32, #tpu.memory_space<hbm>>
        tpu.enqueue_indirect_dma source(%dma_start3A_144 : memref<100000x128xf32, #tpu.memory_space<hbm>>) target(%dma_start3A_139 : memref<128x128xf32, #tpu.memory_space<vmem>>) offsets(%dma_start3A_141 : memref<128xi32, #tpu.memory_space<vmem>>) semaphore(%arg16 : memref<!tpu.dma_semaphore, #tpu.memory_space<semaphore_mem>>)
      } else {
      }
      %gt3A_94 = arith.constant 0 : i32
      %gt3A_95 = arith.cmpi sgt, %scan3A_39, %gt3A_94 : i32
      %convert_element_type3A_96 = arith.extui %gt3A_95 : i1 to i32
      %cond3A_97 = arith.constant 0 : i32
      %cond3A_98 = arith.cmpi ne, %convert_element_type3A_96, %cond3A_97 : i32
      scf.if %cond3A_98 {
        %dma_wait3A_128 = arith.constant 0 : i32
        %dma_wait3A_129 = arith.constant 0 : i32
        %dma_wait3A_130 = tpu.memref_slice %arg5[%dma_wait3A_128, %dma_wait3A_129] : memref<64x819200xf32, #tpu.memory_space<hbm>> -> memref<64x128xf32, #tpu.memory_space<hbm>>
        %dma_wait3A_131 = arith.constant 0 : i32
        %dma_wait3A_132 = arith.constant 0 : i32
        %dma_wait3A_133 = tpu.memref_slice %arg5[%dma_wait3A_131, %dma_wait3A_132] : memref<64x819200xf32, #tpu.memory_space<hbm>> -> memref<64x128xf32, #tpu.memory_space<hbm>>
        tpu.wait_dma2 semaphore(%arg19 : memref<!tpu.dma_semaphore, #tpu.memory_space<semaphore_mem>>) src(%arg15 : memref<64x128xf32, #tpu.memory_space<vmem>>) dst(%dma_wait3A_133 : memref<64x128xf32, #tpu.memory_space<hbm>>)
      } else {
      }
      %add3A_99 = arith.constant 1 : i32
      %add3A_100 = arith.addi %mul3A_42, %add3A_99 : i32
      %dma_wait3A_101 = arith.constant 0 : i32
      %dma_wait3A_102 = arith.constant 0 : i32
      %dma_wait3A_103 = tpu.memref_slice %arg13[%dma_wait3A_101, %dma_wait3A_102] : memref<128x128xf32, #tpu.memory_space<vmem>> -> memref<128x128xf32, #tpu.memory_space<vmem>>
      %dma_wait3A_104 = arith.constant 0 : i32
      %dma_wait3A_105 = arith.constant 0 : i32
      %dma_wait3A_106 = tpu.memref_slice %arg4[%dma_wait3A_104, %dma_wait3A_105] : memref<100000x128xf32, #tpu.memory_space<hbm>> -> memref<128x128xf32, #tpu.memory_space<hbm>>
      %dma_wait3A_107 = arith.constant 0 : i32
      %dma_wait3A_108 = arith.constant 0 : i32
      %dma_wait3A_109 = tpu.memref_slice %arg13[%dma_wait3A_107, %dma_wait3A_108] : memref<128x128xf32, #tpu.memory_space<vmem>> -> memref<128x128xf32, #tpu.memory_space<vmem>>
      %dma_wait3A_110 = arith.constant 0 : i32
      %dma_wait3A_111 = arith.constant 0 : i32
      %dma_wait3A_112 = tpu.memref_slice %arg4[%dma_wait3A_110, %dma_wait3A_111] : memref<100000x128xf32, #tpu.memory_space<hbm>> -> memref<128x128xf32, #tpu.memory_space<hbm>>
      tpu.wait_dma2 semaphore(%arg17 : memref<!tpu.dma_semaphore, #tpu.memory_space<semaphore_mem>>) src(%dma_wait3A_112 : memref<128x128xf32, #tpu.memory_space<hbm>>) dst(%dma_wait3A_109 : memref<128x128xf32, #tpu.memory_space<vmem>>)
      %scan3A_113 = arith.constant 0 : i32
      %scan3A_114 = arith.constant 0 : i32
      %scan3A_115 = arith.constant 8 : i32
      %scan3A_116 = arith.addi %scan3A_114, %scan3A_115 : i32
      %scan3A_117 = arith.constant 1 : i32
      %scan3A_118 = scf.for %scan3A_128 = %scan3A_114 to %scan3A_116 step %scan3A_117 iter_args(%scan3A_129 = %scan3A_113) -> (i32)  : i32 {
        %mul3A_130 = arith.constant 16 : i32
        %mul3A_131 = arith.muli %scan3A_128, %mul3A_130 : i32
        %get3A_132 = arith.index_cast %mul3A_131 : i32 to index
        %get3A_133 = tpu.vector_load %arg9[%get3A_132] {strides = array<i32>} : memref<128xf32, #tpu.memory_space<vmem>>, vector<16xf32>,
        %sub3A = arith.constant 1.000000e+00 : f32
        %sub3A_134 = vector.broadcast %sub3A : f32 to vector<16xf32>
        %sub3A_135 = arith.subf %sub3A_134, %get3A_133 : vector<16xf32>
        %iota3A = tpu.iota {dimensions = array<i32: 0>} : vector<16xi32>
        %add3A_136 = vector.broadcast %mul3A_131 : i32 to vector<16xi32>
        %add3A_137 = arith.addi %iota3A, %add3A_136 : vector<16xi32>
        %broadcast_in_dim3A = arith.constant 0 : i32
        %broadcast_in_dim3A_138 = vector.broadcast %broadcast_in_dim3A : i32 to vector<16xi32>
        %gather3A = tpu.vector_load_idx %arg13[%add3A_137, %broadcast_in_dim3A_138] : memref<128x128xf32, #tpu.memory_space<vmem>>[vector<16xi32>, vector<16xi32>], vector<16xf32>,
        %broadcast_in_dim3A_139 = arith.constant 64 : i32
        %broadcast_in_dim3A_140 = vector.broadcast %broadcast_in_dim3A_139 : i32 to vector<16xi32>
        %gather3A_141 = tpu.vector_load_idx %arg13[%add3A_137, %broadcast_in_dim3A_140] : memref<128x128xf32, #tpu.memory_space<vmem>>[vector<16xi32>, vector<16xi32>], vector<16xf32>,
        %mul3A_142 = arith.mulf %sub3A_135, %gather3A : vector<16xf32>
        %mul3A_143 = arith.mulf %get3A_133, %gather3A_141 : vector<16xf32>
        %add3A_144 = arith.addf %mul3A_142, %mul3A_143 : vector<16xf32>
        %swap3A = arith.constant 0 : i32
        %swap3A_145 = arith.index_cast %swap3A : i32 to index
        %swap3A_146 = arith.index_cast %mul3A_131 : i32 to index
        %swap3A_147 = tpu.vector_load %arg15[%swap3A_145, %swap3A_146] {strides = array<i32>} : memref<64x128xf32, #tpu.memory_space<vmem>>, vector<16xf32>,
        tpu.vector_store %arg15[%swap3A_145, %swap3A_146], %add3A_144 {strides = array<i32>} : memref<64x128xf32, #tpu.memory_space<vmem>>, vector<16xf32>,
        %broadcast_in_dim3A_148 = arith.constant 1 : i32
        %broadcast_in_dim3A_149 = vector.broadcast %broadcast_in_dim3A_148 : i32 to vector<16xi32>
        %gather3A_150 = tpu.vector_load_idx %arg13[%add3A_137, %broadcast_in_dim3A_149] : memref<128x128xf32, #tpu.memory_space<vmem>>[vector<16xi32>, vector<16xi32>], vector<16xf32>,
        %broadcast_in_dim3A_151 = arith.constant 65 : i32
        %broadcast_in_dim3A_152 = vector.broadcast %broadcast_in_dim3A_151 : i32 to vector<16xi32>
        %gather3A_153 = tpu.vector_load_idx %arg13[%add3A_137, %broadcast_in_dim3A_152] : memref<128x128xf32, #tpu.memory_space<vmem>>[vector<16xi32>, vector<16xi32>], vector<16xf32>,
        %mul3A_154 = arith.mulf %sub3A_135, %gather3A_150 : vector<16xf32>
        %mul3A_155 = arith.mulf %get3A_133, %gather3A_153 : vector<16xf32>
        %add3A_156 = arith.addf %mul3A_154, %mul3A_155 : vector<16xf32>
        %swap3A_157 = arith.constant 1 : i32
        %swap3A_158 = arith.index_cast %swap3A_157 : i32 to index
        %swap3A_159 = arith.index_cast %mul3A_131 : i32 to index
        %swap3A_160 = tpu.vector_load %arg15[%swap3A_158, %swap3A_159] {strides = array<i32>} : memref<64x128xf32, #tpu.memory_space<vmem>>, vector<16xf32>,
        tpu.vector_store %arg15[%swap3A_158, %swap3A_159], %add3A_156 {strides = array<i32>} : memref<64x128xf32, #tpu.memory_space<vmem>>, vector<16xf32>,
        %broadcast_in_dim3A_161 = arith.constant 2 : i32
        %broadcast_in_dim3A_162 = vector.broadcast %broadcast_in_dim3A_161 : i32 to vector<16xi32>
        %gather3A_163 = tpu.vector_load_idx %arg13[%add3A_137, %broadcast_in_dim3A_162] : memref<128x128xf32, #tpu.memory_space<vmem>>[vector<16xi32>, vector<16xi32>], vector<16xf32>,
        %broadcast_in_dim3A_164 = arith.constant 66 : i32
        %broadcast_in_dim3A_165 = vector.broadcast %broadcast_in_dim3A_164 : i32 to vector<16xi32>
        %gather3A_166 = tpu.vector_load_idx %arg13[%add3A_137, %broadcast_in_dim3A_165] : memref<128x128xf32, #tpu.memory_space<vmem>>[vector<16xi32>, vector<16xi32>], vector<16xf32>,
        %mul3A_167 = arith.mulf %sub3A_135, %gather3A_163 : vector<16xf32>
        %mul3A_168 = arith.mulf %get3A_133, %gather3A_166 : vector<16xf32>
        %add3A_169 = arith.addf %mul3A_167, %mul3A_168 : vector<16xf32>
        %swap3A_170 = arith.constant 2 : i32
        %swap3A_171 = arith.index_cast %swap3A_170 : i32 to index
        %swap3A_172 = arith.index_cast %mul3A_131 : i32 to index
        %swap3A_173 = tpu.vector_load %arg15[%swap3A_171, %swap3A_172] {strides = array<i32>} : memref<64x128xf32, #tpu.memory_space<vmem>>, vector<16xf32>,
        tpu.vector_store %arg15[%swap3A_171, %swap3A_172], %add3A_169 {strides = array<i32>} : memref<64x128xf32, #tpu.memory_space<vmem>>, vector<16xf32>,
        %broadcast_in_dim3A_174 = arith.constant 3 : i32
        %broadcast_in_dim3A_175 = vector.broadcast %broadcast_in_dim3A_174 : i32 to vector<16xi32>
        %gather3A_176 = tpu.vector_load_idx %arg13[%add3A_137, %broadcast_in_dim3A_175] : memref<128x128xf32, #tpu.memory_space<vmem>>[vector<16xi32>, vector<16xi32>], vector<16xf32>,
        %broadcast_in_dim3A_177 = arith.constant 67 : i32
        %broadcast_in_dim3A_178 = vector.broadcast %broadcast_in_dim3A_177 : i32 to vector<16xi32>
        %gather3A_179 = tpu.vector_load_idx %arg13[%add3A_137, %broadcast_in_dim3A_178] : memref<128x128xf32, #tpu.memory_space<vmem>>[vector<16xi32>, vector<16xi32>], vector<16xf32>,
        %mul3A_180 = arith.mulf %sub3A_135, %gather3A_176 : vector<16xf32>
        %mul3A_181 = arith.mulf %get3A_133, %gather3A_179 : vector<16xf32>
        %add3A_182 = arith.addf %mul3A_180, %mul3A_181 : vector<16xf32>
        %swap3A_183 = arith.constant 3 : i32
        %swap3A_184 = arith.index_cast %swap3A_183 : i32 to index
        %swap3A_185 = arith.index_cast %mul3A_131 : i32 to index
        %swap3A_186 = tpu.vector_load %arg15[%swap3A_184, %swap3A_185] {strides = array<i32>} : memref<64x128xf32, #tpu.memory_space<vmem>>, vector<16xf32>,
        tpu.vector_store %arg15[%swap3A_184, %swap3A_185], %add3A_182 {strides = array<i32>} : memref<64x128xf32, #tpu.memory_space<vmem>>, vector<16xf32>,
        %broadcast_in_dim3A_187 = arith.constant 4 : i32
        %broadcast_in_dim3A_188 = vector.broadcast %broadcast_in_dim3A_187 : i32 to vector<16xi32>
        %gather3A_189 = tpu.vector_load_idx %arg13[%add3A_137, %broadcast_in_dim3A_188] : memref<128x128xf32, #tpu.memory_space<vmem>>[vector<16xi32>, vector<16xi32>], vector<16xf32>,
        %broadcast_in_dim3A_190 = arith.constant 68 : i32
        %broadcast_in_dim3A_191 = vector.broadcast %broadcast_in_dim3A_190 : i32 to vector<16xi32>
        %gather3A_192 = tpu.vector_load_idx %arg13[%add3A_137, %broadcast_in_dim3A_191] : memref<128x128xf32, #tpu.memory_space<vmem>>[vector<16xi32>, vector<16xi32>], vector<16xf32>,
        %mul3A_193 = arith.mulf %sub3A_135, %gather3A_189 : vector<16xf32>
        %mul3A_194 = arith.mulf %get3A_133, %gather3A_192 : vector<16xf32>
        %add3A_195 = arith.addf %mul3A_193, %mul3A_194 : vector<16xf32>
        %swap3A_196 = arith.constant 4 : i32
        %swap3A_197 = arith.index_cast %swap3A_196 : i32 to index
        %swap3A_198 = arith.index_cast %mul3A_131 : i32 to index
        %swap3A_199 = tpu.vector_load %arg15[%swap3A_197, %swap3A_198] {strides = array<i32>} : memref<64x128xf32, #tpu.memory_space<vmem>>, vector<16xf32>,
        tpu.vector_store %arg15[%swap3A_197, %swap3A_198], %add3A_195 {strides = array<i32>} : memref<64x128xf32, #tpu.memory_space<vmem>>, vector<16xf32>,
        %broadcast_in_dim3A_200 = arith.constant 5 : i32
        %broadcast_in_dim3A_201 = vector.broadcast %broadcast_in_dim3A_200 : i32 to vector<16xi32>
        %gather3A_202 = tpu.vector_load_idx %arg13[%add3A_137, %broadcast_in_dim3A_201] : memref<128x128xf32, #tpu.memory_space<vmem>>[vector<16xi32>, vector<16xi32>], vector<16xf32>,
        %broadcast_in_dim3A_203 = arith.constant 69 : i32
        %broadcast_in_dim3A_204 = vector.broadcast %broadcast_in_dim3A_203 : i32 to vector<16xi32>
        %gather3A_205 = tpu.vector_load_idx %arg13[%add3A_137, %broadcast_in_dim3A_204] : memref<128x128xf32, #tpu.memory_space<vmem>>[vector<16xi32>, vector<16xi32>], vector<16xf32>,
        %mul3A_206 = arith.mulf %sub3A_135, %gather3A_202 : vector<16xf32>
        %mul3A_207 = arith.mulf %get3A_133, %gather3A_205 : vector<16xf32>
        %add3A_208 = arith.addf %mul3A_206, %mul3A_207 : vector<16xf32>
        %swap3A_209 = arith.constant 5 : i32
        %swap3A_210 = arith.index_cast %swap3A_209 : i32 to index
        %swap3A_211 = arith.index_cast %mul3A_131 : i32 to index
        %swap3A_212 = tpu.vector_load %arg15[%swap3A_210, %swap3A_211] {strides = array<i32>} : memref<64x128xf32, #tpu.memory_space<vmem>>, vector<16xf32>,
        tpu.vector_store %arg15[%swap3A_210, %swap3A_211], %add3A_208 {strides = array<i32>} : memref<64x128xf32, #tpu.memory_space<vmem>>, vector<16xf32>,
        %broadcast_in_dim3A_213 = arith.constant 6 : i32
        %broadcast_in_dim3A_214 = vector.broadcast %broadcast_in_dim3A_213 : i32 to vector<16xi32>
        %gather3A_215 = tpu.vector_load_idx %arg13[%add3A_137, %broadcast_in_dim3A_214] : memref<128x128xf32, #tpu.memory_space<vmem>>[vector<16xi32>, vector<16xi32>], vector<16xf32>,
        %broadcast_in_dim3A_216 = arith.constant 70 : i32
        %broadcast_in_dim3A_217 = vector.broadcast %broadcast_in_dim3A_216 : i32 to vector<16xi32>
        %gather3A_218 = tpu.vector_load_idx %arg13[%add3A_137, %broadcast_in_dim3A_217] : memref<128x128xf32, #tpu.memory_space<vmem>>[vector<16xi32>, vector<16xi32>], vector<16xf32>,
        %mul3A_219 = arith.mulf %sub3A_135, %gather3A_215 : vector<16xf32>
        %mul3A_220 = arith.mulf %get3A_133, %gather3A_218 : vector<16xf32>
        %add3A_221 = arith.addf %mul3A_219, %mul3A_220 : vector<16xf32>
        %swap3A_222 = arith.constant 6 : i32
        %swap3A_223 = arith.index_cast %swap3A_222 : i32 to index
        %swap3A_224 = arith.index_cast %mul3A_131 : i32 to index
        %swap3A_225 = tpu.vector_load %arg15[%swap3A_223, %swap3A_224] {strides = array<i32>} : memref<64x128xf32, #tpu.memory_space<vmem>>, vector<16xf32>,
        tpu.vector_store %arg15[%swap3A_223, %swap3A_224], %add3A_221 {strides = array<i32>} : memref<64x128xf32, #tpu.memory_space<vmem>>, vector<16xf32>,
        %broadcast_in_dim3A_226 = arith.constant 7 : i32
        %broadcast_in_dim3A_227 = vector.broadcast %broadcast_in_dim3A_226 : i32 to vector<16xi32>
        %gather3A_228 = tpu.vector_load_idx %arg13[%add3A_137, %broadcast_in_dim3A_227] : memref<128x128xf32, #tpu.memory_space<vmem>>[vector<16xi32>, vector<16xi32>], vector<16xf32>,
        %broadcast_in_dim3A_229 = arith.constant 71 : i32
        %broadcast_in_dim3A_230 = vector.broadcast %broadcast_in_dim3A_229 : i32 to vector<16xi32>
        %gather3A_231 = tpu.vector_load_idx %arg13[%add3A_137, %broadcast_in_dim3A_230] : memref<128x128xf32, #tpu.memory_space<vmem>>[vector<16xi32>, vector<16xi32>], vector<16xf32>,
        %mul3A_232 = arith.mulf %sub3A_135, %gather3A_228 : vector<16xf32>
        %mul3A_233 = arith.mulf %get3A_133, %gather3A_231 : vector<16xf32>
        %add3A_234 = arith.addf %mul3A_232, %mul3A_233 : vector<16xf32>
        %swap3A_235 = arith.constant 7 : i32
        %swap3A_236 = arith.index_cast %swap3A_235 : i32 to index
        %swap3A_237 = arith.index_cast %mul3A_131 : i32 to index
        %swap3A_238 = tpu.vector_load %arg15[%swap3A_236, %swap3A_237] {strides = array<i32>} : memref<64x128xf32, #tpu.memory_space<vmem>>, vector<16xf32>,
        tpu.vector_store %arg15[%swap3A_236, %swap3A_237], %add3A_234 {strides = array<i32>} : memref<64x128xf32, #tpu.memory_space<vmem>>, vector<16xf32>,
        %broadcast_in_dim3A_239 = arith.constant 8 : i32
        %broadcast_in_dim3A_240 = vector.broadcast %broadcast_in_dim3A_239 : i32 to vector<16xi32>
        %gather3A_241 = tpu.vector_load_idx %arg13[%add3A_137, %broadcast_in_dim3A_240] : memref<128x128xf32, #tpu.memory_space<vmem>>[vector<16xi32>, vector<16xi32>], vector<16xf32>,
        %broadcast_in_dim3A_242 = arith.constant 72 : i32
        %broadcast_in_dim3A_243 = vector.broadcast %broadcast_in_dim3A_242 : i32 to vector<16xi32>
        %gather3A_244 = tpu.vector_load_idx %arg13[%add3A_137, %broadcast_in_dim3A_243] : memref<128x128xf32, #tpu.memory_space<vmem>>[vector<16xi32>, vector<16xi32>], vector<16xf32>,
        %mul3A_245 = arith.mulf %sub3A_135, %gather3A_241 : vector<16xf32>
        %mul3A_246 = arith.mulf %get3A_133, %gather3A_244 : vector<16xf32>
        %add3A_247 = arith.addf %mul3A_245, %mul3A_246 : vector<16xf32>
        %swap3A_248 = arith.constant 8 : i32
        %swap3A_249 = arith.index_cast %swap3A_248 : i32 to index
        %swap3A_250 = arith.index_cast %mul3A_131 : i32 to index
        %swap3A_251 = tpu.vector_load %arg15[%swap3A_249, %swap3A_250] {strides = array<i32>} : memref<64x128xf32, #tpu.memory_space<vmem>>, vector<16xf32>,
        tpu.vector_store %arg15[%swap3A_249, %swap3A_250], %add3A_247 {strides = array<i32>} : memref<64x128xf32, #tpu.memory_space<vmem>>, vector<16xf32>,
        %broadcast_in_dim3A_252 = arith.constant 9 : i32
        %broadcast_in_dim3A_253 = vector.broadcast %broadcast_in_dim3A_252 : i32 to vector<16xi32>
        %gather3A_254 = tpu.vector_load_idx %arg13[%add3A_137, %broadcast_in_dim3A_253] : memref<128x128xf32, #tpu.memory_space<vmem>>[vector<16xi32>, vector<16xi32>], vector<16xf32>,
        %broadcast_in_dim3A_255 = arith.constant 73 : i32
        %broadcast_in_dim3A_256 = vector.broadcast %broadcast_in_dim3A_255 : i32 to vector<16xi32>
        %gather3A_257 = tpu.vector_load_idx %arg13[%add3A_137, %broadcast_in_dim3A_256] : memref<128x128xf32, #tpu.memory_space<vmem>>[vector<16xi32>, vector<16xi32>], vector<16xf32>,
        %mul3A_258 = arith.mulf %sub3A_135, %gather3A_254 : vector<16xf32>
        %mul3A_259 = arith.mulf %get3A_133, %gather3A_257 : vector<16xf32>
        %add3A_260 = arith.addf %mul3A_258, %mul3A_259 : vector<16xf32>
        %swap3A_261 = arith.constant 9 : i32
        %swap3A_262 = arith.index_cast %swap3A_261 : i32 to index
        %swap3A_263 = arith.index_cast %mul3A_131 : i32 to index
        %swap3A_264 = tpu.vector_load %arg15[%swap3A_262, %swap3A_263] {strides = array<i32>} : memref<64x128xf32, #tpu.memory_space<vmem>>, vector<16xf32>,
        tpu.vector_store %arg15[%swap3A_262, %swap3A_263], %add3A_260 {strides = array<i32>} : memref<64x128xf32, #tpu.memory_space<vmem>>, vector<16xf32>,
        %broadcast_in_dim3A_265 = arith.constant 10 : i32
        %broadcast_in_dim3A_266 = vector.broadcast %broadcast_in_dim3A_265 : i32 to vector<16xi32>
        %gather3A_267 = tpu.vector_load_idx %arg13[%add3A_137, %broadcast_in_dim3A_266] : memref<128x128xf32, #tpu.memory_space<vmem>>[vector<16xi32>, vector<16xi32>], vector<16xf32>,
        %broadcast_in_dim3A_268 = arith.constant 74 : i32
        %broadcast_in_dim3A_269 = vector.broadcast %broadcast_in_dim3A_268 : i32 to vector<16xi32>
        %gather3A_270 = tpu.vector_load_idx %arg13[%add3A_137, %broadcast_in_dim3A_269] : memref<128x128xf32, #tpu.memory_space<vmem>>[vector<16xi32>, vector<16xi32>], vector<16xf32>,
        %mul3A_271 = arith.mulf %sub3A_135, %gather3A_267 : vector<16xf32>
        %mul3A_272 = arith.mulf %get3A_133, %gather3A_270 : vector<16xf32>
        %add3A_273 = arith.addf %mul3A_271, %mul3A_272 : vector<16xf32>
        %swap3A_274 = arith.constant 10 : i32
        %swap3A_275 = arith.index_cast %swap3A_274 : i32 to index
        %swap3A_276 = arith.index_cast %mul3A_131 : i32 to index
        %swap3A_277 = tpu.vector_load %arg15[%swap3A_275, %swap3A_276] {strides = array<i32>} : memref<64x128xf32, #tpu.memory_space<vmem>>, vector<16xf32>,
        tpu.vector_store %arg15[%swap3A_275, %swap3A_276], %add3A_273 {strides = array<i32>} : memref<64x128xf32, #tpu.memory_space<vmem>>, vector<16xf32>,
        %broadcast_in_dim3A_278 = arith.constant 11 : i32
        %broadcast_in_dim3A_279 = vector.broadcast %broadcast_in_dim3A_278 : i32 to vector<16xi32>
        %gather3A_280 = tpu.vector_load_idx %arg13[%add3A_137, %broadcast_in_dim3A_279] : memref<128x128xf32, #tpu.memory_space<vmem>>[vector<16xi32>, vector<16xi32>], vector<16xf32>,
        %broadcast_in_dim3A_281 = arith.constant 75 : i32
        %broadcast_in_dim3A_282 = vector.broadcast %broadcast_in_dim3A_281 : i32 to vector<16xi32>
        %gather3A_283 = tpu.vector_load_idx %arg13[%add3A_137, %broadcast_in_dim3A_282] : memref<128x128xf32, #tpu.memory_space<vmem>>[vector<16xi32>, vector<16xi32>], vector<16xf32>,
        %mul3A_284 = arith.mulf %sub3A_135, %gather3A_280 : vector<16xf32>
        %mul3A_285 = arith.mulf %get3A_133, %gather3A_283 : vector<16xf32>
        %add3A_286 = arith.addf %mul3A_284, %mul3A_285 : vector<16xf32>
        %swap3A_287 = arith.constant 11 : i32
        %swap3A_288 = arith.index_cast %swap3A_287 : i32 to index
        %swap3A_289 = arith.index_cast %mul3A_131 : i32 to index
        %swap3A_290 = tpu.vector_load %arg15[%swap3A_288, %swap3A_289] {strides = array<i32>} : memref<64x128xf32, #tpu.memory_space<vmem>>, vector<16xf32>,
        tpu.vector_store %arg15[%swap3A_288, %swap3A_289], %add3A_286 {strides = array<i32>} : memref<64x128xf32, #tpu.memory_space<vmem>>, vector<16xf32>,
        %broadcast_in_dim3A_291 = arith.constant 12 : i32
        %broadcast_in_dim3A_292 = vector.broadcast %broadcast_in_dim3A_291 : i32 to vector<16xi32>
        %gather3A_293 = tpu.vector_load_idx %arg13[%add3A_137, %broadcast_in_dim3A_292] : memref<128x128xf32, #tpu.memory_space<vmem>>[vector<16xi32>, vector<16xi32>], vector<16xf32>,
        %broadcast_in_dim3A_294 = arith.constant 76 : i32
        %broadcast_in_dim3A_295 = vector.broadcast %broadcast_in_dim3A_294 : i32 to vector<16xi32>
        %gather3A_296 = tpu.vector_load_idx %arg13[%add3A_137, %broadcast_in_dim3A_295] : memref<128x128xf32, #tpu.memory_space<vmem>>[vector<16xi32>, vector<16xi32>], vector<16xf32>,
        %mul3A_297 = arith.mulf %sub3A_135, %gather3A_293 : vector<16xf32>
        %mul3A_298 = arith.mulf %get3A_133, %gather3A_296 : vector<16xf32>
        %add3A_299 = arith.addf %mul3A_297, %mul3A_298 : vector<16xf32>
        %swap3A_300 = arith.constant 12 : i32
        %swap3A_301 = arith.index_cast %swap3A_300 : i32 to index
        %swap3A_302 = arith.index_cast %mul3A_131 : i32 to index
        %swap3A_303 = tpu.vector_load %arg15[%swap3A_301, %swap3A_302] {strides = array<i32>} : memref<64x128xf32, #tpu.memory_space<vmem>>, vector<16xf32>,
        tpu.vector_store %arg15[%swap3A_301, %swap3A_302], %add3A_299 {strides = array<i32>} : memref<64x128xf32, #tpu.memory_space<vmem>>, vector<16xf32>,
        %broadcast_in_dim3A_304 = arith.constant 13 : i32
        %broadcast_in_dim3A_305 = vector.broadcast %broadcast_in_dim3A_304 : i32 to vector<16xi32>
        %gather3A_306 = tpu.vector_load_idx %arg13[%add3A_137, %broadcast_in_dim3A_305] : memref<128x128xf32, #tpu.memory_space<vmem>>[vector<16xi32>, vector<16xi32>], vector<16xf32>,
        %broadcast_in_dim3A_307 = arith.constant 77 : i32
        %broadcast_in_dim3A_308 = vector.broadcast %broadcast_in_dim3A_307 : i32 to vector<16xi32>
        %gather3A_309 = tpu.vector_load_idx %arg13[%add3A_137, %broadcast_in_dim3A_308] : memref<128x128xf32, #tpu.memory_space<vmem>>[vector<16xi32>, vector<16xi32>], vector<16xf32>,
        %mul3A_310 = arith.mulf %sub3A_135, %gather3A_306 : vector<16xf32>
        %mul3A_311 = arith.mulf %get3A_133, %gather3A_309 : vector<16xf32>
        %add3A_312 = arith.addf %mul3A_310, %mul3A_311 : vector<16xf32>
        %swap3A_313 = arith.constant 13 : i32
        %swap3A_314 = arith.index_cast %swap3A_313 : i32 to index
        %swap3A_315 = arith.index_cast %mul3A_131 : i32 to index
        %swap3A_316 = tpu.vector_load %arg15[%swap3A_314, %swap3A_315] {strides = array<i32>} : memref<64x128xf32, #tpu.memory_space<vmem>>, vector<16xf32>,
        tpu.vector_store %arg15[%swap3A_314, %swap3A_315], %add3A_312 {strides = array<i32>} : memref<64x128xf32, #tpu.memory_space<vmem>>, vector<16xf32>,
        %broadcast_in_dim3A_317 = arith.constant 14 : i32
        %broadcast_in_dim3A_318 = vector.broadcast %broadcast_in_dim3A_317 : i32 to vector<16xi32>
        %gather3A_319 = tpu.vector_load_idx %arg13[%add3A_137, %broadcast_in_dim3A_318] : memref<128x128xf32, #tpu.memory_space<vmem>>[vector<16xi32>, vector<16xi32>], vector<16xf32>,
        %broadcast_in_dim3A_320 = arith.constant 78 : i32
        %broadcast_in_dim3A_321 = vector.broadcast %broadcast_in_dim3A_320 : i32 to vector<16xi32>
        %gather3A_322 = tpu.vector_load_idx %arg13[%add3A_137, %broadcast_in_dim3A_321] : memref<128x128xf32, #tpu.memory_space<vmem>>[vector<16xi32>, vector<16xi32>], vector<16xf32>,
        %mul3A_323 = arith.mulf %sub3A_135, %gather3A_319 : vector<16xf32>
        %mul3A_324 = arith.mulf %get3A_133, %gather3A_322 : vector<16xf32>
        %add3A_325 = arith.addf %mul3A_323, %mul3A_324 : vector<16xf32>
        %swap3A_326 = arith.constant 14 : i32
        %swap3A_327 = arith.index_cast %swap3A_326 : i32 to index
        %swap3A_328 = arith.index_cast %mul3A_131 : i32 to index
        %swap3A_329 = tpu.vector_load %arg15[%swap3A_327, %swap3A_328] {strides = array<i32>} : memref<64x128xf32, #tpu.memory_space<vmem>>, vector<16xf32>,
        tpu.vector_store %arg15[%swap3A_327, %swap3A_328], %add3A_325 {strides = array<i32>} : memref<64x128xf32, #tpu.memory_space<vmem>>, vector<16xf32>,
        %broadcast_in_dim3A_330 = arith.constant 15 : i32
        %broadcast_in_dim3A_331 = vector.broadcast %broadcast_in_dim3A_330 : i32 to vector<16xi32>
        %gather3A_332 = tpu.vector_load_idx %arg13[%add3A_137, %broadcast_in_dim3A_331] : memref<128x128xf32, #tpu.memory_space<vmem>>[vector<16xi32>, vector<16xi32>], vector<16xf32>,
        %broadcast_in_dim3A_333 = arith.constant 79 : i32
        %broadcast_in_dim3A_334 = vector.broadcast %broadcast_in_dim3A_333 : i32 to vector<16xi32>
        %gather3A_335 = tpu.vector_load_idx %arg13[%add3A_137, %broadcast_in_dim3A_334] : memref<128x128xf32, #tpu.memory_space<vmem>>[vector<16xi32>, vector<16xi32>], vector<16xf32>,
        %mul3A_336 = arith.mulf %sub3A_135, %gather3A_332 : vector<16xf32>
        %mul3A_337 = arith.mulf %get3A_133, %gather3A_335 : vector<16xf32>
        %add3A_338 = arith.addf %mul3A_336, %mul3A_337 : vector<16xf32>
        %swap3A_339 = arith.constant 15 : i32
        %swap3A_340 = arith.index_cast %swap3A_339 : i32 to index
        %swap3A_341 = arith.index_cast %mul3A_131 : i32 to index
        %swap3A_342 = tpu.vector_load %arg15[%swap3A_340, %swap3A_341] {strides = array<i32>} : memref<64x128xf32, #tpu.memory_space<vmem>>, vector<16xf32>,
        tpu.vector_store %arg15[%swap3A_340, %swap3A_341], %add3A_338 {strides = array<i32>} : memref<64x128xf32, #tpu.memory_space<vmem>>, vector<16xf32>,
        %broadcast_in_dim3A_343 = arith.constant 16 : i32
        %broadcast_in_dim3A_344 = vector.broadcast %broadcast_in_dim3A_343 : i32 to vector<16xi32>
        %gather3A_345 = tpu.vector_load_idx %arg13[%add3A_137, %broadcast_in_dim3A_344] : memref<128x128xf32, #tpu.memory_space<vmem>>[vector<16xi32>, vector<16xi32>], vector<16xf32>,
        %broadcast_in_dim3A_346 = arith.constant 80 : i32
        %broadcast_in_dim3A_347 = vector.broadcast %broadcast_in_dim3A_346 : i32 to vector<16xi32>
        %gather3A_348 = tpu.vector_load_idx %arg13[%add3A_137, %broadcast_in_dim3A_347] : memref<128x128xf32, #tpu.memory_space<vmem>>[vector<16xi32>, vector<16xi32>], vector<16xf32>,
        %mul3A_349 = arith.mulf %sub3A_135, %gather3A_345 : vector<16xf32>
        %mul3A_350 = arith.mulf %get3A_133, %gather3A_348 : vector<16xf32>
        %add3A_351 = arith.addf %mul3A_349, %mul3A_350 : vector<16xf32>
        %swap3A_352 = arith.constant 16 : i32
        %swap3A_353 = arith.index_cast %swap3A_352 : i32 to index
        %swap3A_354 = arith.index_cast %mul3A_131 : i32 to index
        %swap3A_355 = tpu.vector_load %arg15[%swap3A_353, %swap3A_354] {strides = array<i32>} : memref<64x128xf32, #tpu.memory_space<vmem>>, vector<16xf32>,
        tpu.vector_store %arg15[%swap3A_353, %swap3A_354], %add3A_351 {strides = array<i32>} : memref<64x128xf32, #tpu.memory_space<vmem>>, vector<16xf32>,
        %broadcast_in_dim3A_356 = arith.constant 17 : i32
        %broadcast_in_dim3A_357 = vector.broadcast %broadcast_in_dim3A_356 : i32 to vector<16xi32>
        %gather3A_358 = tpu.vector_load_idx %arg13[%add3A_137, %broadcast_in_dim3A_357] : memref<128x128xf32, #tpu.memory_space<vmem>>[vector<16xi32>, vector<16xi32>], vector<16xf32>,
        %broadcast_in_dim3A_359 = arith.constant 81 : i32
        %broadcast_in_dim3A_360 = vector.broadcast %broadcast_in_dim3A_359 : i32 to vector<16xi32>
        %gather3A_361 = tpu.vector_load_idx %arg13[%add3A_137, %broadcast_in_dim3A_360] : memref<128x128xf32, #tpu.memory_space<vmem>>[vector<16xi32>, vector<16xi32>], vector<16xf32>,
        %mul3A_362 = arith.mulf %sub3A_135, %gather3A_358 : vector<16xf32>
        %mul3A_363 = arith.mulf %get3A_133, %gather3A_361 : vector<16xf32>
        %add3A_364 = arith.addf %mul3A_362, %mul3A_363 : vector<16xf32>
        %swap3A_365 = arith.constant 17 : i32
        %swap3A_366 = arith.index_cast %swap3A_365 : i32 to index
        %swap3A_367 = arith.index_cast %mul3A_131 : i32 to index
        %swap3A_368 = tpu.vector_load %arg15[%swap3A_366, %swap3A_367] {strides = array<i32>} : memref<64x128xf32, #tpu.memory_space<vmem>>, vector<16xf32>,
        tpu.vector_store %arg15[%swap3A_366, %swap3A_367], %add3A_364 {strides = array<i32>} : memref<64x128xf32, #tpu.memory_space<vmem>>, vector<16xf32>,
        %broadcast_in_dim3A_369 = arith.constant 18 : i32
        %broadcast_in_dim3A_370 = vector.broadcast %broadcast_in_dim3A_369 : i32 to vector<16xi32>
        %gather3A_371 = tpu.vector_load_idx %arg13[%add3A_137, %broadcast_in_dim3A_370] : memref<128x128xf32, #tpu.memory_space<vmem>>[vector<16xi32>, vector<16xi32>], vector<16xf32>,
        %broadcast_in_dim3A_372 = arith.constant 82 : i32
        %broadcast_in_dim3A_373 = vector.broadcast %broadcast_in_dim3A_372 : i32 to vector<16xi32>
        %gather3A_374 = tpu.vector_load_idx %arg13[%add3A_137, %broadcast_in_dim3A_373] : memref<128x128xf32, #tpu.memory_space<vmem>>[vector<16xi32>, vector<16xi32>], vector<16xf32>,
        %mul3A_375 = arith.mulf %sub3A_135, %gather3A_371 : vector<16xf32>
        %mul3A_376 = arith.mulf %get3A_133, %gather3A_374 : vector<16xf32>
        %add3A_377 = arith.addf %mul3A_375, %mul3A_376 : vector<16xf32>
        %swap3A_378 = arith.constant 18 : i32
        %swap3A_379 = arith.index_cast %swap3A_378 : i32 to index
        %swap3A_380 = arith.index_cast %mul3A_131 : i32 to index
        %swap3A_381 = tpu.vector_load %arg15[%swap3A_379, %swap3A_380] {strides = array<i32>} : memref<64x128xf32, #tpu.memory_space<vmem>>, vector<16xf32>,
        tpu.vector_store %arg15[%swap3A_379, %swap3A_380], %add3A_377 {strides = array<i32>} : memref<64x128xf32, #tpu.memory_space<vmem>>, vector<16xf32>,
        %broadcast_in_dim3A_382 = arith.constant 19 : i32
        %broadcast_in_dim3A_383 = vector.broadcast %broadcast_in_dim3A_382 : i32 to vector<16xi32>
        %gather3A_384 = tpu.vector_load_idx %arg13[%add3A_137, %broadcast_in_dim3A_383] : memref<128x128xf32, #tpu.memory_space<vmem>>[vector<16xi32>, vector<16xi32>], vector<16xf32>,
        %broadcast_in_dim3A_385 = arith.constant 83 : i32
        %broadcast_in_dim3A_386 = vector.broadcast %broadcast_in_dim3A_385 : i32 to vector<16xi32>
        %gather3A_387 = tpu.vector_load_idx %arg13[%add3A_137, %broadcast_in_dim3A_386] : memref<128x128xf32, #tpu.memory_space<vmem>>[vector<16xi32>, vector<16xi32>], vector<16xf32>,
        %mul3A_388 = arith.mulf %sub3A_135, %gather3A_384 : vector<16xf32>
        %mul3A_389 = arith.mulf %get3A_133, %gather3A_387 : vector<16xf32>
        %add3A_390 = arith.addf %mul3A_388, %mul3A_389 : vector<16xf32>
        %swap3A_391 = arith.constant 19 : i32
        %swap3A_392 = arith.index_cast %swap3A_391 : i32 to index
        %swap3A_393 = arith.index_cast %mul3A_131 : i32 to index
        %swap3A_394 = tpu.vector_load %arg15[%swap3A_392, %swap3A_393] {strides = array<i32>} : memref<64x128xf32, #tpu.memory_space<vmem>>, vector<16xf32>,
        tpu.vector_store %arg15[%swap3A_392, %swap3A_393], %add3A_390 {strides = array<i32>} : memref<64x128xf32, #tpu.memory_space<vmem>>, vector<16xf32>,
        %broadcast_in_dim3A_395 = arith.constant 20 : i32
        %broadcast_in_dim3A_396 = vector.broadcast %broadcast_in_dim3A_395 : i32 to vector<16xi32>
        %gather3A_397 = tpu.vector_load_idx %arg13[%add3A_137, %broadcast_in_dim3A_396] : memref<128x128xf32, #tpu.memory_space<vmem>>[vector<16xi32>, vector<16xi32>], vector<16xf32>,
        %broadcast_in_dim3A_398 = arith.constant 84 : i32
        %broadcast_in_dim3A_399 = vector.broadcast %broadcast_in_dim3A_398 : i32 to vector<16xi32>
        %gather3A_400 = tpu.vector_load_idx %arg13[%add3A_137, %broadcast_in_dim3A_399] : memref<128x128xf32, #tpu.memory_space<vmem>>[vector<16xi32>, vector<16xi32>], vector<16xf32>,
        %mul3A_401 = arith.mulf %sub3A_135, %gather3A_397 : vector<16xf32>
        %mul3A_402 = arith.mulf %get3A_133, %gather3A_400 : vector<16xf32>
        %add3A_403 = arith.addf %mul3A_401, %mul3A_402 : vector<16xf32>
        %swap3A_404 = arith.constant 20 : i32
        %swap3A_405 = arith.index_cast %swap3A_404 : i32 to index
        %swap3A_406 = arith.index_cast %mul3A_131 : i32 to index
        %swap3A_407 = tpu.vector_load %arg15[%swap3A_405, %swap3A_406] {strides = array<i32>} : memref<64x128xf32, #tpu.memory_space<vmem>>, vector<16xf32>,
        tpu.vector_store %arg15[%swap3A_405, %swap3A_406], %add3A_403 {strides = array<i32>} : memref<64x128xf32, #tpu.memory_space<vmem>>, vector<16xf32>,
        %broadcast_in_dim3A_408 = arith.constant 21 : i32
        %broadcast_in_dim3A_409 = vector.broadcast %broadcast_in_dim3A_408 : i32 to vector<16xi32>
        %gather3A_410 = tpu.vector_load_idx %arg13[%add3A_137, %broadcast_in_dim3A_409] : memref<128x128xf32, #tpu.memory_space<vmem>>[vector<16xi32>, vector<16xi32>], vector<16xf32>,
        %broadcast_in_dim3A_411 = arith.constant 85 : i32
        %broadcast_in_dim3A_412 = vector.broadcast %broadcast_in_dim3A_411 : i32 to vector<16xi32>
        %gather3A_413 = tpu.vector_load_idx %arg13[%add3A_137, %broadcast_in_dim3A_412] : memref<128x128xf32, #tpu.memory_space<vmem>>[vector<16xi32>, vector<16xi32>], vector<16xf32>,
        %mul3A_414 = arith.mulf %sub3A_135, %gather3A_410 : vector<16xf32>
        %mul3A_415 = arith.mulf %get3A_133, %gather3A_413 : vector<16xf32>
        %add3A_416 = arith.addf %mul3A_414, %mul3A_415 : vector<16xf32>
        %swap3A_417 = arith.constant 21 : i32
        %swap3A_418 = arith.index_cast %swap3A_417 : i32 to index
        %swap3A_419 = arith.index_cast %mul3A_131 : i32 to index
        %swap3A_420 = tpu.vector_load %arg15[%swap3A_418, %swap3A_419] {strides = array<i32>} : memref<64x128xf32, #tpu.memory_space<vmem>>, vector<16xf32>,
        tpu.vector_store %arg15[%swap3A_418, %swap3A_419], %add3A_416 {strides = array<i32>} : memref<64x128xf32, #tpu.memory_space<vmem>>, vector<16xf32>,
        %broadcast_in_dim3A_421 = arith.constant 22 : i32
        %broadcast_in_dim3A_422 = vector.broadcast %broadcast_in_dim3A_421 : i32 to vector<16xi32>
        %gather3A_423 = tpu.vector_load_idx %arg13[%add3A_137, %broadcast_in_dim3A_422] : memref<128x128xf32, #tpu.memory_space<vmem>>[vector<16xi32>, vector<16xi32>], vector<16xf32>,
        %broadcast_in_dim3A_424 = arith.constant 86 : i32
        %broadcast_in_dim3A_425 = vector.broadcast %broadcast_in_dim3A_424 : i32 to vector<16xi32>
        %gather3A_426 = tpu.vector_load_idx %arg13[%add3A_137, %broadcast_in_dim3A_425] : memref<128x128xf32, #tpu.memory_space<vmem>>[vector<16xi32>, vector<16xi32>], vector<16xf32>,
        %mul3A_427 = arith.mulf %sub3A_135, %gather3A_423 : vector<16xf32>
        %mul3A_428 = arith.mulf %get3A_133, %gather3A_426 : vector<16xf32>
        %add3A_429 = arith.addf %mul3A_427, %mul3A_428 : vector<16xf32>
        %swap3A_430 = arith.constant 22 : i32
        %swap3A_431 = arith.index_cast %swap3A_430 : i32 to index
        %swap3A_432 = arith.index_cast %mul3A_131 : i32 to index
        %swap3A_433 = tpu.vector_load %arg15[%swap3A_431, %swap3A_432] {strides = array<i32>} : memref<64x128xf32, #tpu.memory_space<vmem>>, vector<16xf32>,
        tpu.vector_store %arg15[%swap3A_431, %swap3A_432], %add3A_429 {strides = array<i32>} : memref<64x128xf32, #tpu.memory_space<vmem>>, vector<16xf32>,
        %broadcast_in_dim3A_434 = arith.constant 23 : i32
        %broadcast_in_dim3A_435 = vector.broadcast %broadcast_in_dim3A_434 : i32 to vector<16xi32>
        %gather3A_436 = tpu.vector_load_idx %arg13[%add3A_137, %broadcast_in_dim3A_435] : memref<128x128xf32, #tpu.memory_space<vmem>>[vector<16xi32>, vector<16xi32>], vector<16xf32>,
        %broadcast_in_dim3A_437 = arith.constant 87 : i32
        %broadcast_in_dim3A_438 = vector.broadcast %broadcast_in_dim3A_437 : i32 to vector<16xi32>
        %gather3A_439 = tpu.vector_load_idx %arg13[%add3A_137, %broadcast_in_dim3A_438] : memref<128x128xf32, #tpu.memory_space<vmem>>[vector<16xi32>, vector<16xi32>], vector<16xf32>,
        %mul3A_440 = arith.mulf %sub3A_135, %gather3A_436 : vector<16xf32>
        %mul3A_441 = arith.mulf %get3A_133, %gather3A_439 : vector<16xf32>
        %add3A_442 = arith.addf %mul3A_440, %mul3A_441 : vector<16xf32>
        %swap3A_443 = arith.constant 23 : i32
        %swap3A_444 = arith.index_cast %swap3A_443 : i32 to index
        %swap3A_445 = arith.index_cast %mul3A_131 : i32 to index
        %swap3A_446 = tpu.vector_load %arg15[%swap3A_444, %swap3A_445] {strides = array<i32>} : memref<64x128xf32, #tpu.memory_space<vmem>>, vector<16xf32>,
        tpu.vector_store %arg15[%swap3A_444, %swap3A_445], %add3A_442 {strides = array<i32>} : memref<64x128xf32, #tpu.memory_space<vmem>>, vector<16xf32>,
        %broadcast_in_dim3A_447 = arith.constant 24 : i32
        %broadcast_in_dim3A_448 = vector.broadcast %broadcast_in_dim3A_447 : i32 to vector<16xi32>
        %gather3A_449 = tpu.vector_load_idx %arg13[%add3A_137, %broadcast_in_dim3A_448] : memref<128x128xf32, #tpu.memory_space<vmem>>[vector<16xi32>, vector<16xi32>], vector<16xf32>,
        %broadcast_in_dim3A_450 = arith.constant 88 : i32
        %broadcast_in_dim3A_451 = vector.broadcast %broadcast_in_dim3A_450 : i32 to vector<16xi32>
        %gather3A_452 = tpu.vector_load_idx %arg13[%add3A_137, %broadcast_in_dim3A_451] : memref<128x128xf32, #tpu.memory_space<vmem>>[vector<16xi32>, vector<16xi32>], vector<16xf32>,
        %mul3A_453 = arith.mulf %sub3A_135, %gather3A_449 : vector<16xf32>
        %mul3A_454 = arith.mulf %get3A_133, %gather3A_452 : vector<16xf32>
        %add3A_455 = arith.addf %mul3A_453, %mul3A_454 : vector<16xf32>
        %swap3A_456 = arith.constant 24 : i32
        %swap3A_457 = arith.index_cast %swap3A_456 : i32 to index
        %swap3A_458 = arith.index_cast %mul3A_131 : i32 to index
        %swap3A_459 = tpu.vector_load %arg15[%swap3A_457, %swap3A_458] {strides = array<i32>} : memref<64x128xf32, #tpu.memory_space<vmem>>, vector<16xf32>,
        tpu.vector_store %arg15[%swap3A_457, %swap3A_458], %add3A_455 {strides = array<i32>} : memref<64x128xf32, #tpu.memory_space<vmem>>, vector<16xf32>,
        %broadcast_in_dim3A_460 = arith.constant 25 : i32
        %broadcast_in_dim3A_461 = vector.broadcast %broadcast_in_dim3A_460 : i32 to vector<16xi32>
        %gather3A_462 = tpu.vector_load_idx %arg13[%add3A_137, %broadcast_in_dim3A_461] : memref<128x128xf32, #tpu.memory_space<vmem>>[vector<16xi32>, vector<16xi32>], vector<16xf32>,
        %broadcast_in_dim3A_463 = arith.constant 89 : i32
        %broadcast_in_dim3A_464 = vector.broadcast %broadcast_in_dim3A_463 : i32 to vector<16xi32>
        %gather3A_465 = tpu.vector_load_idx %arg13[%add3A_137, %broadcast_in_dim3A_464] : memref<128x128xf32, #tpu.memory_space<vmem>>[vector<16xi32>, vector<16xi32>], vector<16xf32>,
        %mul3A_466 = arith.mulf %sub3A_135, %gather3A_462 : vector<16xf32>
        %mul3A_467 = arith.mulf %get3A_133, %gather3A_465 : vector<16xf32>
        %add3A_468 = arith.addf %mul3A_466, %mul3A_467 : vector<16xf32>
        %swap3A_469 = arith.constant 25 : i32
        %swap3A_470 = arith.index_cast %swap3A_469 : i32 to index
        %swap3A_471 = arith.index_cast %mul3A_131 : i32 to index
        %swap3A_472 = tpu.vector_load %arg15[%swap3A_470, %swap3A_471] {strides = array<i32>} : memref<64x128xf32, #tpu.memory_space<vmem>>, vector<16xf32>,
        tpu.vector_store %arg15[%swap3A_470, %swap3A_471], %add3A_468 {strides = array<i32>} : memref<64x128xf32, #tpu.memory_space<vmem>>, vector<16xf32>,
        %broadcast_in_dim3A_473 = arith.constant 26 : i32
        %broadcast_in_dim3A_474 = vector.broadcast %broadcast_in_dim3A_473 : i32 to vector<16xi32>
        %gather3A_475 = tpu.vector_load_idx %arg13[%add3A_137, %broadcast_in_dim3A_474] : memref<128x128xf32, #tpu.memory_space<vmem>>[vector<16xi32>, vector<16xi32>], vector<16xf32>,
        %broadcast_in_dim3A_476 = arith.constant 90 : i32
        %broadcast_in_dim3A_477 = vector.broadcast %broadcast_in_dim3A_476 : i32 to vector<16xi32>
        %gather3A_478 = tpu.vector_load_idx %arg13[%add3A_137, %broadcast_in_dim3A_477] : memref<128x128xf32, #tpu.memory_space<vmem>>[vector<16xi32>, vector<16xi32>], vector<16xf32>,
        %mul3A_479 = arith.mulf %sub3A_135, %gather3A_475 : vector<16xf32>
        %mul3A_480 = arith.mulf %get3A_133, %gather3A_478 : vector<16xf32>
        %add3A_481 = arith.addf %mul3A_479, %mul3A_480 : vector<16xf32>
        %swap3A_482 = arith.constant 26 : i32
        %swap3A_483 = arith.index_cast %swap3A_482 : i32 to index
        %swap3A_484 = arith.index_cast %mul3A_131 : i32 to index
        %swap3A_485 = tpu.vector_load %arg15[%swap3A_483, %swap3A_484] {strides = array<i32>} : memref<64x128xf32, #tpu.memory_space<vmem>>, vector<16xf32>,
        tpu.vector_store %arg15[%swap3A_483, %swap3A_484], %add3A_481 {strides = array<i32>} : memref<64x128xf32, #tpu.memory_space<vmem>>, vector<16xf32>,
        %broadcast_in_dim3A_486 = arith.constant 27 : i32
        %broadcast_in_dim3A_487 = vector.broadcast %broadcast_in_dim3A_486 : i32 to vector<16xi32>
        %gather3A_488 = tpu.vector_load_idx %arg13[%add3A_137, %broadcast_in_dim3A_487] : memref<128x128xf32, #tpu.memory_space<vmem>>[vector<16xi32>, vector<16xi32>], vector<16xf32>,
        %broadcast_in_dim3A_489 = arith.constant 91 : i32
        %broadcast_in_dim3A_490 = vector.broadcast %broadcast_in_dim3A_489 : i32 to vector<16xi32>
        %gather3A_491 = tpu.vector_load_idx %arg13[%add3A_137, %broadcast_in_dim3A_490] : memref<128x128xf32, #tpu.memory_space<vmem>>[vector<16xi32>, vector<16xi32>], vector<16xf32>,
        %mul3A_492 = arith.mulf %sub3A_135, %gather3A_488 : vector<16xf32>
        %mul3A_493 = arith.mulf %get3A_133, %gather3A_491 : vector<16xf32>
        %add3A_494 = arith.addf %mul3A_492, %mul3A_493 : vector<16xf32>
        %swap3A_495 = arith.constant 27 : i32
        %swap3A_496 = arith.index_cast %swap3A_495 : i32 to index
        %swap3A_497 = arith.index_cast %mul3A_131 : i32 to index
        %swap3A_498 = tpu.vector_load %arg15[%swap3A_496, %swap3A_497] {strides = array<i32>} : memref<64x128xf32, #tpu.memory_space<vmem>>, vector<16xf32>,
        tpu.vector_store %arg15[%swap3A_496, %swap3A_497], %add3A_494 {strides = array<i32>} : memref<64x128xf32, #tpu.memory_space<vmem>>, vector<16xf32>,
        %broadcast_in_dim3A_499 = arith.constant 28 : i32
        %broadcast_in_dim3A_500 = vector.broadcast %broadcast_in_dim3A_499 : i32 to vector<16xi32>
        %gather3A_501 = tpu.vector_load_idx %arg13[%add3A_137, %broadcast_in_dim3A_500] : memref<128x128xf32, #tpu.memory_space<vmem>>[vector<16xi32>, vector<16xi32>], vector<16xf32>,
        %broadcast_in_dim3A_502 = arith.constant 92 : i32
        %broadcast_in_dim3A_503 = vector.broadcast %broadcast_in_dim3A_502 : i32 to vector<16xi32>
        %gather3A_504 = tpu.vector_load_idx %arg13[%add3A_137, %broadcast_in_dim3A_503] : memref<128x128xf32, #tpu.memory_space<vmem>>[vector<16xi32>, vector<16xi32>], vector<16xf32>,
        %mul3A_505 = arith.mulf %sub3A_135, %gather3A_501 : vector<16xf32>
        %mul3A_506 = arith.mulf %get3A_133, %gather3A_504 : vector<16xf32>
        %add3A_507 = arith.addf %mul3A_505, %mul3A_506 : vector<16xf32>
        %swap3A_508 = arith.constant 28 : i32
        %swap3A_509 = arith.index_cast %swap3A_508 : i32 to index
        %swap3A_510 = arith.index_cast %mul3A_131 : i32 to index
        %swap3A_511 = tpu.vector_load %arg15[%swap3A_509, %swap3A_510] {strides = array<i32>} : memref<64x128xf32, #tpu.memory_space<vmem>>, vector<16xf32>,
        tpu.vector_store %arg15[%swap3A_509, %swap3A_510], %add3A_507 {strides = array<i32>} : memref<64x128xf32, #tpu.memory_space<vmem>>, vector<16xf32>,
        %broadcast_in_dim3A_512 = arith.constant 29 : i32
        %broadcast_in_dim3A_513 = vector.broadcast %broadcast_in_dim3A_512 : i32 to vector<16xi32>
        %gather3A_514 = tpu.vector_load_idx %arg13[%add3A_137, %broadcast_in_dim3A_513] : memref<128x128xf32, #tpu.memory_space<vmem>>[vector<16xi32>, vector<16xi32>], vector<16xf32>,
        %broadcast_in_dim3A_515 = arith.constant 93 : i32
        %broadcast_in_dim3A_516 = vector.broadcast %broadcast_in_dim3A_515 : i32 to vector<16xi32>
        %gather3A_517 = tpu.vector_load_idx %arg13[%add3A_137, %broadcast_in_dim3A_516] : memref<128x128xf32, #tpu.memory_space<vmem>>[vector<16xi32>, vector<16xi32>], vector<16xf32>,
        %mul3A_518 = arith.mulf %sub3A_135, %gather3A_514 : vector<16xf32>
        %mul3A_519 = arith.mulf %get3A_133, %gather3A_517 : vector<16xf32>
        %add3A_520 = arith.addf %mul3A_518, %mul3A_519 : vector<16xf32>
        %swap3A_521 = arith.constant 29 : i32
        %swap3A_522 = arith.index_cast %swap3A_521 : i32 to index
        %swap3A_523 = arith.index_cast %mul3A_131 : i32 to index
        %swap3A_524 = tpu.vector_load %arg15[%swap3A_522, %swap3A_523] {strides = array<i32>} : memref<64x128xf32, #tpu.memory_space<vmem>>, vector<16xf32>,
        tpu.vector_store %arg15[%swap3A_522, %swap3A_523], %add3A_520 {strides = array<i32>} : memref<64x128xf32, #tpu.memory_space<vmem>>, vector<16xf32>,
        %broadcast_in_dim3A_525 = arith.constant 30 : i32
        %broadcast_in_dim3A_526 = vector.broadcast %broadcast_in_dim3A_525 : i32 to vector<16xi32>
        %gather3A_527 = tpu.vector_load_idx %arg13[%add3A_137, %broadcast_in_dim3A_526] : memref<128x128xf32, #tpu.memory_space<vmem>>[vector<16xi32>, vector<16xi32>], vector<16xf32>,
        %broadcast_in_dim3A_528 = arith.constant 94 : i32
        %broadcast_in_dim3A_529 = vector.broadcast %broadcast_in_dim3A_528 : i32 to vector<16xi32>
        %gather3A_530 = tpu.vector_load_idx %arg13[%add3A_137, %broadcast_in_dim3A_529] : memref<128x128xf32, #tpu.memory_space<vmem>>[vector<16xi32>, vector<16xi32>], vector<16xf32>,
        %mul3A_531 = arith.mulf %sub3A_135, %gather3A_527 : vector<16xf32>
        %mul3A_532 = arith.mulf %get3A_133, %gather3A_530 : vector<16xf32>
        %add3A_533 = arith.addf %mul3A_531, %mul3A_532 : vector<16xf32>
        %swap3A_534 = arith.constant 30 : i32
        %swap3A_535 = arith.index_cast %swap3A_534 : i32 to index
        %swap3A_536 = arith.index_cast %mul3A_131 : i32 to index
        %swap3A_537 = tpu.vector_load %arg15[%swap3A_535, %swap3A_536] {strides = array<i32>} : memref<64x128xf32, #tpu.memory_space<vmem>>, vector<16xf32>,
        tpu.vector_store %arg15[%swap3A_535, %swap3A_536], %add3A_533 {strides = array<i32>} : memref<64x128xf32, #tpu.memory_space<vmem>>, vector<16xf32>,
        %broadcast_in_dim3A_538 = arith.constant 31 : i32
        %broadcast_in_dim3A_539 = vector.broadcast %broadcast_in_dim3A_538 : i32 to vector<16xi32>
        %gather3A_540 = tpu.vector_load_idx %arg13[%add3A_137, %broadcast_in_dim3A_539] : memref<128x128xf32, #tpu.memory_space<vmem>>[vector<16xi32>, vector<16xi32>], vector<16xf32>,
        %broadcast_in_dim3A_541 = arith.constant 95 : i32
        %broadcast_in_dim3A_542 = vector.broadcast %broadcast_in_dim3A_541 : i32 to vector<16xi32>
        %gather3A_543 = tpu.vector_load_idx %arg13[%add3A_137, %broadcast_in_dim3A_542] : memref<128x128xf32, #tpu.memory_space<vmem>>[vector<16xi32>, vector<16xi32>], vector<16xf32>,
        %mul3A_544 = arith.mulf %sub3A_135, %gather3A_540 : vector<16xf32>
        %mul3A_545 = arith.mulf %get3A_133, %gather3A_543 : vector<16xf32>
        %add3A_546 = arith.addf %mul3A_544, %mul3A_545 : vector<16xf32>
        %swap3A_547 = arith.constant 31 : i32
        %swap3A_548 = arith.index_cast %swap3A_547 : i32 to index
        %swap3A_549 = arith.index_cast %mul3A_131 : i32 to index
        %swap3A_550 = tpu.vector_load %arg15[%swap3A_548, %swap3A_549] {strides = array<i32>} : memref<64x128xf32, #tpu.memory_space<vmem>>, vector<16xf32>,
        tpu.vector_store %arg15[%swap3A_548, %swap3A_549], %add3A_546 {strides = array<i32>} : memref<64x128xf32, #tpu.memory_space<vmem>>, vector<16xf32>,
        %broadcast_in_dim3A_551 = arith.constant 32 : i32
        %broadcast_in_dim3A_552 = vector.broadcast %broadcast_in_dim3A_551 : i32 to vector<16xi32>
        %gather3A_553 = tpu.vector_load_idx %arg13[%add3A_137, %broadcast_in_dim3A_552] : memref<128x128xf32, #tpu.memory_space<vmem>>[vector<16xi32>, vector<16xi32>], vector<16xf32>,
        %broadcast_in_dim3A_554 = arith.constant 96 : i32
        %broadcast_in_dim3A_555 = vector.broadcast %broadcast_in_dim3A_554 : i32 to vector<16xi32>
        %gather3A_556 = tpu.vector_load_idx %arg13[%add3A_137, %broadcast_in_dim3A_555] : memref<128x128xf32, #tpu.memory_space<vmem>>[vector<16xi32>, vector<16xi32>], vector<16xf32>,
        %mul3A_557 = arith.mulf %sub3A_135, %gather3A_553 : vector<16xf32>
        %mul3A_558 = arith.mulf %get3A_133, %gather3A_556 : vector<16xf32>
        %add3A_559 = arith.addf %mul3A_557, %mul3A_558 : vector<16xf32>
        %swap3A_560 = arith.constant 32 : i32
        %swap3A_561 = arith.index_cast %swap3A_560 : i32 to index
        %swap3A_562 = arith.index_cast %mul3A_131 : i32 to index
        %swap3A_563 = tpu.vector_load %arg15[%swap3A_561, %swap3A_562] {strides = array<i32>} : memref<64x128xf32, #tpu.memory_space<vmem>>, vector<16xf32>,
        tpu.vector_store %arg15[%swap3A_561, %swap3A_562], %add3A_559 {strides = array<i32>} : memref<64x128xf32, #tpu.memory_space<vmem>>, vector<16xf32>,
        %broadcast_in_dim3A_564 = arith.constant 33 : i32
        %broadcast_in_dim3A_565 = vector.broadcast %broadcast_in_dim3A_564 : i32 to vector<16xi32>
        %gather3A_566 = tpu.vector_load_idx %arg13[%add3A_137, %broadcast_in_dim3A_565] : memref<128x128xf32, #tpu.memory_space<vmem>>[vector<16xi32>, vector<16xi32>], vector<16xf32>,
        %broadcast_in_dim3A_567 = arith.constant 97 : i32
        %broadcast_in_dim3A_568 = vector.broadcast %broadcast_in_dim3A_567 : i32 to vector<16xi32>
        %gather3A_569 = tpu.vector_load_idx %arg13[%add3A_137, %broadcast_in_dim3A_568] : memref<128x128xf32, #tpu.memory_space<vmem>>[vector<16xi32>, vector<16xi32>], vector<16xf32>,
        %mul3A_570 = arith.mulf %sub3A_135, %gather3A_566 : vector<16xf32>
        %mul3A_571 = arith.mulf %get3A_133, %gather3A_569 : vector<16xf32>
        %add3A_572 = arith.addf %mul3A_570, %mul3A_571 : vector<16xf32>
        %swap3A_573 = arith.constant 33 : i32
        %swap3A_574 = arith.index_cast %swap3A_573 : i32 to index
        %swap3A_575 = arith.index_cast %mul3A_131 : i32 to index
        %swap3A_576 = tpu.vector_load %arg15[%swap3A_574, %swap3A_575] {strides = array<i32>} : memref<64x128xf32, #tpu.memory_space<vmem>>, vector<16xf32>,
        tpu.vector_store %arg15[%swap3A_574, %swap3A_575], %add3A_572 {strides = array<i32>} : memref<64x128xf32, #tpu.memory_space<vmem>>, vector<16xf32>,
        %broadcast_in_dim3A_577 = arith.constant 34 : i32
        %broadcast_in_dim3A_578 = vector.broadcast %broadcast_in_dim3A_577 : i32 to vector<16xi32>
        %gather3A_579 = tpu.vector_load_idx %arg13[%add3A_137, %broadcast_in_dim3A_578] : memref<128x128xf32, #tpu.memory_space<vmem>>[vector<16xi32>, vector<16xi32>], vector<16xf32>,
        %broadcast_in_dim3A_580 = arith.constant 98 : i32
        %broadcast_in_dim3A_581 = vector.broadcast %broadcast_in_dim3A_580 : i32 to vector<16xi32>
        %gather3A_582 = tpu.vector_load_idx %arg13[%add3A_137, %broadcast_in_dim3A_581] : memref<128x128xf32, #tpu.memory_space<vmem>>[vector<16xi32>, vector<16xi32>], vector<16xf32>,
        %mul3A_583 = arith.mulf %sub3A_135, %gather3A_579 : vector<16xf32>
        %mul3A_584 = arith.mulf %get3A_133, %gather3A_582 : vector<16xf32>
        %add3A_585 = arith.addf %mul3A_583, %mul3A_584 : vector<16xf32>
        %swap3A_586 = arith.constant 34 : i32
        %swap3A_587 = arith.index_cast %swap3A_586 : i32 to index
        %swap3A_588 = arith.index_cast %mul3A_131 : i32 to index
        %swap3A_589 = tpu.vector_load %arg15[%swap3A_587, %swap3A_588] {strides = array<i32>} : memref<64x128xf32, #tpu.memory_space<vmem>>, vector<16xf32>,
        tpu.vector_store %arg15[%swap3A_587, %swap3A_588], %add3A_585 {strides = array<i32>} : memref<64x128xf32, #tpu.memory_space<vmem>>, vector<16xf32>,
        %broadcast_in_dim3A_590 = arith.constant 35 : i32
        %broadcast_in_dim3A_591 = vector.broadcast %broadcast_in_dim3A_590 : i32 to vector<16xi32>
        %gather3A_592 = tpu.vector_load_idx %arg13[%add3A_137, %broadcast_in_dim3A_591] : memref<128x128xf32, #tpu.memory_space<vmem>>[vector<16xi32>, vector<16xi32>], vector<16xf32>,
        %broadcast_in_dim3A_593 = arith.constant 99 : i32
        %broadcast_in_dim3A_594 = vector.broadcast %broadcast_in_dim3A_593 : i32 to vector<16xi32>
        %gather3A_595 = tpu.vector_load_idx %arg13[%add3A_137, %broadcast_in_dim3A_594] : memref<128x128xf32, #tpu.memory_space<vmem>>[vector<16xi32>, vector<16xi32>], vector<16xf32>,
        %mul3A_596 = arith.mulf %sub3A_135, %gather3A_592 : vector<16xf32>
        %mul3A_597 = arith.mulf %get3A_133, %gather3A_595 : vector<16xf32>
        %add3A_598 = arith.addf %mul3A_596, %mul3A_597 : vector<16xf32>
        %swap3A_599 = arith.constant 35 : i32
        %swap3A_600 = arith.index_cast %swap3A_599 : i32 to index
        %swap3A_601 = arith.index_cast %mul3A_131 : i32 to index
        %swap3A_602 = tpu.vector_load %arg15[%swap3A_600, %swap3A_601] {strides = array<i32>} : memref<64x128xf32, #tpu.memory_space<vmem>>, vector<16xf32>,
        tpu.vector_store %arg15[%swap3A_600, %swap3A_601], %add3A_598 {strides = array<i32>} : memref<64x128xf32, #tpu.memory_space<vmem>>, vector<16xf32>,
        %broadcast_in_dim3A_603 = arith.constant 36 : i32
        %broadcast_in_dim3A_604 = vector.broadcast %broadcast_in_dim3A_603 : i32 to vector<16xi32>
        %gather3A_605 = tpu.vector_load_idx %arg13[%add3A_137, %broadcast_in_dim3A_604] : memref<128x128xf32, #tpu.memory_space<vmem>>[vector<16xi32>, vector<16xi32>], vector<16xf32>,
        %broadcast_in_dim3A_606 = arith.constant 100 : i32
        %broadcast_in_dim3A_607 = vector.broadcast %broadcast_in_dim3A_606 : i32 to vector<16xi32>
        %gather3A_608 = tpu.vector_load_idx %arg13[%add3A_137, %broadcast_in_dim3A_607] : memref<128x128xf32, #tpu.memory_space<vmem>>[vector<16xi32>, vector<16xi32>], vector<16xf32>,
        %mul3A_609 = arith.mulf %sub3A_135, %gather3A_605 : vector<16xf32>
        %mul3A_610 = arith.mulf %get3A_133, %gather3A_608 : vector<16xf32>
        %add3A_611 = arith.addf %mul3A_609, %mul3A_610 : vector<16xf32>
        %swap3A_612 = arith.constant 36 : i32
        %swap3A_613 = arith.index_cast %swap3A_612 : i32 to index
        %swap3A_614 = arith.index_cast %mul3A_131 : i32 to index
        %swap3A_615 = tpu.vector_load %arg15[%swap3A_613, %swap3A_614] {strides = array<i32>} : memref<64x128xf32, #tpu.memory_space<vmem>>, vector<16xf32>,
        tpu.vector_store %arg15[%swap3A_613, %swap3A_614], %add3A_611 {strides = array<i32>} : memref<64x128xf32, #tpu.memory_space<vmem>>, vector<16xf32>,
        %broadcast_in_dim3A_616 = arith.constant 37 : i32
        %broadcast_in_dim3A_617 = vector.broadcast %broadcast_in_dim3A_616 : i32 to vector<16xi32>
        %gather3A_618 = tpu.vector_load_idx %arg13[%add3A_137, %broadcast_in_dim3A_617] : memref<128x128xf32, #tpu.memory_space<vmem>>[vector<16xi32>, vector<16xi32>], vector<16xf32>,
        %broadcast_in_dim3A_619 = arith.constant 101 : i32
        %broadcast_in_dim3A_620 = vector.broadcast %broadcast_in_dim3A_619 : i32 to vector<16xi32>
        %gather3A_621 = tpu.vector_load_idx %arg13[%add3A_137, %broadcast_in_dim3A_620] : memref<128x128xf32, #tpu.memory_space<vmem>>[vector<16xi32>, vector<16xi32>], vector<16xf32>,
        %mul3A_622 = arith.mulf %sub3A_135, %gather3A_618 : vector<16xf32>
        %mul3A_623 = arith.mulf %get3A_133, %gather3A_621 : vector<16xf32>
        %add3A_624 = arith.addf %mul3A_622, %mul3A_623 : vector<16xf32>
        %swap3A_625 = arith.constant 37 : i32
        %swap3A_626 = arith.index_cast %swap3A_625 : i32 to index
        %swap3A_627 = arith.index_cast %mul3A_131 : i32 to index
        %swap3A_628 = tpu.vector_load %arg15[%swap3A_626, %swap3A_627] {strides = array<i32>} : memref<64x128xf32, #tpu.memory_space<vmem>>, vector<16xf32>,
        tpu.vector_store %arg15[%swap3A_626, %swap3A_627], %add3A_624 {strides = array<i32>} : memref<64x128xf32, #tpu.memory_space<vmem>>, vector<16xf32>,
        %broadcast_in_dim3A_629 = arith.constant 38 : i32
        %broadcast_in_dim3A_630 = vector.broadcast %broadcast_in_dim3A_629 : i32 to vector<16xi32>
        %gather3A_631 = tpu.vector_load_idx %arg13[%add3A_137, %broadcast_in_dim3A_630] : memref<128x128xf32, #tpu.memory_space<vmem>>[vector<16xi32>, vector<16xi32>], vector<16xf32>,
        %broadcast_in_dim3A_632 = arith.constant 102 : i32
        %broadcast_in_dim3A_633 = vector.broadcast %broadcast_in_dim3A_632 : i32 to vector<16xi32>
        %gather3A_634 = tpu.vector_load_idx %arg13[%add3A_137, %broadcast_in_dim3A_633] : memref<128x128xf32, #tpu.memory_space<vmem>>[vector<16xi32>, vector<16xi32>], vector<16xf32>,
        %mul3A_635 = arith.mulf %sub3A_135, %gather3A_631 : vector<16xf32>
        %mul3A_636 = arith.mulf %get3A_133, %gather3A_634 : vector<16xf32>
        %add3A_637 = arith.addf %mul3A_635, %mul3A_636 : vector<16xf32>
        %swap3A_638 = arith.constant 38 : i32
        %swap3A_639 = arith.index_cast %swap3A_638 : i32 to index
        %swap3A_640 = arith.index_cast %mul3A_131 : i32 to index
        %swap3A_641 = tpu.vector_load %arg15[%swap3A_639, %swap3A_640] {strides = array<i32>} : memref<64x128xf32, #tpu.memory_space<vmem>>, vector<16xf32>,
        tpu.vector_store %arg15[%swap3A_639, %swap3A_640], %add3A_637 {strides = array<i32>} : memref<64x128xf32, #tpu.memory_space<vmem>>, vector<16xf32>,
        %broadcast_in_dim3A_642 = arith.constant 39 : i32
        %broadcast_in_dim3A_643 = vector.broadcast %broadcast_in_dim3A_642 : i32 to vector<16xi32>
        %gather3A_644 = tpu.vector_load_idx %arg13[%add3A_137, %broadcast_in_dim3A_643] : memref<128x128xf32, #tpu.memory_space<vmem>>[vector<16xi32>, vector<16xi32>], vector<16xf32>,
        %broadcast_in_dim3A_645 = arith.constant 103 : i32
        %broadcast_in_dim3A_646 = vector.broadcast %broadcast_in_dim3A_645 : i32 to vector<16xi32>
        %gather3A_647 = tpu.vector_load_idx %arg13[%add3A_137, %broadcast_in_dim3A_646] : memref<128x128xf32, #tpu.memory_space<vmem>>[vector<16xi32>, vector<16xi32>], vector<16xf32>,
        %mul3A_648 = arith.mulf %sub3A_135, %gather3A_644 : vector<16xf32>
        %mul3A_649 = arith.mulf %get3A_133, %gather3A_647 : vector<16xf32>
        %add3A_650 = arith.addf %mul3A_648, %mul3A_649 : vector<16xf32>
        %swap3A_651 = arith.constant 39 : i32
        %swap3A_652 = arith.index_cast %swap3A_651 : i32 to index
        %swap3A_653 = arith.index_cast %mul3A_131 : i32 to index
        %swap3A_654 = tpu.vector_load %arg15[%swap3A_652, %swap3A_653] {strides = array<i32>} : memref<64x128xf32, #tpu.memory_space<vmem>>, vector<16xf32>,
        tpu.vector_store %arg15[%swap3A_652, %swap3A_653], %add3A_650 {strides = array<i32>} : memref<64x128xf32, #tpu.memory_space<vmem>>, vector<16xf32>,
        %broadcast_in_dim3A_655 = arith.constant 40 : i32
        %broadcast_in_dim3A_656 = vector.broadcast %broadcast_in_dim3A_655 : i32 to vector<16xi32>
        %gather3A_657 = tpu.vector_load_idx %arg13[%add3A_137, %broadcast_in_dim3A_656] : memref<128x128xf32, #tpu.memory_space<vmem>>[vector<16xi32>, vector<16xi32>], vector<16xf32>,
        %broadcast_in_dim3A_658 = arith.constant 104 : i32
        %broadcast_in_dim3A_659 = vector.broadcast %broadcast_in_dim3A_658 : i32 to vector<16xi32>
        %gather3A_660 = tpu.vector_load_idx %arg13[%add3A_137, %broadcast_in_dim3A_659] : memref<128x128xf32, #tpu.memory_space<vmem>>[vector<16xi32>, vector<16xi32>], vector<16xf32>,
        %mul3A_661 = arith.mulf %sub3A_135, %gather3A_657 : vector<16xf32>
        %mul3A_662 = arith.mulf %get3A_133, %gather3A_660 : vector<16xf32>
        %add3A_663 = arith.addf %mul3A_661, %mul3A_662 : vector<16xf32>
        %swap3A_664 = arith.constant 40 : i32
        %swap3A_665 = arith.index_cast %swap3A_664 : i32 to index
        %swap3A_666 = arith.index_cast %mul3A_131 : i32 to index
        %swap3A_667 = tpu.vector_load %arg15[%swap3A_665, %swap3A_666] {strides = array<i32>} : memref<64x128xf32, #tpu.memory_space<vmem>>, vector<16xf32>,
        tpu.vector_store %arg15[%swap3A_665, %swap3A_666], %add3A_663 {strides = array<i32>} : memref<64x128xf32, #tpu.memory_space<vmem>>, vector<16xf32>,
        %broadcast_in_dim3A_668 = arith.constant 41 : i32
        %broadcast_in_dim3A_669 = vector.broadcast %broadcast_in_dim3A_668 : i32 to vector<16xi32>
        %gather3A_670 = tpu.vector_load_idx %arg13[%add3A_137, %broadcast_in_dim3A_669] : memref<128x128xf32, #tpu.memory_space<vmem>>[vector<16xi32>, vector<16xi32>], vector<16xf32>,
        %broadcast_in_dim3A_671 = arith.constant 105 : i32
        %broadcast_in_dim3A_672 = vector.broadcast %broadcast_in_dim3A_671 : i32 to vector<16xi32>
        %gather3A_673 = tpu.vector_load_idx %arg13[%add3A_137, %broadcast_in_dim3A_672] : memref<128x128xf32, #tpu.memory_space<vmem>>[vector<16xi32>, vector<16xi32>], vector<16xf32>,
        %mul3A_674 = arith.mulf %sub3A_135, %gather3A_670 : vector<16xf32>
        %mul3A_675 = arith.mulf %get3A_133, %gather3A_673 : vector<16xf32>
        %add3A_676 = arith.addf %mul3A_674, %mul3A_675 : vector<16xf32>
        %swap3A_677 = arith.constant 41 : i32
        %swap3A_678 = arith.index_cast %swap3A_677 : i32 to index
        %swap3A_679 = arith.index_cast %mul3A_131 : i32 to index
        %swap3A_680 = tpu.vector_load %arg15[%swap3A_678, %swap3A_679] {strides = array<i32>} : memref<64x128xf32, #tpu.memory_space<vmem>>, vector<16xf32>,
        tpu.vector_store %arg15[%swap3A_678, %swap3A_679], %add3A_676 {strides = array<i32>} : memref<64x128xf32, #tpu.memory_space<vmem>>, vector<16xf32>,
        %broadcast_in_dim3A_681 = arith.constant 42 : i32
        %broadcast_in_dim3A_682 = vector.broadcast %broadcast_in_dim3A_681 : i32 to vector<16xi32>
        %gather3A_683 = tpu.vector_load_idx %arg13[%add3A_137, %broadcast_in_dim3A_682] : memref<128x128xf32, #tpu.memory_space<vmem>>[vector<16xi32>, vector<16xi32>], vector<16xf32>,
        %broadcast_in_dim3A_684 = arith.constant 106 : i32
        %broadcast_in_dim3A_685 = vector.broadcast %broadcast_in_dim3A_684 : i32 to vector<16xi32>
        %gather3A_686 = tpu.vector_load_idx %arg13[%add3A_137, %broadcast_in_dim3A_685] : memref<128x128xf32, #tpu.memory_space<vmem>>[vector<16xi32>, vector<16xi32>], vector<16xf32>,
        %mul3A_687 = arith.mulf %sub3A_135, %gather3A_683 : vector<16xf32>
        %mul3A_688 = arith.mulf %get3A_133, %gather3A_686 : vector<16xf32>
        %add3A_689 = arith.addf %mul3A_687, %mul3A_688 : vector<16xf32>
        %swap3A_690 = arith.constant 42 : i32
        %swap3A_691 = arith.index_cast %swap3A_690 : i32 to index
        %swap3A_692 = arith.index_cast %mul3A_131 : i32 to index
        %swap3A_693 = tpu.vector_load %arg15[%swap3A_691, %swap3A_692] {strides = array<i32>} : memref<64x128xf32, #tpu.memory_space<vmem>>, vector<16xf32>,
        tpu.vector_store %arg15[%swap3A_691, %swap3A_692], %add3A_689 {strides = array<i32>} : memref<64x128xf32, #tpu.memory_space<vmem>>, vector<16xf32>,
        %broadcast_in_dim3A_694 = arith.constant 43 : i32
        %broadcast_in_dim3A_695 = vector.broadcast %broadcast_in_dim3A_694 : i32 to vector<16xi32>
        %gather3A_696 = tpu.vector_load_idx %arg13[%add3A_137, %broadcast_in_dim3A_695] : memref<128x128xf32, #tpu.memory_space<vmem>>[vector<16xi32>, vector<16xi32>], vector<16xf32>,
        %broadcast_in_dim3A_697 = arith.constant 107 : i32
        %broadcast_in_dim3A_698 = vector.broadcast %broadcast_in_dim3A_697 : i32 to vector<16xi32>
        %gather3A_699 = tpu.vector_load_idx %arg13[%add3A_137, %broadcast_in_dim3A_698] : memref<128x128xf32, #tpu.memory_space<vmem>>[vector<16xi32>, vector<16xi32>], vector<16xf32>,
        %mul3A_700 = arith.mulf %sub3A_135, %gather3A_696 : vector<16xf32>
        %mul3A_701 = arith.mulf %get3A_133, %gather3A_699 : vector<16xf32>
        %add3A_702 = arith.addf %mul3A_700, %mul3A_701 : vector<16xf32>
        %swap3A_703 = arith.constant 43 : i32
        %swap3A_704 = arith.index_cast %swap3A_703 : i32 to index
        %swap3A_705 = arith.index_cast %mul3A_131 : i32 to index
        %swap3A_706 = tpu.vector_load %arg15[%swap3A_704, %swap3A_705] {strides = array<i32>} : memref<64x128xf32, #tpu.memory_space<vmem>>, vector<16xf32>,
        tpu.vector_store %arg15[%swap3A_704, %swap3A_705], %add3A_702 {strides = array<i32>} : memref<64x128xf32, #tpu.memory_space<vmem>>, vector<16xf32>,
        %broadcast_in_dim3A_707 = arith.constant 44 : i32
        %broadcast_in_dim3A_708 = vector.broadcast %broadcast_in_dim3A_707 : i32 to vector<16xi32>
        %gather3A_709 = tpu.vector_load_idx %arg13[%add3A_137, %broadcast_in_dim3A_708] : memref<128x128xf32, #tpu.memory_space<vmem>>[vector<16xi32>, vector<16xi32>], vector<16xf32>,
        %broadcast_in_dim3A_710 = arith.constant 108 : i32
        %broadcast_in_dim3A_711 = vector.broadcast %broadcast_in_dim3A_710 : i32 to vector<16xi32>
        %gather3A_712 = tpu.vector_load_idx %arg13[%add3A_137, %broadcast_in_dim3A_711] : memref<128x128xf32, #tpu.memory_space<vmem>>[vector<16xi32>, vector<16xi32>], vector<16xf32>,
        %mul3A_713 = arith.mulf %sub3A_135, %gather3A_709 : vector<16xf32>
        %mul3A_714 = arith.mulf %get3A_133, %gather3A_712 : vector<16xf32>
        %add3A_715 = arith.addf %mul3A_713, %mul3A_714 : vector<16xf32>
        %swap3A_716 = arith.constant 44 : i32
        %swap3A_717 = arith.index_cast %swap3A_716 : i32 to index
        %swap3A_718 = arith.index_cast %mul3A_131 : i32 to index
        %swap3A_719 = tpu.vector_load %arg15[%swap3A_717, %swap3A_718] {strides = array<i32>} : memref<64x128xf32, #tpu.memory_space<vmem>>, vector<16xf32>,
        tpu.vector_store %arg15[%swap3A_717, %swap3A_718], %add3A_715 {strides = array<i32>} : memref<64x128xf32, #tpu.memory_space<vmem>>, vector<16xf32>,
        %broadcast_in_dim3A_720 = arith.constant 45 : i32
        %broadcast_in_dim3A_721 = vector.broadcast %broadcast_in_dim3A_720 : i32 to vector<16xi32>
        %gather3A_722 = tpu.vector_load_idx %arg13[%add3A_137, %broadcast_in_dim3A_721] : memref<128x128xf32, #tpu.memory_space<vmem>>[vector<16xi32>, vector<16xi32>], vector<16xf32>,
        %broadcast_in_dim3A_723 = arith.constant 109 : i32
        %broadcast_in_dim3A_724 = vector.broadcast %broadcast_in_dim3A_723 : i32 to vector<16xi32>
        %gather3A_725 = tpu.vector_load_idx %arg13[%add3A_137, %broadcast_in_dim3A_724] : memref<128x128xf32, #tpu.memory_space<vmem>>[vector<16xi32>, vector<16xi32>], vector<16xf32>,
        %mul3A_726 = arith.mulf %sub3A_135, %gather3A_722 : vector<16xf32>
        %mul3A_727 = arith.mulf %get3A_133, %gather3A_725 : vector<16xf32>
        %add3A_728 = arith.addf %mul3A_726, %mul3A_727 : vector<16xf32>
        %swap3A_729 = arith.constant 45 : i32
        %swap3A_730 = arith.index_cast %swap3A_729 : i32 to index
        %swap3A_731 = arith.index_cast %mul3A_131 : i32 to index
        %swap3A_732 = tpu.vector_load %arg15[%swap3A_730, %swap3A_731] {strides = array<i32>} : memref<64x128xf32, #tpu.memory_space<vmem>>, vector<16xf32>,
        tpu.vector_store %arg15[%swap3A_730, %swap3A_731], %add3A_728 {strides = array<i32>} : memref<64x128xf32, #tpu.memory_space<vmem>>, vector<16xf32>,
        %broadcast_in_dim3A_733 = arith.constant 46 : i32
        %broadcast_in_dim3A_734 = vector.broadcast %broadcast_in_dim3A_733 : i32 to vector<16xi32>
        %gather3A_735 = tpu.vector_load_idx %arg13[%add3A_137, %broadcast_in_dim3A_734] : memref<128x128xf32, #tpu.memory_space<vmem>>[vector<16xi32>, vector<16xi32>], vector<16xf32>,
        %broadcast_in_dim3A_736 = arith.constant 110 : i32
        %broadcast_in_dim3A_737 = vector.broadcast %broadcast_in_dim3A_736 : i32 to vector<16xi32>
        %gather3A_738 = tpu.vector_load_idx %arg13[%add3A_137, %broadcast_in_dim3A_737] : memref<128x128xf32, #tpu.memory_space<vmem>>[vector<16xi32>, vector<16xi32>], vector<16xf32>,
        %mul3A_739 = arith.mulf %sub3A_135, %gather3A_735 : vector<16xf32>
        %mul3A_740 = arith.mulf %get3A_133, %gather3A_738 : vector<16xf32>
        %add3A_741 = arith.addf %mul3A_739, %mul3A_740 : vector<16xf32>
        %swap3A_742 = arith.constant 46 : i32
        %swap3A_743 = arith.index_cast %swap3A_742 : i32 to index
        %swap3A_744 = arith.index_cast %mul3A_131 : i32 to index
        %swap3A_745 = tpu.vector_load %arg15[%swap3A_743, %swap3A_744] {strides = array<i32>} : memref<64x128xf32, #tpu.memory_space<vmem>>, vector<16xf32>,
        tpu.vector_store %arg15[%swap3A_743, %swap3A_744], %add3A_741 {strides = array<i32>} : memref<64x128xf32, #tpu.memory_space<vmem>>, vector<16xf32>,
        %broadcast_in_dim3A_746 = arith.constant 47 : i32
        %broadcast_in_dim3A_747 = vector.broadcast %broadcast_in_dim3A_746 : i32 to vector<16xi32>
        %gather3A_748 = tpu.vector_load_idx %arg13[%add3A_137, %broadcast_in_dim3A_747] : memref<128x128xf32, #tpu.memory_space<vmem>>[vector<16xi32>, vector<16xi32>], vector<16xf32>,
        %broadcast_in_dim3A_749 = arith.constant 111 : i32
        %broadcast_in_dim3A_750 = vector.broadcast %broadcast_in_dim3A_749 : i32 to vector<16xi32>
        %gather3A_751 = tpu.vector_load_idx %arg13[%add3A_137, %broadcast_in_dim3A_750] : memref<128x128xf32, #tpu.memory_space<vmem>>[vector<16xi32>, vector<16xi32>], vector<16xf32>,
        %mul3A_752 = arith.mulf %sub3A_135, %gather3A_748 : vector<16xf32>
        %mul3A_753 = arith.mulf %get3A_133, %gather3A_751 : vector<16xf32>
        %add3A_754 = arith.addf %mul3A_752, %mul3A_753 : vector<16xf32>
        %swap3A_755 = arith.constant 47 : i32
        %swap3A_756 = arith.index_cast %swap3A_755 : i32 to index
        %swap3A_757 = arith.index_cast %mul3A_131 : i32 to index
        %swap3A_758 = tpu.vector_load %arg15[%swap3A_756, %swap3A_757] {strides = array<i32>} : memref<64x128xf32, #tpu.memory_space<vmem>>, vector<16xf32>,
        tpu.vector_store %arg15[%swap3A_756, %swap3A_757], %add3A_754 {strides = array<i32>} : memref<64x128xf32, #tpu.memory_space<vmem>>, vector<16xf32>,
        %broadcast_in_dim3A_759 = arith.constant 48 : i32
        %broadcast_in_dim3A_760 = vector.broadcast %broadcast_in_dim3A_759 : i32 to vector<16xi32>
        %gather3A_761 = tpu.vector_load_idx %arg13[%add3A_137, %broadcast_in_dim3A_760] : memref<128x128xf32, #tpu.memory_space<vmem>>[vector<16xi32>, vector<16xi32>], vector<16xf32>,
        %broadcast_in_dim3A_762 = arith.constant 112 : i32
        %broadcast_in_dim3A_763 = vector.broadcast %broadcast_in_dim3A_762 : i32 to vector<16xi32>
        %gather3A_764 = tpu.vector_load_idx %arg13[%add3A_137, %broadcast_in_dim3A_763] : memref<128x128xf32, #tpu.memory_space<vmem>>[vector<16xi32>, vector<16xi32>], vector<16xf32>,
        %mul3A_765 = arith.mulf %sub3A_135, %gather3A_761 : vector<16xf32>
        %mul3A_766 = arith.mulf %get3A_133, %gather3A_764 : vector<16xf32>
        %add3A_767 = arith.addf %mul3A_765, %mul3A_766 : vector<16xf32>
        %swap3A_768 = arith.constant 48 : i32
        %swap3A_769 = arith.index_cast %swap3A_768 : i32 to index
        %swap3A_770 = arith.index_cast %mul3A_131 : i32 to index
        %swap3A_771 = tpu.vector_load %arg15[%swap3A_769, %swap3A_770] {strides = array<i32>} : memref<64x128xf32, #tpu.memory_space<vmem>>, vector<16xf32>,
        tpu.vector_store %arg15[%swap3A_769, %swap3A_770], %add3A_767 {strides = array<i32>} : memref<64x128xf32, #tpu.memory_space<vmem>>, vector<16xf32>,
        %broadcast_in_dim3A_772 = arith.constant 49 : i32
        %broadcast_in_dim3A_773 = vector.broadcast %broadcast_in_dim3A_772 : i32 to vector<16xi32>
        %gather3A_774 = tpu.vector_load_idx %arg13[%add3A_137, %broadcast_in_dim3A_773] : memref<128x128xf32, #tpu.memory_space<vmem>>[vector<16xi32>, vector<16xi32>], vector<16xf32>,
        %broadcast_in_dim3A_775 = arith.constant 113 : i32
        %broadcast_in_dim3A_776 = vector.broadcast %broadcast_in_dim3A_775 : i32 to vector<16xi32>
        %gather3A_777 = tpu.vector_load_idx %arg13[%add3A_137, %broadcast_in_dim3A_776] : memref<128x128xf32, #tpu.memory_space<vmem>>[vector<16xi32>, vector<16xi32>], vector<16xf32>,
        %mul3A_778 = arith.mulf %sub3A_135, %gather3A_774 : vector<16xf32>
        %mul3A_779 = arith.mulf %get3A_133, %gather3A_777 : vector<16xf32>
        %add3A_780 = arith.addf %mul3A_778, %mul3A_779 : vector<16xf32>
        %swap3A_781 = arith.constant 49 : i32
        %swap3A_782 = arith.index_cast %swap3A_781 : i32 to index
        %swap3A_783 = arith.index_cast %mul3A_131 : i32 to index
        %swap3A_784 = tpu.vector_load %arg15[%swap3A_782, %swap3A_783] {strides = array<i32>} : memref<64x128xf32, #tpu.memory_space<vmem>>, vector<16xf32>,
        tpu.vector_store %arg15[%swap3A_782, %swap3A_783], %add3A_780 {strides = array<i32>} : memref<64x128xf32, #tpu.memory_space<vmem>>, vector<16xf32>,
        %broadcast_in_dim3A_785 = arith.constant 50 : i32
        %broadcast_in_dim3A_786 = vector.broadcast %broadcast_in_dim3A_785 : i32 to vector<16xi32>
        %gather3A_787 = tpu.vector_load_idx %arg13[%add3A_137, %broadcast_in_dim3A_786] : memref<128x128xf32, #tpu.memory_space<vmem>>[vector<16xi32>, vector<16xi32>], vector<16xf32>,
        %broadcast_in_dim3A_788 = arith.constant 114 : i32
        %broadcast_in_dim3A_789 = vector.broadcast %broadcast_in_dim3A_788 : i32 to vector<16xi32>
        %gather3A_790 = tpu.vector_load_idx %arg13[%add3A_137, %broadcast_in_dim3A_789] : memref<128x128xf32, #tpu.memory_space<vmem>>[vector<16xi32>, vector<16xi32>], vector<16xf32>,
        %mul3A_791 = arith.mulf %sub3A_135, %gather3A_787 : vector<16xf32>
        %mul3A_792 = arith.mulf %get3A_133, %gather3A_790 : vector<16xf32>
        %add3A_793 = arith.addf %mul3A_791, %mul3A_792 : vector<16xf32>
        %swap3A_794 = arith.constant 50 : i32
        %swap3A_795 = arith.index_cast %swap3A_794 : i32 to index
        %swap3A_796 = arith.index_cast %mul3A_131 : i32 to index
        %swap3A_797 = tpu.vector_load %arg15[%swap3A_795, %swap3A_796] {strides = array<i32>} : memref<64x128xf32, #tpu.memory_space<vmem>>, vector<16xf32>,
        tpu.vector_store %arg15[%swap3A_795, %swap3A_796], %add3A_793 {strides = array<i32>} : memref<64x128xf32, #tpu.memory_space<vmem>>, vector<16xf32>,
        %broadcast_in_dim3A_798 = arith.constant 51 : i32
        %broadcast_in_dim3A_799 = vector.broadcast %broadcast_in_dim3A_798 : i32 to vector<16xi32>
        %gather3A_800 = tpu.vector_load_idx %arg13[%add3A_137, %broadcast_in_dim3A_799] : memref<128x128xf32, #tpu.memory_space<vmem>>[vector<16xi32>, vector<16xi32>], vector<16xf32>,
        %broadcast_in_dim3A_801 = arith.constant 115 : i32
        %broadcast_in_dim3A_802 = vector.broadcast %broadcast_in_dim3A_801 : i32 to vector<16xi32>
        %gather3A_803 = tpu.vector_load_idx %arg13[%add3A_137, %broadcast_in_dim3A_802] : memref<128x128xf32, #tpu.memory_space<vmem>>[vector<16xi32>, vector<16xi32>], vector<16xf32>,
        %mul3A_804 = arith.mulf %sub3A_135, %gather3A_800 : vector<16xf32>
        %mul3A_805 = arith.mulf %get3A_133, %gather3A_803 : vector<16xf32>
        %add3A_806 = arith.addf %mul3A_804, %mul3A_805 : vector<16xf32>
        %swap3A_807 = arith.constant 51 : i32
        %swap3A_808 = arith.index_cast %swap3A_807 : i32 to index
        %swap3A_809 = arith.index_cast %mul3A_131 : i32 to index
        %swap3A_810 = tpu.vector_load %arg15[%swap3A_808, %swap3A_809] {strides = array<i32>} : memref<64x128xf32, #tpu.memory_space<vmem>>, vector<16xf32>,
        tpu.vector_store %arg15[%swap3A_808, %swap3A_809], %add3A_806 {strides = array<i32>} : memref<64x128xf32, #tpu.memory_space<vmem>>, vector<16xf32>,
        %broadcast_in_dim3A_811 = arith.constant 52 : i32
        %broadcast_in_dim3A_812 = vector.broadcast %broadcast_in_dim3A_811 : i32 to vector<16xi32>
        %gather3A_813 = tpu.vector_load_idx %arg13[%add3A_137, %broadcast_in_dim3A_812] : memref<128x128xf32, #tpu.memory_space<vmem>>[vector<16xi32>, vector<16xi32>], vector<16xf32>,
        %broadcast_in_dim3A_814 = arith.constant 116 : i32
        %broadcast_in_dim3A_815 = vector.broadcast %broadcast_in_dim3A_814 : i32 to vector<16xi32>
        %gather3A_816 = tpu.vector_load_idx %arg13[%add3A_137, %broadcast_in_dim3A_815] : memref<128x128xf32, #tpu.memory_space<vmem>>[vector<16xi32>, vector<16xi32>], vector<16xf32>,
        %mul3A_817 = arith.mulf %sub3A_135, %gather3A_813 : vector<16xf32>
        %mul3A_818 = arith.mulf %get3A_133, %gather3A_816 : vector<16xf32>
        %add3A_819 = arith.addf %mul3A_817, %mul3A_818 : vector<16xf32>
        %swap3A_820 = arith.constant 52 : i32
        %swap3A_821 = arith.index_cast %swap3A_820 : i32 to index
        %swap3A_822 = arith.index_cast %mul3A_131 : i32 to index
        %swap3A_823 = tpu.vector_load %arg15[%swap3A_821, %swap3A_822] {strides = array<i32>} : memref<64x128xf32, #tpu.memory_space<vmem>>, vector<16xf32>,
        tpu.vector_store %arg15[%swap3A_821, %swap3A_822], %add3A_819 {strides = array<i32>} : memref<64x128xf32, #tpu.memory_space<vmem>>, vector<16xf32>,
        %broadcast_in_dim3A_824 = arith.constant 53 : i32
        %broadcast_in_dim3A_825 = vector.broadcast %broadcast_in_dim3A_824 : i32 to vector<16xi32>
        %gather3A_826 = tpu.vector_load_idx %arg13[%add3A_137, %broadcast_in_dim3A_825] : memref<128x128xf32, #tpu.memory_space<vmem>>[vector<16xi32>, vector<16xi32>], vector<16xf32>,
        %broadcast_in_dim3A_827 = arith.constant 117 : i32
        %broadcast_in_dim3A_828 = vector.broadcast %broadcast_in_dim3A_827 : i32 to vector<16xi32>
        %gather3A_829 = tpu.vector_load_idx %arg13[%add3A_137, %broadcast_in_dim3A_828] : memref<128x128xf32, #tpu.memory_space<vmem>>[vector<16xi32>, vector<16xi32>], vector<16xf32>,
        %mul3A_830 = arith.mulf %sub3A_135, %gather3A_826 : vector<16xf32>
        %mul3A_831 = arith.mulf %get3A_133, %gather3A_829 : vector<16xf32>
        %add3A_832 = arith.addf %mul3A_830, %mul3A_831 : vector<16xf32>
        %swap3A_833 = arith.constant 53 : i32
        %swap3A_834 = arith.index_cast %swap3A_833 : i32 to index
        %swap3A_835 = arith.index_cast %mul3A_131 : i32 to index
        %swap3A_836 = tpu.vector_load %arg15[%swap3A_834, %swap3A_835] {strides = array<i32>} : memref<64x128xf32, #tpu.memory_space<vmem>>, vector<16xf32>,
        tpu.vector_store %arg15[%swap3A_834, %swap3A_835], %add3A_832 {strides = array<i32>} : memref<64x128xf32, #tpu.memory_space<vmem>>, vector<16xf32>,
        %broadcast_in_dim3A_837 = arith.constant 54 : i32
        %broadcast_in_dim3A_838 = vector.broadcast %broadcast_in_dim3A_837 : i32 to vector<16xi32>
        %gather3A_839 = tpu.vector_load_idx %arg13[%add3A_137, %broadcast_in_dim3A_838] : memref<128x128xf32, #tpu.memory_space<vmem>>[vector<16xi32>, vector<16xi32>], vector<16xf32>,
        %broadcast_in_dim3A_840 = arith.constant 118 : i32
        %broadcast_in_dim3A_841 = vector.broadcast %broadcast_in_dim3A_840 : i32 to vector<16xi32>
        %gather3A_842 = tpu.vector_load_idx %arg13[%add3A_137, %broadcast_in_dim3A_841] : memref<128x128xf32, #tpu.memory_space<vmem>>[vector<16xi32>, vector<16xi32>], vector<16xf32>,
        %mul3A_843 = arith.mulf %sub3A_135, %gather3A_839 : vector<16xf32>
        %mul3A_844 = arith.mulf %get3A_133, %gather3A_842 : vector<16xf32>
        %add3A_845 = arith.addf %mul3A_843, %mul3A_844 : vector<16xf32>
        %swap3A_846 = arith.constant 54 : i32
        %swap3A_847 = arith.index_cast %swap3A_846 : i32 to index
        %swap3A_848 = arith.index_cast %mul3A_131 : i32 to index
        %swap3A_849 = tpu.vector_load %arg15[%swap3A_847, %swap3A_848] {strides = array<i32>} : memref<64x128xf32, #tpu.memory_space<vmem>>, vector<16xf32>,
        tpu.vector_store %arg15[%swap3A_847, %swap3A_848], %add3A_845 {strides = array<i32>} : memref<64x128xf32, #tpu.memory_space<vmem>>, vector<16xf32>,
        %broadcast_in_dim3A_850 = arith.constant 55 : i32
        %broadcast_in_dim3A_851 = vector.broadcast %broadcast_in_dim3A_850 : i32 to vector<16xi32>
        %gather3A_852 = tpu.vector_load_idx %arg13[%add3A_137, %broadcast_in_dim3A_851] : memref<128x128xf32, #tpu.memory_space<vmem>>[vector<16xi32>, vector<16xi32>], vector<16xf32>,
        %broadcast_in_dim3A_853 = arith.constant 119 : i32
        %broadcast_in_dim3A_854 = vector.broadcast %broadcast_in_dim3A_853 : i32 to vector<16xi32>
        %gather3A_855 = tpu.vector_load_idx %arg13[%add3A_137, %broadcast_in_dim3A_854] : memref<128x128xf32, #tpu.memory_space<vmem>>[vector<16xi32>, vector<16xi32>], vector<16xf32>,
        %mul3A_856 = arith.mulf %sub3A_135, %gather3A_852 : vector<16xf32>
        %mul3A_857 = arith.mulf %get3A_133, %gather3A_855 : vector<16xf32>
        %add3A_858 = arith.addf %mul3A_856, %mul3A_857 : vector<16xf32>
        %swap3A_859 = arith.constant 55 : i32
        %swap3A_860 = arith.index_cast %swap3A_859 : i32 to index
        %swap3A_861 = arith.index_cast %mul3A_131 : i32 to index
        %swap3A_862 = tpu.vector_load %arg15[%swap3A_860, %swap3A_861] {strides = array<i32>} : memref<64x128xf32, #tpu.memory_space<vmem>>, vector<16xf32>,
        tpu.vector_store %arg15[%swap3A_860, %swap3A_861], %add3A_858 {strides = array<i32>} : memref<64x128xf32, #tpu.memory_space<vmem>>, vector<16xf32>,
        %broadcast_in_dim3A_863 = arith.constant 56 : i32
        %broadcast_in_dim3A_864 = vector.broadcast %broadcast_in_dim3A_863 : i32 to vector<16xi32>
        %gather3A_865 = tpu.vector_load_idx %arg13[%add3A_137, %broadcast_in_dim3A_864] : memref<128x128xf32, #tpu.memory_space<vmem>>[vector<16xi32>, vector<16xi32>], vector<16xf32>,
        %broadcast_in_dim3A_866 = arith.constant 120 : i32
        %broadcast_in_dim3A_867 = vector.broadcast %broadcast_in_dim3A_866 : i32 to vector<16xi32>
        %gather3A_868 = tpu.vector_load_idx %arg13[%add3A_137, %broadcast_in_dim3A_867] : memref<128x128xf32, #tpu.memory_space<vmem>>[vector<16xi32>, vector<16xi32>], vector<16xf32>,
        %mul3A_869 = arith.mulf %sub3A_135, %gather3A_865 : vector<16xf32>
        %mul3A_870 = arith.mulf %get3A_133, %gather3A_868 : vector<16xf32>
        %add3A_871 = arith.addf %mul3A_869, %mul3A_870 : vector<16xf32>
        %swap3A_872 = arith.constant 56 : i32
        %swap3A_873 = arith.index_cast %swap3A_872 : i32 to index
        %swap3A_874 = arith.index_cast %mul3A_131 : i32 to index
        %swap3A_875 = tpu.vector_load %arg15[%swap3A_873, %swap3A_874] {strides = array<i32>} : memref<64x128xf32, #tpu.memory_space<vmem>>, vector<16xf32>,
        tpu.vector_store %arg15[%swap3A_873, %swap3A_874], %add3A_871 {strides = array<i32>} : memref<64x128xf32, #tpu.memory_space<vmem>>, vector<16xf32>,
        %broadcast_in_dim3A_876 = arith.constant 57 : i32
        %broadcast_in_dim3A_877 = vector.broadcast %broadcast_in_dim3A_876 : i32 to vector<16xi32>
        %gather3A_878 = tpu.vector_load_idx %arg13[%add3A_137, %broadcast_in_dim3A_877] : memref<128x128xf32, #tpu.memory_space<vmem>>[vector<16xi32>, vector<16xi32>], vector<16xf32>,
        %broadcast_in_dim3A_879 = arith.constant 121 : i32
        %broadcast_in_dim3A_880 = vector.broadcast %broadcast_in_dim3A_879 : i32 to vector<16xi32>
        %gather3A_881 = tpu.vector_load_idx %arg13[%add3A_137, %broadcast_in_dim3A_880] : memref<128x128xf32, #tpu.memory_space<vmem>>[vector<16xi32>, vector<16xi32>], vector<16xf32>,
        %mul3A_882 = arith.mulf %sub3A_135, %gather3A_878 : vector<16xf32>
        %mul3A_883 = arith.mulf %get3A_133, %gather3A_881 : vector<16xf32>
        %add3A_884 = arith.addf %mul3A_882, %mul3A_883 : vector<16xf32>
        %swap3A_885 = arith.constant 57 : i32
        %swap3A_886 = arith.index_cast %swap3A_885 : i32 to index
        %swap3A_887 = arith.index_cast %mul3A_131 : i32 to index
        %swap3A_888 = tpu.vector_load %arg15[%swap3A_886, %swap3A_887] {strides = array<i32>} : memref<64x128xf32, #tpu.memory_space<vmem>>, vector<16xf32>,
        tpu.vector_store %arg15[%swap3A_886, %swap3A_887], %add3A_884 {strides = array<i32>} : memref<64x128xf32, #tpu.memory_space<vmem>>, vector<16xf32>,
        %broadcast_in_dim3A_889 = arith.constant 58 : i32
        %broadcast_in_dim3A_890 = vector.broadcast %broadcast_in_dim3A_889 : i32 to vector<16xi32>
        %gather3A_891 = tpu.vector_load_idx %arg13[%add3A_137, %broadcast_in_dim3A_890] : memref<128x128xf32, #tpu.memory_space<vmem>>[vector<16xi32>, vector<16xi32>], vector<16xf32>,
        %broadcast_in_dim3A_892 = arith.constant 122 : i32
        %broadcast_in_dim3A_893 = vector.broadcast %broadcast_in_dim3A_892 : i32 to vector<16xi32>
        %gather3A_894 = tpu.vector_load_idx %arg13[%add3A_137, %broadcast_in_dim3A_893] : memref<128x128xf32, #tpu.memory_space<vmem>>[vector<16xi32>, vector<16xi32>], vector<16xf32>,
        %mul3A_895 = arith.mulf %sub3A_135, %gather3A_891 : vector<16xf32>
        %mul3A_896 = arith.mulf %get3A_133, %gather3A_894 : vector<16xf32>
        %add3A_897 = arith.addf %mul3A_895, %mul3A_896 : vector<16xf32>
        %swap3A_898 = arith.constant 58 : i32
        %swap3A_899 = arith.index_cast %swap3A_898 : i32 to index
        %swap3A_900 = arith.index_cast %mul3A_131 : i32 to index
        %swap3A_901 = tpu.vector_load %arg15[%swap3A_899, %swap3A_900] {strides = array<i32>} : memref<64x128xf32, #tpu.memory_space<vmem>>, vector<16xf32>,
        tpu.vector_store %arg15[%swap3A_899, %swap3A_900], %add3A_897 {strides = array<i32>} : memref<64x128xf32, #tpu.memory_space<vmem>>, vector<16xf32>,
        %broadcast_in_dim3A_902 = arith.constant 59 : i32
        %broadcast_in_dim3A_903 = vector.broadcast %broadcast_in_dim3A_902 : i32 to vector<16xi32>
        %gather3A_904 = tpu.vector_load_idx %arg13[%add3A_137, %broadcast_in_dim3A_903] : memref<128x128xf32, #tpu.memory_space<vmem>>[vector<16xi32>, vector<16xi32>], vector<16xf32>,
        %broadcast_in_dim3A_905 = arith.constant 123 : i32
        %broadcast_in_dim3A_906 = vector.broadcast %broadcast_in_dim3A_905 : i32 to vector<16xi32>
        %gather3A_907 = tpu.vector_load_idx %arg13[%add3A_137, %broadcast_in_dim3A_906] : memref<128x128xf32, #tpu.memory_space<vmem>>[vector<16xi32>, vector<16xi32>], vector<16xf32>,
        %mul3A_908 = arith.mulf %sub3A_135, %gather3A_904 : vector<16xf32>
        %mul3A_909 = arith.mulf %get3A_133, %gather3A_907 : vector<16xf32>
        %add3A_910 = arith.addf %mul3A_908, %mul3A_909 : vector<16xf32>
        %swap3A_911 = arith.constant 59 : i32
        %swap3A_912 = arith.index_cast %swap3A_911 : i32 to index
        %swap3A_913 = arith.index_cast %mul3A_131 : i32 to index
        %swap3A_914 = tpu.vector_load %arg15[%swap3A_912, %swap3A_913] {strides = array<i32>} : memref<64x128xf32, #tpu.memory_space<vmem>>, vector<16xf32>,
        tpu.vector_store %arg15[%swap3A_912, %swap3A_913], %add3A_910 {strides = array<i32>} : memref<64x128xf32, #tpu.memory_space<vmem>>, vector<16xf32>,
        %broadcast_in_dim3A_915 = arith.constant 60 : i32
        %broadcast_in_dim3A_916 = vector.broadcast %broadcast_in_dim3A_915 : i32 to vector<16xi32>
        %gather3A_917 = tpu.vector_load_idx %arg13[%add3A_137, %broadcast_in_dim3A_916] : memref<128x128xf32, #tpu.memory_space<vmem>>[vector<16xi32>, vector<16xi32>], vector<16xf32>,
        %broadcast_in_dim3A_918 = arith.constant 124 : i32
        %broadcast_in_dim3A_919 = vector.broadcast %broadcast_in_dim3A_918 : i32 to vector<16xi32>
        %gather3A_920 = tpu.vector_load_idx %arg13[%add3A_137, %broadcast_in_dim3A_919] : memref<128x128xf32, #tpu.memory_space<vmem>>[vector<16xi32>, vector<16xi32>], vector<16xf32>,
        %mul3A_921 = arith.mulf %sub3A_135, %gather3A_917 : vector<16xf32>
        %mul3A_922 = arith.mulf %get3A_133, %gather3A_920 : vector<16xf32>
        %add3A_923 = arith.addf %mul3A_921, %mul3A_922 : vector<16xf32>
        %swap3A_924 = arith.constant 60 : i32
        %swap3A_925 = arith.index_cast %swap3A_924 : i32 to index
        %swap3A_926 = arith.index_cast %mul3A_131 : i32 to index
        %swap3A_927 = tpu.vector_load %arg15[%swap3A_925, %swap3A_926] {strides = array<i32>} : memref<64x128xf32, #tpu.memory_space<vmem>>, vector<16xf32>,
        tpu.vector_store %arg15[%swap3A_925, %swap3A_926], %add3A_923 {strides = array<i32>} : memref<64x128xf32, #tpu.memory_space<vmem>>, vector<16xf32>,
        %broadcast_in_dim3A_928 = arith.constant 61 : i32
        %broadcast_in_dim3A_929 = vector.broadcast %broadcast_in_dim3A_928 : i32 to vector<16xi32>
        %gather3A_930 = tpu.vector_load_idx %arg13[%add3A_137, %broadcast_in_dim3A_929] : memref<128x128xf32, #tpu.memory_space<vmem>>[vector<16xi32>, vector<16xi32>], vector<16xf32>,
        %broadcast_in_dim3A_931 = arith.constant 125 : i32
        %broadcast_in_dim3A_932 = vector.broadcast %broadcast_in_dim3A_931 : i32 to vector<16xi32>
        %gather3A_933 = tpu.vector_load_idx %arg13[%add3A_137, %broadcast_in_dim3A_932] : memref<128x128xf32, #tpu.memory_space<vmem>>[vector<16xi32>, vector<16xi32>], vector<16xf32>,
        %mul3A_934 = arith.mulf %sub3A_135, %gather3A_930 : vector<16xf32>
        %mul3A_935 = arith.mulf %get3A_133, %gather3A_933 : vector<16xf32>
        %add3A_936 = arith.addf %mul3A_934, %mul3A_935 : vector<16xf32>
        %swap3A_937 = arith.constant 61 : i32
        %swap3A_938 = arith.index_cast %swap3A_937 : i32 to index
        %swap3A_939 = arith.index_cast %mul3A_131 : i32 to index
        %swap3A_940 = tpu.vector_load %arg15[%swap3A_938, %swap3A_939] {strides = array<i32>} : memref<64x128xf32, #tpu.memory_space<vmem>>, vector<16xf32>,
        tpu.vector_store %arg15[%swap3A_938, %swap3A_939], %add3A_936 {strides = array<i32>} : memref<64x128xf32, #tpu.memory_space<vmem>>, vector<16xf32>,
        %broadcast_in_dim3A_941 = arith.constant 62 : i32
        %broadcast_in_dim3A_942 = vector.broadcast %broadcast_in_dim3A_941 : i32 to vector<16xi32>
        %gather3A_943 = tpu.vector_load_idx %arg13[%add3A_137, %broadcast_in_dim3A_942] : memref<128x128xf32, #tpu.memory_space<vmem>>[vector<16xi32>, vector<16xi32>], vector<16xf32>,
        %broadcast_in_dim3A_944 = arith.constant 126 : i32
        %broadcast_in_dim3A_945 = vector.broadcast %broadcast_in_dim3A_944 : i32 to vector<16xi32>
        %gather3A_946 = tpu.vector_load_idx %arg13[%add3A_137, %broadcast_in_dim3A_945] : memref<128x128xf32, #tpu.memory_space<vmem>>[vector<16xi32>, vector<16xi32>], vector<16xf32>,
        %mul3A_947 = arith.mulf %sub3A_135, %gather3A_943 : vector<16xf32>
        %mul3A_948 = arith.mulf %get3A_133, %gather3A_946 : vector<16xf32>
        %add3A_949 = arith.addf %mul3A_947, %mul3A_948 : vector<16xf32>
        %swap3A_950 = arith.constant 62 : i32
        %swap3A_951 = arith.index_cast %swap3A_950 : i32 to index
        %swap3A_952 = arith.index_cast %mul3A_131 : i32 to index
        %swap3A_953 = tpu.vector_load %arg15[%swap3A_951, %swap3A_952] {strides = array<i32>} : memref<64x128xf32, #tpu.memory_space<vmem>>, vector<16xf32>,
        tpu.vector_store %arg15[%swap3A_951, %swap3A_952], %add3A_949 {strides = array<i32>} : memref<64x128xf32, #tpu.memory_space<vmem>>, vector<16xf32>,
        %broadcast_in_dim3A_954 = arith.constant 63 : i32
        %broadcast_in_dim3A_955 = vector.broadcast %broadcast_in_dim3A_954 : i32 to vector<16xi32>
        %gather3A_956 = tpu.vector_load_idx %arg13[%add3A_137, %broadcast_in_dim3A_955] : memref<128x128xf32, #tpu.memory_space<vmem>>[vector<16xi32>, vector<16xi32>], vector<16xf32>,
        %broadcast_in_dim3A_957 = arith.constant 127 : i32
        %broadcast_in_dim3A_958 = vector.broadcast %broadcast_in_dim3A_957 : i32 to vector<16xi32>
        %gather3A_959 = tpu.vector_load_idx %arg13[%add3A_137, %broadcast_in_dim3A_958] : memref<128x128xf32, #tpu.memory_space<vmem>>[vector<16xi32>, vector<16xi32>], vector<16xf32>,
        %mul3A_960 = arith.mulf %sub3A_135, %gather3A_956 : vector<16xf32>
        %mul3A_961 = arith.mulf %get3A_133, %gather3A_959 : vector<16xf32>
        %add3A_962 = arith.addf %mul3A_960, %mul3A_961 : vector<16xf32>
        %swap3A_963 = arith.constant 63 : i32
        %swap3A_964 = arith.index_cast %swap3A_963 : i32 to index
        %swap3A_965 = arith.index_cast %mul3A_131 : i32 to index
        %swap3A_966 = tpu.vector_load %arg15[%swap3A_964, %swap3A_965] {strides = array<i32>} : memref<64x128xf32, #tpu.memory_space<vmem>>, vector<16xf32>,
        tpu.vector_store %arg15[%swap3A_964, %swap3A_965], %add3A_962 {strides = array<i32>} : memref<64x128xf32, #tpu.memory_space<vmem>>, vector<16xf32>,
        %scan3A_967 = arith.constant 0 : i32
        scf.yield %scan3A_967 : i32
      }
      %scan3A_119 = arith.constant 8 : i32
      %mul3A_120 = arith.constant 128 : i32
      %mul3A_121 = arith.muli %add3A_100, %mul3A_120 : i32
      %add3A_122 = arith.addi %mul3A_2, %mul3A_121 : i32
      %dma_start3A_123 = arith.constant 0 : i32
      %dma_start3A_124 = tpu.memref_slice %arg5[%dma_start3A_123, %add3A_122] : memref<64x819200xf32, #tpu.memory_space<hbm>> -> memref<64x128xf32, #tpu.memory_space<hbm>>
      %dma_start3A_125 = arith.constant 0 : i32
      %dma_start3A_126 = tpu.memref_slice %arg5[%dma_start3A_125, %add3A_122] : memref<64x819200xf32, #tpu.memory_space<hbm>> -> memref<64x128xf32, #tpu.memory_space<hbm>>
      tpu.enqueue_dma source(%arg15 : memref<64x128xf32, #tpu.memory_space<vmem>>) target(%dma_start3A_126 : memref<64x128xf32, #tpu.memory_space<hbm>>) target_semaphore(%arg19 : memref<!tpu.dma_semaphore, #tpu.memory_space<semaphore_mem>>)
      %scan3A_127 = arith.constant 0 : i32
      scf.yield %scan3A_127 : i32
    }
    %scan3A_27 = arith.constant 100 : i32
    %dma_wait3A = arith.constant 0 : i32
    %dma_wait3A_28 = arith.constant 0 : i32
    %dma_wait3A_29 = tpu.memref_slice %arg5[%dma_wait3A, %dma_wait3A_28] : memref<64x819200xf32, #tpu.memory_space<hbm>> -> memref<64x128xf32, #tpu.memory_space<hbm>>
    %dma_wait3A_30 = arith.constant 0 : i32
    %dma_wait3A_31 = arith.constant 0 : i32
    %dma_wait3A_32 = tpu.memref_slice %arg5[%dma_wait3A_30, %dma_wait3A_31] : memref<64x819200xf32, #tpu.memory_space<hbm>> -> memref<64x128xf32, #tpu.memory_space<hbm>>
    tpu.wait_dma2 semaphore(%arg18 : memref<!tpu.dma_semaphore, #tpu.memory_space<semaphore_mem>>) src(%arg14 : memref<64x128xf32, #tpu.memory_space<vmem>>) dst(%dma_wait3A_32 : memref<64x128xf32, #tpu.memory_space<hbm>>)
    %dma_wait3A_33 = arith.constant 0 : i32
    %dma_wait3A_34 = arith.constant 0 : i32
    %dma_wait3A_35 = tpu.memref_slice %arg5[%dma_wait3A_33, %dma_wait3A_34] : memref<64x819200xf32, #tpu.memory_space<hbm>> -> memref<64x128xf32, #tpu.memory_space<hbm>>
    %dma_wait3A_36 = arith.constant 0 : i32
    %dma_wait3A_37 = arith.constant 0 : i32
    %dma_wait3A_38 = tpu.memref_slice %arg5[%dma_wait3A_36, %dma_wait3A_37] : memref<64x819200xf32, #tpu.memory_space<hbm>> -> memref<64x128xf32, #tpu.memory_space<hbm>>
    tpu.wait_dma2 semaphore(%arg19 : memref<!tpu.dma_semaphore, #tpu.memory_space<semaphore_mem>>) src(%arg15 : memref<64x128xf32, #tpu.memory_space<vmem>>) dst(%dma_wait3A_38 : memref<64x128xf32, #tpu.memory_space<hbm>>)
    return
  }
}

module attributes {stable_mosaic.version = 14 : i64} {
  func.func @_dbuild_body(%arg0: i32, %arg1: memref<100008x64xf32, #tpu.memory_space<any>>, %arg2: memref<2000x128xf32, #tpu.memory_space<vmem>>, %arg3: memref<2008x64xf32, #tpu.memory_space<vmem>>, %arg4: memref<!tpu.dma_semaphore, #tpu.memory_space<semaphore_mem>>) attributes {dimension_semantics = [#tpu.dimension_semantics<arbitrary>], iteration_bounds = array<i64: 50>, scalar_prefetch = 0 : i64, scratch_operands = 2 : i64, tpu.core_type = #tpu.core_type<tc>, window_params = [{}, {transform_indices = @transform_1, window_bounds = array<i64: 2000, 128>}]} {
    %mul3A = arith.constant 2000 : i32
    %mul3A_0 = arith.muli %arg0, %mul3A : i32
    %dma_start3A = arith.constant 0 : i32
    %dma_start3A_1 = tpu.memref_slice %arg1[%mul3A_0, %dma_start3A] : memref<100008x64xf32, #tpu.memory_space<any>> -> memref<2008x64xf32, #tpu.memory_space<any>>
    tpu.enqueue_dma source(%dma_start3A_1 : memref<2008x64xf32, #tpu.memory_space<any>>) target(%arg3 : memref<2008x64xf32, #tpu.memory_space<vmem>>) target_semaphore(%arg4 : memref<!tpu.dma_semaphore, #tpu.memory_space<semaphore_mem>>)
    %dma_wait3A = arith.constant 0 : i32
    %dma_wait3A_2 = tpu.memref_slice %arg1[%mul3A_0, %dma_wait3A] : memref<100008x64xf32, #tpu.memory_space<any>> -> memref<2008x64xf32, #tpu.memory_space<any>>
    tpu.wait_dma2 semaphore(%arg4 : memref<!tpu.dma_semaphore, #tpu.memory_space<semaphore_mem>>) src(%dma_wait3A_2 : memref<2008x64xf32, #tpu.memory_space<any>>) dst(%arg3 : memref<2008x64xf32, #tpu.memory_space<vmem>>)
    %get3A = arith.constant 0 : index
    %get3A_3 = arith.constant 0 : index
    %get3A_4 = vector.load %arg3[%get3A, %get3A_3] : memref<2008x64xf32, #tpu.memory_space<vmem>>, vector<2008x64xf32>
    %slice3A = vector.extract_strided_slice %get3A_4 {offsets = [0, 0], sizes = [2000, 64], strides = [1, 1]} : vector<2008x64xf32> to vector<2000x64xf32>
    %swap3A = arith.constant 0 : index
    %swap3A_5 = arith.constant 0 : index
    %swap3A_6 = vector.load %arg2[%swap3A, %swap3A_5] : memref<2000x128xf32, #tpu.memory_space<vmem>>, vector<2000x64xf32>
    tpu.vector_store %arg2[%swap3A, %swap3A_5], %slice3A {strides = array<i32>} : memref<2000x128xf32, #tpu.memory_space<vmem>>, vector<2000x64xf32>,
    %slice3A_7 = vector.extract_strided_slice %get3A_4 {offsets = [1, 0], sizes = [2000, 64], strides = [1, 1]} : vector<2008x64xf32> to vector<2000x64xf32>
    %swap3A_8 = arith.constant 0 : index
    %swap3A_9 = arith.constant 64 : index
    %swap3A_10 = vector.load %arg2[%swap3A_8, %swap3A_9] : memref<2000x128xf32, #tpu.memory_space<vmem>>, vector<2000x64xf32>
    tpu.vector_store %arg2[%swap3A_8, %swap3A_9], %slice3A_7 {strides = array<i32>} : memref<2000x128xf32, #tpu.memory_space<vmem>>, vector<2000x64xf32>,
    return
  }
  func.func @transform_1(%arg0: i32) -> (i32, i32) {
    %c0_i32 = arith.constant 0 : i32
    %c0_i32_0 = arith.constant 0 : i32
    return %arg0, %c0_i32 : i32, i32
  }
}

</mosaic_0001>

<sc_bundles>
// kernel: _interp.4.cloned.1.call-start
scs
__scs_entry_jumppad:
0x0: {  	(pc) =	sbr.rel $0x88, $3  }
0x1: {  	(tag) =	ssettag $0x0;
	lr =	simm.s32 $0x1  }
0x2: {  	[smem:$0x3F9E] =	sst lr;
	_ =	strace $0xD0000000  }
0x3: {  	_ = 	snop  }
0x4: {  	_ = 	snop  }
0x5: {  	_ = 	snop  }
0x6: {  	_ = 	snop  }
0x7: {  	_ = 	snop  }
__scs_overlays_trampoline_lowered:
0x8: {  	[smem:$0x3FAD] =	sst s0  }
0x9: {  	[smem:$0x3FAE] =	sst s1  }
0xa: {  	[smem:$0x3FAF] =	sst s2  }
0xb: {  	[smem:$0x3FB0] =	sst s3  }
0xc: {  	[smem:$0x3FB1] =	sst s4  }
0xd: {  	[smem:$0x3FB2] =	sst s5  }
0xe: {  	[smem:$0x3FB3] =	sst s6  }
0xf: {  	[smem:$0x3FB4] =	sst s7  }
0x10: {  	[smem:$0x3FB5] =	sst s8  }
0x11: {  	[smem:$0x3FB6] =	sst s9;
	s0 =	simm.s32 @!p0 $0x0  }
0x12: {  	s1 =	sld [smem:$0x3F9C];
	s0 =	simm.s32 @p0 $0x1  }
0x13: {  	[smem:$0x3FB7] =	sst s0;
	s0 =	simm.s32 @!p1 $0x0  }
0x14: {  	s2 =	sld [smem:$0x3F9B];
	s0 =	simm.s32 @p1 $0x1  }
0x15: {  	[smem:$0x3FB8] =	sst s0;
	s0 =	simm.s32 @!p2 $0x0  }
0x16: {  	s3 =	sld [smem:$0x3FDB];
	s0 =	simm.s32 @p2 $0x1  }
0x17: {  	s4 =	simm.s32 $0x1BF5;
	[smem:$0x3FBA] =	sst s0  }
0x18: {  	s0 =	sld [smem:$0x3F9D];
	_ =	swait.ge [sflag:s4], $0x0  }
0x19: {  	s7 =	sld [smem:$0x3F9E]  }
0x1a: {  	s8 =	sadd.s32 $0xFFFFE003, lr  }
0x1b: {  	s9 =	sadd.s32 $0xFFFFFEF7, lr;
	s5 =	simm.s32 $0xFFFFFFFF;
	p2 =	slt.u32 s8, $0xFFFFF086  }
0x1c: {  	p1 =	slt.u32 s9, $0xF7A;
	s5 =	simm.s32 @!p2 $0x0  }
0x1d: {  	s5 =	simm.s32 @p1 $0x1;
	p0 =	seq.s32 s7, s2  }
0x1e: {  	s7 =	smul.u32 @!p0 $0xF7A, s2;
	p2 =	seq.s32 @!p0 s5, $0x0  }
0x1f: {  	s9 =	smul.u32 $0xF7A, s1;
	s8 =	simm.s32 @!p0 $0x1BF5;
	p2 =	por !p2, p0  }
0x20: {  	[sflag:s8] =	ssyncset.s32 @!p0 $0xFFFFF086;
	s6 =	sadd.s32 @!p0 s3, s7;
	s7 =	simm.s32 @!p0 $0x108  }
0x21: {  	s3 =	sadd.s32 s3, s9;
	s6 =	sadd.s32 @!p0 $0x88, s6;
	s7 =	simm.s32 @p2 $0x1082  }
0x22: {  	[simem:s7], [sflag:s8] =	dma.local @!p0 [hbm:s6], $0xF7A  }
0x23: {  	s9 =	sor.u32 $0xD0000000, s2;
	s6 =	simm.s32 $0x108;
	_ =	swait.ge @!p0 [sflag:s8], $0x0  }
0x24: {  	s3 =	sadd.s32 $0x88, s3;
	s6 =	simm.s32 @!p1 $0x1082;
	[sflag:s4] =	ssyncset.s32 $0xFFFFF086  }
0x25: {  	[simem:s6], [sflag:s4] =	dma.local [hbm:s3], $0xF7A  }
0x26: {  	[smem:$0x3F9E] =	sst s1;
	(tag) =	ssettag s2;
	_ =	strace s9  }
0x27: {  	s1 =	sld [smem:$0x3FAE]  }
0x28: {  	s2 =	sld [smem:$0x3FAF]  }
0x29: {  	s4 =	sld [smem:$0x3FB1]  }
0x2a: {  	p0 =	seq.s32 s5, $0x0;
	s5 =	sld [smem:$0x3FB2]  }
0x2b: {  	s6 =	sld [smem:$0x3FB3]  }
0x2c: {  	s7 =	sld [smem:$0x3FB4]  }
0x2d: {  	s3 =	simm.s32 $0x108;
	s8 =	sld [smem:$0x3FB5]  }
0x2e: {  	s3 =	simm.s32 @!p0 $0x1082;
	s9 =	sld [smem:$0x3FB6]  }
0x2f: {  	lr =	sadd.s32 s0, s3;
	s0 =	sld [smem:$0x3FAD]  }
0x30: {  	s3 =	sld [smem:$0x3FB0]  }
0x31: {  	[smem:$0x3FB9] =	sst s10  }
0x32: {  	s10 =	sld [smem:$0x3FB7];
	_ =	sdelay $0x3  }
0x33: {  	p0 =	seq.s32 s10, $0x1;
	s10 =	sld [smem:$0x3FB9];
	_ =	sdelay $0x3  }
0x34: {  	[smem:$0x3FB9] =	sst s10  }
0x35: {  	s10 =	sld [smem:$0x3FB8];
	_ =	sdelay $0x3  }
0x36: {  	p1 =	seq.s32 s10, $0x1;
	s10 =	sld [smem:$0x3FB9];
	_ =	sdelay $0x3  }
0x37: {  	[smem:$0x3FB9] =	sst s10  }
0x38: {  	s10 =	sld [smem:$0x3FBA]  }
0x39: {  	_ = 	snop;
	(pc) =	sbr.ind lr, $3  }
0x3a: {  	_ = 	snop  }
0x3b: {  	_ = 	snop  }
0x3c: {  	p2 =	seq.s32 s10, $0x1;
	s10 =	sld [smem:$0x3FB9]  }
0x3d: {  	_ =	shalt  }
0x3e: {  	_ =	shalt  }
0x3f: {  	_ =	shalt  }
0x40: {  	_ =	shalt  }
0x41: {  	_ =	shalt  }
0x42: {  	_ =	shalt  }
0x43: {  	_ =	shalt  }
0x44: {  	_ =	shalt  }
0x45: {  	_ =	shalt  }
0x46: {  	_ =	shalt  }
0x47: {  	_ =	shalt  }
0x48: {  	_ =	shalt  }
0x49: {  	_ =	shalt  }
0x4a: {  	_ =	shalt  }
0x4b: {  	_ =	shalt  }
0x4c: {  	_ =	shalt  }
0x4d: {  	_ =	shalt  }
0x4e: {  	_ =	shalt  }
0x4f: {  	_ =	shalt  }
0x50: {  	_ =	shalt  }
0x51: {  	_ =	shalt  }
0x52: {  	_ =	shalt  }
0x53: {  	_ =	shalt  }
0x54: {  	_ =	shalt  }
0x55: {  	_ =	shalt  }
0x56: {  	_ =	shalt  }
0x57: {  	_ =	shalt  }
0x58: {  	_ =	shalt  }
0x59: {  	_ =	shalt  }
0x5a: {  	_ =	shalt  }
0x5b: {  	_ =	shalt  }
0x5c: {  	_ =	shalt  }
0x5d: {  	_ =	shalt  }
0x5e: {  	_ =	shalt  }
0x5f: {  	_ =	shalt  }
0x60: {  	_ =	shalt  }
0x61: {  	_ =	shalt  }
0x62: {  	_ =	shalt  }
0x63: {  	_ =	shalt  }
0x64: {  	_ =	shalt  }
0x65: {  	_ =	shalt  }
0x66: {  	_ =	shalt  }
0x67: {  	_ =	shalt  }
0x68: {  	_ =	shalt  }
0x69: {  	_ =	shalt  }
0x6a: {  	_ =	shalt  }
0x6b: {  	_ =	shalt  }
0x6c: {  	_ =	shalt  }
0x6d: {  	_ =	shalt  }
0x6e: {  	_ =	shalt  }
0x6f: {  	_ =	shalt  }
0x70: {  	_ =	shalt  }
0x71: {  	_ =	shalt  }
0x72: {  	_ =	shalt  }
0x73: {  	_ =	shalt  }
0x74: {  	_ =	shalt  }
0x75: {  	_ =	shalt  }
0x76: {  	_ =	shalt  }
0x77: {  	_ =	shalt  }
0x78: {  	_ =	shalt  }
0x79: {  	_ =	shalt  }
0x7a: {  	_ =	shalt  }
0x7b: {  	_ =	shalt  }
0x7c: {  	_ =	shalt  }
0x7d: {  	_ =	shalt  }
0x7e: {  	_ =	shalt  }
0x7f: {  	_ =	shalt  }
0x80: {  	_ =	shalt  }
0x81: {  	_ =	shalt  }
0x82: {  	_ =	shalt  }
0x83: {  	_ =	shalt  }
0x84: {  	_ =	shalt  }
0x85: {  	_ =	shalt  }
0x86: {  	_ =	shalt  }
0x87: {  	_ =	shalt  }
.Lfunc_end0:
.L_simem_size_0:
called_computation_lowered:
.L_overlay_start_0:
0x88: {  	s2 =	sld [smem:$0x3FD9]  }
0x89: {  	s3 =	sld [smem:$0x3FFE];
	_ =	sdelay $0x1  }
0x8a: {  	s1 =	srdreg.scid  }
0x8b: {  	s0 =	sand.u32 $0x1, s1  }
0x8c: {  	s17 =	sshll.u32 s0, $0xA;
	s2 =	sadd.s32 s3, s2  }
0x8d: {  	s2 =	sadd.s32 s2, s17  }
0x8e: {  	[smem:$0x3FC5] =	sst s2  }
0x8f: {  	_ = 	snop  }
0x90: {  	s2 =	sld [smem:$0x3FC9]  }
0x91: {  	s18 =	sld [smem:$0x3FC8]  }
0x92: {  	s4 =	sld [smem:$0x3FD0];
	(tm) =	ssettm $0x1  }
0x93: {  	s5 =	sld [smem:$0x3FFB];
	_ =	sdelay $0x3  }
0x94: {  	_ =	strace s5  }
0x95: {  	s5 =	sld [smem:$0x3FFC];
	_ =	sdelay $0x3  }
0x96: {  	_ =	strace s5  }
0x97: {  	s5 =	sld [smem:$0x3FFD];
	_ =	sdelay $0x3  }
0x98: {  	_ =	strace s5  }
0x99: {  	_ =	strace $0x8FFFFFFF  }
0x9a: {  	s19 =	sld [smem:$0x3FDB];
	_ =	sdelay $0x1  }
0x9b: {  	s6 =	simm.s32 $_scs_section_size  }
0x9c: {  	s7 =	simm.s32 $_size__tile_overlayer_lowered;
	s8 =	simm.s32 $_tile_overlayer_lowered  }
0x9d: {  	s22 =	simm.s32 $0x1BFF;
	s21 =	sshll.u32 s8, $0x1;
	s5 =	sadd.s32 s6, s19  }
0x9e: {  	s9 =	simm.s32 $0x0;
	s20 =	sshll.u32 s7, $0x1;
	s7 =	sadd.s32 s21, s5  }
0x9f: {  	[timem:s9], [sflag:s22] =	dma.local [hbm:s7], s20  }
0xa0: {  	_ =	swait.ge [sflag:s22], s20  }
0xa1: {  	s6 =	ssub.s32 $0x0, s20;
	[sflag:s22] =	ssyncset.done $0x0  }
0xa2: {  	[sflag:s22] =	ssyncadd.s32 s6;
	_ =	sdelay $0x1  }
0xa3: {  	s23 =	simm.s32 $0x1B8B  }
0xa4: {  	_ =	swait.ge [sflag:s23], $0x1  }
0xa5: {  	[sflag:s23] =	ssyncset.done $0x0  }
0xa6: {  	s25 =	simm.s32 $0x1B8E;
	s24 =	sld [smem:$0x3FFE];
	[sflag:s23] =	ssyncadd.s32 $0xFFFFFFFF  }
0xa7: {  	s26 =	simm.s32 $execute0_lowered;
	[smem:$0x3FD2] =	sst s25  }
0xa8: {  	s7 =	sshll.u32 s26, $0x1;
	_ =	strace $0x80000046;
	[dreg:$0x1] =	wrdreg $0xFFFFFFFF  }
0xa9: {  	s28 =	simm.s32 $_size_execute0_lowered;
	s5 =	sadd.s32 s5, s7;
	[dreg:$0x0] =	wrdreg $0x0  }
0xaa: {  	s7 =	sshll.u32 s28, $0x1;
	[dreg:$0x2] =	wrdreg s5  }
0xab: {  	[dreg:$0x3] =	wrdreg s7  }
0xac: {  	[dreg:$0x4] =	wrdreg $0xC0  }
0xad: {  	_ =	task [dreg:s9], $0x5FFFF  }
0xae: {  	[dreg:$0x1] =	wrdreg $0xFFFFFFFF  }
0xaf: {  	[dreg:$0x0] =	wrdreg $0x60  }
0xb0: {  	[dreg:$0x2] =	wrdreg s2  }
0xb1: {  	[dreg:$0x3] =	wrdreg s18  }
0xb2: {  	[dreg:$0x4] =	wrdreg s24  }
0xb3: {  	[dreg:$0x5] =	wrdreg s4  }
0xb4: {  	[dreg:$0x6] =	wrdreg $0x9  }
0xb5: {  	_ =	task.clear_ibuf [dreg:s9], $0x7FFFF;
	_ =	strace $0x90000046  }
0xb6: {  	s29 =	simm.s32 $0x9;
	_ =	strace $0x80000048  }
0xb7: {  	_ =	swait.ge [sflag:s29], $0x1  }
0xb8: {  	[sflag:s29] =	ssyncadd.s32 $0xFFFFFFFF  }
0xb9: {  	_ =	strace $0x90000048  }
0xba: {  	_ =	sfence  }
0xbb: {  	s30 =	sld [smem:$0x0];
	_ =	sdelay $0x2  }
0xbc: {  	s31 =	sshll.u32 s1, $0xD;
	s1 =	sshrl.u32 s1, $0x2  }
0xbd: {  	s3 =	sand.u32 $0x4000, s31;
	s1 =	sadd.s32 s1, s30  }
0xbe: {  	s0 =	sor.u32 s3, s0;
	s1 =	sshll.u32 s1, $0x11  }
0xbf: {  	s0 =	sor.u32 s1, s0  }
0xc0: {  	s0 =	sadd.s32 $0x8F2B, s0  }
0xc1: {  	[sflag:s0] =	ssyncadd.remote.s32 $0x1  }
0xc2: {  	_ =	sfence.sel $0xFFFF  }
0xc3: {  	[dreg:$0x0] =	wrdreg $0xFFFFFFFF;
	(pc) =	sbr.abs _section_cstart, $3  }
0xc4: {  	[dreg:$0x1] =	wrdreg $0xFFFFFFFF  }
0xc5: {  	_ =	task.clear_ibuf [dreg:s9], $0x2FFFF;
	_ =	strace $0x9FFFFFFF  }
0xc6: {  	(tm) =	ssettm $0x7FFFFFFF  }
0xc7: {  	_ =	shalt  }
tec
execute0_lowered:
.L_overlay_start_1:
0x0: {  	(tag) =	ssettag $0x1  }
0x1: {  	s0 =	rddreg [dreg:$0x0]  }
0x2: {  	s2 =	rddreg [dreg:$0x2]  }
0x3: {  	s4 =	srdreg.scid;
	s1 =	stileid.u32  }
0x4: {  	s3 =	rddreg [dreg:$0x3];
	s10 =	simm.s32 $0x6400;
	s11 =	simm.s32 $0x5  }
0x5: {  	s12 =	simm.s32 $0x6580;
	s13 =	simm.s32 $0x6680;
	s14 =	simm.s32 $0x80  }
0x6: {  	s15 =	simm.s32 $0x6600;
	s16 =	simm.s32 $0xA680;
	s17 =	simm.s32 $0x1  }
0x7: {  	s18 =	simm.s32 $0x400;
	s19 =	simm.s32 $0x640000;
	s20 =	simm.s32 $0xE680  }
0x8: {  	s21 =	simm.s32 $0x4;
	s22 =	simm.s32 $0x2;
	s23 =	simm.s32 $0x10680  }
0x9: {  	s24 =	simm.s32 $0x3;
	s5 =	sand.u32 $0x1, s4;
	s6 =	sshll.u32 s1, $0x1  }
0xa: {  	s25 =	simm.s32 $0x0;
	s4 =	simm.s32 $0x0;
	s7 =	sor.u32 s5, s6  }
0xb: {  	[smem:$0x7FF] =	sst s4;
	s30 =	ssub.s32 $0x2, s5;
	s8 =	smul.u32 $0x6400, s7  }
0xc: {  	s5 =	sadd.s32 $0x400, s2;
	_ =	strace $0x80000047;
	s31 =	sshrl.u32 s30, $0x1  }
0xd: {  	v1 =	vlaneseq.u32;
	s7 =	smul.u32 $0x32000, s7;
	s2 =	ssub.s32 s30, s31;
	s9 =	sshrl.u32 s8, $0x3  }
0xe: {  	v0 =	vimm.s32 $0x0;
	v1 =	vmul.u32 $0x80, v1;
	s8 =	sadd.s32 s3, s8;
	s6 =	sadd.s32 s0, s9;
	s9 =	smax.u32 s2, $0x1  }
.LBB2_1:
0xf: {  	s0 =	rddreg [dreg:$0x1]  }
0x10: {  	[tilespmem:s10], [sflag:$0x5] =	stream.linear.gather [hbm4b:s0+s4], $0x80, $0x38;
	[tilespmem:$0x12680] =	vst v63  }
0x11: {  	_ =	swait.ge [sflag:s11], $0x80  }
0x12: {  	[sflag:s11] =	ssyncset.done $0x0  }
0x13: {  	[sflag:s11] =	ssyncadd.s32 $0xFFFFFF80  }
0x14: {  	[tilespmem:s4], [sflag:$0x5] =	stream.linear.gather [hbm4b:s6+s4], $0x6400, $0x38;
	[tilespmem:$0x12680] =	vst v63  }
0x15: {  	_ =	swait.ge [sflag:s11], $0x6400  }
0x16: {  	[sflag:s11] =	ssyncset.done $0x0  }
0x17: {  	[sflag:s11] =	ssyncadd.s32 $0xFFFF9C00  }
0x18: {  	v2 =	vld [tilespmem:$0x6410];
	_ =	sdelay $0x4  }
0x19: {  	s0 =	simm.s32 $0x0;
	v3 =	vld [tilespmem:$0x6400];
	(erf) = vrcp.f32 v2  }
0x1a: {  	v5 =	vld [tilespmem:s0+$0x0]  }
0x1b: {  	v4 =	vld [tilespmem:$0x6420];
	_ =	sdelay $0x3  }
0x1c: {  	v5 =	vmax.f32 v5, v3  }
0x1d: {  	v6 =	vmin.f32 v5, v4  }
0x1e: {  	v7 =	vsub.f32 v6, v3  }
0x1f: {  	v5 =	vpop (erf)  }
0x20: {  	v7 =	vmul.f32 v7, v5  }
0x21: {  	s2 =	simm.s32 $0x10  }
0x22: {  	v8 =	vld [tilespmem:s2+$0x0];
	v7 =	vtrunc.f32 v7  }
0x23: {  	v9 =	vcvt.f32.s32 v7;
	_ =	sdelay $0x1  }
0x24: {  	v7 =	vcvt.s32.f32 v9;
	_ =	sdelay $0x1  }
0x25: {  	v8 =	vmax.f32 v8, v3;
	v10 =	vmul.f32 v7, v2  }
0x26: {  	v7 =	vmin.f32 v8, v4  }
0x27: {  	v8 =	vsub.f32 v7, v3;
	v10 =	vadd.f32 v10, v3;
	_ =	sdelay $0x1  }
0x28: {  	v8 =	vmul.f32 v8, v5;
	vm0 =	vlt.f32 v6, v10  }
0x29: {  	v10 =	vsel vm0, $0xFFFFFFFF, v0  }
0x2a: {  	s26 =	simm.s32 $0x20;
	v8 =	vtrunc.f32 v8;
	v9 =	vadd.s32 v9, v10  }
0x2b: {  	v10 =	vld [tilespmem:s26+$0x0];
	v11 =	vcvt.f32.s32 v8;
	v12 =	vadd.s32 $0x1, v9  }
0x2c: {  	v8 =	vcvt.s32.f32 v12  }
0x2d: {  	v13 =	vcvt.s32.f32 v11  }
0x2e: {  	v8 =	vmul.f32 v8, v2  }
0x2f: {  	v13 =	vmul.f32 v13, v2  }
0x30: {  	v10 =	vmax.f32 v10, v3;
	v14 =	vadd.f32 v8, v3  }
0x31: {  	v8 =	vmin.f32 v10, v4;
	v10 =	vadd.f32 v13, v3  }
0x32: {  	v13 =	vsub.f32 v8, v3;
	vm13 =	vge.f32 v6, v14  }
0x33: {  	vm1 =	vlt.f32 v7, v10;
	v9 =	vsel vm13, v12, v9  }
0x34: {  	v10 =	vmul.f32 v13, v5;
	v12 =	vsel vm1, $0xFFFFFFFF, v0;
	vm0 =	vgt.s32 v9, $0x0  }
0x35: {  	s28 =	simm.s32 $0x30;
	v11 =	vadd.s32 v11, v12;
	v9 =	vnsel vm0, $0x0, v9  }
0x36: {  	v12 =	vld [tilespmem:s28+$0x0];
	v10 =	vtrunc.f32 v10;
	v13 =	vadd.s32 $0x1, v11;
	v14 =	vmin.u32 v9, $0x1869E  }
0x37: {  	v15 =	vcvt.f32.s32 v10;
	v9 =	vcvt.s32.f32 v13;
	v10 =	vadd.s32 $0x1, v14  }
0x38: {  	v16 =	vcvt.s32.f32 v14;
	v10 =	vcvt.s32.f32 v10  }
0x39: {  	v17 =	vcvt.s32.f32 v15;
	v9 =	vmul.f32 v9, v2  }
0x3a: {  	v16 =	vmul.f32 v16, v2;
	v18 =	vmul.f32 v10, v2  }
0x3b: {  	v12 =	vmax.f32 v12, v3;
	v17 =	vmul.f32 v17, v2;
	v19 =	vadd.f32 v9, v3  }
0x3c: {  	v9 =	vmin.f32 v12, v4;
	v10 =	vadd.f32 v16, v3;
	v12 =	vadd.f32 v18, v3  }
0x3d: {  	v16 =	vsub.f32 v9, v3;
	v17 =	vadd.f32 v17, v3  }
0x3e: {  	vm14 =	vge.f32 v7, v19;
	v12 =	vsub.f32 v12, v10  }
0x3f: {  	v16 =	vmul.f32 v16, v5;
	v13 =	vsel vm14, v13, v11;
	vm15 =	vlt.f32 v8, v17  }
0x40: {  	s29 =	simm.s32 $0x40;
	[tilespmem:s0+$0x6580] =	vst v14;
	vm0 =	vgt.s32 v13, $0x0;
	v11 =	vsel vm15, $0xFFFFFFFF, v0;
	(erf) = vrcp.f32 v12  }
0x41: {  	v14 =	vnsel vm0, $0x0, v13;
	v12 =	vtrunc.f32 v16;
	v11 =	vadd.s32 v15, v11;
	v15 =	vld [tilespmem:s29+$0x0]  }
0x42: {  	v18 =	vmin.u32 v14, $0x1869E;
	v12 =	vcvt.f32.s32 v12;
	v13 =	vadd.s32 $0x1, v11  }
0x43: {  	s30 =	simm.s32 $0x140;
	v14 =	vcvt.s32.f32 v18;
	v16 =	vadd.s32 $0x1, v18;
	[tilespmem:s2+$0x6580] =	vst v18;
	v17 =	vcvt.s32.f32 v13  }
.LBB2_2:
0x44: {  	p0 =	sne.s32 s30, $0x1C0;
	v18 =	vcvt.s32.f32 v12;
	v16 =	vcvt.s32.f32 v16  }
0x45: {  	v17 =	vmul.f32 v17, v2;
	v14 =	vmul.f32 v14, v2  }
0x46: {  	v15 =	vmax.f32 v15, v3;
	v16 =	vmul.f32 v16, v2  }
0x47: {  	v18 =	vmul.f32 v18, v2;
	v17 =	vadd.f32 v17, v3;
	v14 =	vadd.f32 v14, v3  }
0x48: {  	v19 =	vsub.f32 v6, v10;
	v6 =	vmovc v7;
	v15 =	vmin.f32 v15, v4;
	v16 =	vadd.f32 v16, v3  }
0x49: {  	v20 =	vsub.f32 v15, v3;
	v18 =	vadd.f32 v18, v3;
	v7 =	vpop (erf);
	v10 =	vmov v14  }
0x4a: {  	vm0 =	vge.f32 v8, v17;
	v14 =	vsub.f32 v16, v10;
	v16 =	vmul.f32 v7, v19;
	v7 =	vmovc v8  }
.Ltmp0:
0x4b: {  	v17 =	vmul.f32 v20, v5;
	vm1 =	vlt.f32 v9, v18;
	v13 =	vsel vm0, v13, v11;
	v8 =	vmovc v9;
	(pc) =	sbr.rel @p0 .LBB2_2-.Ltmp0, $4  }
0x4c: {  	s31 =	sshra.s32 s30, $0x2;
	v9 =	vmovc v15;
	v11 =	vsel vm1, $0xFFFFFFFF, v0;
	vm0 =	vgt.s32 v13, $0x0;
	(erf) = vrcp.f32 v14;
	[tilespmem:s0+$0x6480] =	vst v16;
	s0 =	smov.u32 s2;
	s2 =	smov.u32 s26  }
0x4d: {  	v14 =	vtrunc.f32 v17;
	v11 =	vadd.s32 v12, v11;
	v16 =	vnsel vm0, $0x0, v13;
	s26 =	smov.u32 s28;
	s28 =	smov.u32 s29;
	s29 =	smov.u32 s31;
	v15 =	vld [tilespmem:s31+$0x0]  }
0x4e: {  	v12 =	vcvt.f32.s32 v14;
	v13 =	vadd.s32 $0x1, v11;
	v18 =	vmin.u32 v16, $0x1869E  }
0x4f: {  	s30 =	sadd.s32 $0x40, s30;
	v17 =	vcvt.s32.f32 v13;
	v14 =	vcvt.s32.f32 v18;
	v16 =	vadd.s32 $0x1, v18;
	[tilespmem:s2+$0x6580] =	vst v18  }
0x50: {  	_ =	sdelay $0x1  }
0x51: {  	v15 =	vmax.f32 v15, v3  }
0x52: {  	v15 =	vmin.f32 v15, v4  }
0x53: {  	v18 =	vsub.f32 v15, v3;
	_ =	sdelay $0x1  }
0x54: {  	v18 =	vmul.f32 v18, v5;
	_ =	sdelay $0x1  }
0x55: {  	v18 =	vtrunc.f32 v18  }
0x56: {  	v18 =	vcvt.f32.s32 v18  }
0x57: {  	v19 =	vcvt.s32.f32 v12  }
0x58: {  	v20 =	vcvt.s32.f32 v18  }
0x59: {  	v19 =	vmul.f32 v19, v2  }
0x5a: {  	v20 =	vmul.f32 v20, v2  }
0x5b: {  	v19 =	vadd.f32 v19, v3  }
0x5c: {  	v20 =	vadd.f32 v20, v3  }
0x5d: {  	v16 =	vcvt.s32.f32 v16;
	v17 =	vmul.f32 v17, v2;
	vm0 =	vlt.f32 v9, v19  }
0x5e: {  	v14 =	vmul.f32 v14, v2;
	v19 =	vsel vm0, $0xFFFFFFFF, v0;
	vm12 =	vlt.f32 v15, v20  }
0x5f: {  	v17 =	vadd.f32 v17, v3;
	v43 =	vadd.s32 v12, v19;
	v44 =	vsel vm12, $0xFFFFFFFF, v0  }
0x60: {  	v16 =	vmul.f32 v16, v2;
	v45 =	vadd.s32 $0x1, v43;
	v18 =	vadd.s32 v18, v44  }
0x61: {  	vm13 =	vge.f32 v8, v17;
	v46 =	vcvt.s32.f32 v45;
	v21 =	vadd.s32 $0x1, v18  }
0x62: {  	v14 =	vadd.f32 v14, v3;
	v11 =	vsel vm13, v13, v11;
	v47 =	vcvt.s32.f32 v21  }
0x63: {  	v16 =	vadd.f32 v16, v3;
	vm0 =	vgt.s32 v11, $0x0;
	v48 =	vmul.f32 v46, v2  }
0x64: {  	v11 =	vnsel vm0, $0x0, v11;
	v17 =	vmul.f32 v47, v2  }
0x65: {  	v16 =	vsub.f32 v16, v14;
	v11 =	vmin.u32 v11, $0x1869E;
	v13 =	vadd.f32 v48, v3  }
0x66: {  	v50 =	vadd.s32 $0x1, v11;
	v17 =	vadd.f32 v17, v3  }
0x67: {  	(erf) = vrcp.f32 v16;
	vm14 =	vge.f32 v9, v13;
	v13 =	vcvt.s32.f32 v50  }
0x68: {  	v49 =	vcvt.s32.f32 v11;
	v12 =	vsel vm14, v45, v43;
	vm15 =	vge.f32 v15, v17  }
0x69: {  	vm1 =	vgt.s32 v12, $0x0;
	v13 =	vmul.f32 v13, v2;
	v17 =	vsel vm15, v21, v18  }
0x6a: {  	v51 =	vmul.f32 v49, v2;
	v12 =	vnsel vm1, $0x0, v12;
	vm0 =	vgt.s32 v17, $0x0  }
0x6b: {  	v12 =	vmin.u32 v12, $0x1869E;
	v13 =	vadd.f32 v13, v3;
	v17 =	vnsel vm0, $0x0, v17  }
0x6c: {  	v52 =	vadd.s32 $0x1, v12;
	v53 =	vcvt.s32.f32 v12;
	v17 =	vmin.u32 v17, $0x1869E  }
0x6d: {  	v19 =	vcvt.s32.f32 v52;
	v18 =	vadd.f32 v51, v3;
	v54 =	vadd.s32 $0x1, v17  }
0x6e: {  	v22 =	vcvt.s32.f32 v17;
	v21 =	vcvt.s32.f32 v54  }
0x6f: {  	v20 =	vmul.f32 v53, v2;
	v19 =	vmul.f32 v19, v2;
	v13 =	vsub.f32 v13, v18  }
0x70: {  	v22 =	vmul.f32 v22, v2;
	v21 =	vmul.f32 v21, v2  }
0x71: {  	v55 =	vadd.f32 v20, v3;
	v19 =	vadd.f32 v19, v3;
	(erf) = vrcp.f32 v13  }
0x72: {  	v56 =	vadd.f32 v22, v3;
	v21 =	vadd.f32 v21, v3  }
0x73: {  	v57 =	vsub.f32 v19, v55  }
0x74: {  	v58 =	vsub.f32 v21, v56  }
0x75: {  	v6 =	vsub.f32 v6, v10;
	(erf) = vrcp.f32 v57  }
0x76: {  	v59 =	vpop (erf);
	(erf) = vrcp.f32 v58  }
0x77: {  	v7 =	vsub.f32 v7, v14;
	v6 =	vmul.f32 v59, v6  }
0x78: {  	v60 =	vpop (erf)  }
0x79: {  	[tilespmem:s0+$0x6480] =	vst v6;
	v6 =	vmul.f32 v60, v7;
	v7 =	vsub.f32 v8, v18  }
0x7a: {  	[tilespmem:s26+$0x6580] =	vst v11;
	v61 =	vpop (erf)  }
0x7b: {  	[tilespmem:s2+$0x6480] =	vst v6;
	v6 =	vmul.f32 v61, v7;
	v7 =	vsub.f32 v9, v55;
	_ =	sdelay $0x2  }
0x7c: {  	[tilespmem:s28+$0x6580] =	vst v12;
	v63 =	vsub.f32 v15, v56;
	v62 =	vpop (erf)  }
0x7d: {  	[tilespmem:s26+$0x6480] =	vst v6;
	v6 =	vmul.f32 v62, v7;
	v7 =	vpop (erf)  }
0x7e: {  	[tilespmem:s29+$0x6580] =	vst v17;
	v7 =	vmul.f32 v7, v63  }
0x7f: {  	[tilespmem:s28+$0x6480] =	vst v6  }
0x80: {  	s26 =	simm.s32 $0x80;
	s28 =	simm.s32 $0x0;
	[tilespmem:s29+$0x6480] =	vst v7;
	s29 =	simm.s32 $0x100  }
0x81: {  	[tilespmem:s13], [sflag:$0x1] =	stream.indirect.gather [hbm4b:s5+s26], $0x80, s12, s26, $0xb8;
	[tilespmem:$0x12680] =	vst v63  }
.LBB2_4:
0x82: {  	v6 =	vmov s26;
	_ =	sdelay $0x3  }
0x83: {  	s30 =	sshllo.u32 s28, $0x1;
	s0 =	simm.s32 $0x0;
	s2 =	simm.s32 $0x40  }
.LBB2_5:
0x84: {  	p0 =	sne.s32 s2, $0x1C0;
	v7 =	vld.idx.msk [tilespmem:v6+s0+$0x0 ss:$0x1], $0xffff;
	_ =	sdelay $0x5  }
0x85: {  	v7 =	vmax.f32 v7, v3  }
0x86: {  	v7 =	vmin.f32 v7, v4  }
0x87: {  	v8 =	vsub.f32 v7, v3;
	_ =	sdelay $0x1  }
0x88: {  	v8 =	vmul.f32 v8, v5;
	_ =	sdelay $0x1  }
0x89: {  	v8 =	vtrunc.f32 v8  }
0x8a: {  	v8 =	vcvt.f32.s32 v8;
	_ =	sdelay $0x1  }
0x8b: {  	v9 =	vcvt.s32.f32 v8;
	_ =	sdelay $0x1  }
0x8c: {  	v9 =	vmul.f32 v9, v2;
	_ =	sdelay $0x1  }
0x8d: {  	v9 =	vadd.f32 v9, v3;
	_ =	sdelay $0x1  }
0x8e: {  	vm0 =	vlt.f32 v7, v9  }
0x8f: {  	v9 =	vsel vm0, $0xFFFFFFFF, v0  }
0x90: {  	v8 =	vadd.s32 v8, v9  }
0x91: {  	v9 =	vadd.s32 $0x1, v8  }
0x92: {  	v10 =	vcvt.s32.f32 v9;
	_ =	sdelay $0x1  }
0x93: {  	v10 =	vmul.f32 v10, v2;
	_ =	sdelay $0x1  }
0x94: {  	v10 =	vadd.f32 v10, v3;
	_ =	sdelay $0x1  }
0x95: {  	vm0 =	vge.f32 v7, v10  }
0x96: {  	v8 =	vsel vm0, v9, v8  }
0x97: {  	vm0 =	vgt.s32 v8, $0x0  }
0x98: {  	v8 =	vnsel vm0, $0x0, v8  }
0x99: {  	v8 =	vmin.u32 v8, $0x1869E  }
0x9a: {  	v9 =	vadd.s32 $0x1, v8;
	[tilespmem:s0+$0x6600] =	vst v8  }
0x9b: {  	v8 =	vcvt.s32.f32 v8;
	v9 =	vcvt.s32.f32 v9;
	_ =	sdelay $0x1  }
0x9c: {  	v8 =	vmul.f32 v8, v2;
	v9 =	vmul.f32 v9, v2;
	_ =	sdelay $0x1  }
0x9d: {  	v8 =	vadd.f32 v8, v3;
	v9 =	vadd.f32 v9, v3;
	_ =	sdelay $0x1  }
0x9e: {  	v9 =	vsub.f32 v9, v8;
	_ =	sdelay $0x1  }
0x9f: {  	(erf) = vrcp.f32 v9;
	_ =	sdelay $0x7  }
.Ltmp1:
0xa0: {  	v7 =	vsub.f32 v7, v8;
	(pc) =	sbr.rel @p0 .LBB2_5-.Ltmp1, $3  }
0xa1: {  	v8 =	vpop (erf)  }
0xa2: {  	v7 =	vmul.f32 v8, v7;
	_ =	sdelay $0x1  }
0xa3: {  	[tilespmem:s0+$0x6500] =	vst v7;
	s0 =	sshra.s32 s2, $0x2;
	s2 =	sadd.s32 $0x40, s2  }
0xa4: {  	_ =	sdelay $0x3  }
0xa5: {  	v6 =	vld.idx.msk [tilespmem:v6+s0+$0x0 ss:$0x1], $0xffff;
	_ =	sdelay $0x4  }
0xa6: {  	v6 =	vmax.f32 v6, v3  }
0xa7: {  	v6 =	vmin.f32 v6, v4  }
0xa8: {  	v7 =	vsub.f32 v6, v3;
	_ =	sdelay $0x1  }
0xa9: {  	v7 =	vmul.f32 v7, v5;
	_ =	sdelay $0x1  }
0xaa: {  	v7 =	vtrunc.f32 v7  }
0xab: {  	v7 =	vcvt.f32.s32 v7;
	_ =	sdelay $0x1  }
0xac: {  	v8 =	vcvt.s32.f32 v7;
	_ =	sdelay $0x1  }
0xad: {  	v8 =	vmul.f32 v8, v2;
	_ =	sdelay $0x1  }
0xae: {  	v8 =	vadd.f32 v8, v3;
	_ =	sdelay $0x1  }
0xaf: {  	vm0 =	vlt.f32 v6, v8  }
0xb0: {  	v8 =	vsel vm0, $0xFFFFFFFF, v0  }
0xb1: {  	v7 =	vadd.s32 v7, v8  }
0xb2: {  	v8 =	vadd.s32 $0x1, v7  }
0xb3: {  	v9 =	vcvt.s32.f32 v8;
	_ =	sdelay $0x1  }
0xb4: {  	v9 =	vmul.f32 v9, v2;
	_ =	sdelay $0x1  }
0xb5: {  	v9 =	vadd.f32 v9, v3;
	_ =	sdelay $0x1  }
0xb6: {  	vm15 =	vge.f32 v6, v9  }
0xb7: {  	v7 =	vsel vm15, v8, v7  }
0xb8: {  	vm0 =	vgt.s32 v7, $0x0  }
0xb9: {  	v7 =	vnsel vm0, $0x0, v7  }
0xba: {  	v7 =	vmin.u32 v7, $0x1869E  }
0xbb: {  	v62 =	vadd.s32 $0x1, v7  }
0xbc: {  	v63 =	vcvt.s32.f32 v7;
	v8 =	vcvt.s32.f32 v62;
	_ =	sdelay $0x1  }
0xbd: {  	v9 =	vmul.f32 v63, v2;
	v8 =	vmul.f32 v8, v2;
	_ =	sdelay $0x1  }
0xbe: {  	v9 =	vadd.f32 v9, v3;
	v8 =	vadd.f32 v8, v3;
	_ =	sdelay $0x1  }
0xbf: {  	v8 =	vsub.f32 v8, v9;
	_ =	sdelay $0x1  }
0xc0: {  	(erf) = vrcp.f32 v8;
	_ =	sdelay $0x7  }
0xc1: {  	v6 =	vsub.f32 v6, v9  }
0xc2: {  	v8 =	vpop (erf)  }
0xc3: {  	v6 =	vmul.f32 v8, v6  }
0xc4: {  	p0 =	seq.s32 s28, $0x0;
	[tilespmem:s0+$0x6600] =	vst v7  }
0xc5: {  	[tilespmem:s0+$0x6500] =	vst v6;
	s0 =	simm.s32 @!p0 $0x3  }
0xc6: {  	[tilespmem:s16], [sflag:$0x2] =	stream.indirect.gather [hbm4b:s5+s14], $0x80, s15, s14, $0xb8;
	[tilespmem:$0x12680] =	vst v63  }
0xc7: {  	_ =	swait.ge @!p0 [sflag:s0], $0x2000  }
0xc8: {  	[sflag:s0] =	ssyncset.done @!p0 $0x0  }
0xc9: {  	[sflag:s0] =	ssyncadd.s32 @!p0 $0xFFFFE000  }
0xca: {  	_ =	swait.ge [sflag:s17], $0x4000  }
0xcb: {  	s31 =	simm.s32 $0x0;
	[sflag:s17] =	ssyncset.done $0x0  }
0xcc: {  	s2 =	simm.s32 $0x6480;
	s0 =	simm.s32 $0xF680;
	[sflag:s17] =	ssyncadd.s32 $0xFFFFC000  }
.LBB2_7:
0xcd: {  	v6 =	vmov s31  }
0xce: {  	v6 =	vshll.u32 v6, $0x7  }
0xcf: {  	v8 =	vor.u32 v1, v6  }
0xd0: {  	v7 =	vor.u32 $0x40, v8;
	_ =	sdelay $0x2  }
0xd1: {  	v6 =	vld [tilespmem:s2+$0x0]  }
0xd2: {  	v9 =	vld.idx.msk [tilespmem:v8+s13+$0x0], $0xffff  }
0xd3: {  	v10 =	vld.idx.msk [tilespmem:v7+s13+$0x0], $0xffff;
	_ =	sdelay $0x2  }
0xd4: {  	v7 =	vsub.f32 $1.000000000e+00, v6;
	_ =	sdelay $0x1  }
0xd5: {  	v11 =	vor.u32 $0x1, v8;
	v9 =	vmul.f32 v9, v7;
	v10 =	vmul.f32 v10, v6  }
0xd6: {  	v12 =	vor.u32 $0x41, v8  }
0xd7: {  	v9 =	vadd.f32 v10, v9;
	_ =	sdelay $0x1  }
0xd8: {  	[tilespmem:s0+$0xFFFFF000] =	vst v9  }
0xd9: {  	v9 =	vld.idx.msk [tilespmem:v11+s13+$0x0], $0xffff  }
0xda: {  	v23 =	vld.idx.msk [tilespmem:v12+s13+$0x0], $0xffff;
	_ =	sdelay $0x4  }
0xdb: {  	v24 =	vor.u32 $0x2, v8;
	v9 =	vmul.f32 v9, v7;
	v10 =	vmul.f32 v23, v6  }
0xdc: {  	v25 =	vor.u32 $0x42, v8  }
0xdd: {  	v9 =	vadd.f32 v10, v9;
	_ =	sdelay $0x1  }
0xde: {  	[tilespmem:s0+$0xFFFFF080] =	vst v9  }
0xdf: {  	v9 =	vld.idx.msk [tilespmem:v24+s13+$0x0], $0xffff  }
0xe0: {  	v26 =	vld.idx.msk [tilespmem:v25+s13+$0x0], $0xffff;
	_ =	sdelay $0x4  }
0xe1: {  	v27 =	vor.u32 $0x3, v8;
	v9 =	vmul.f32 v9, v7;
	v10 =	vmul.f32 v26, v6  }
0xe2: {  	v28 =	vor.u32 $0x43, v8  }
0xe3: {  	v9 =	vadd.f32 v10, v9;
	_ =	sdelay $0x1  }
0xe4: {  	[tilespmem:s0+$0xFFFFF100] =	vst v9  }
0xe5: {  	v9 =	vld.idx.msk [tilespmem:v27+s13+$0x0], $0xffff  }
0xe6: {  	v29 =	vld.idx.msk [tilespmem:v28+s13+$0x0], $0xffff;
	_ =	sdelay $0x4  }
0xe7: {  	v30 =	vor.u32 $0x4, v8;
	v9 =	vmul.f32 v9, v7;
	v10 =	vmul.f32 v29, v6  }
0xe8: {  	v31 =	vor.u32 $0x44, v8  }
0xe9: {  	v9 =	vadd.f32 v10, v9;
	_ =	sdelay $0x1  }
0xea: {  	[tilespmem:s0+$0xFFFFF180] =	vst v9  }
0xeb: {  	v9 =	vld.idx.msk [tilespmem:v30+s13+$0x0], $0xffff  }
0xec: {  	v32 =	vld.idx.msk [tilespmem:v31+s13+$0x0], $0xffff;
	_ =	sdelay $0x4  }
0xed: {  	v33 =	vor.u32 $0x5, v8;
	v9 =	vmul.f32 v9, v7;
	v10 =	vmul.f32 v32, v6  }
0xee: {  	v34 =	vor.u32 $0x45, v8  }
0xef: {  	v9 =	vadd.f32 v10, v9;
	_ =	sdelay $0x1  }
0xf0: {  	[tilespmem:s0+$0xFFFFF200] =	vst v9  }
0xf1: {  	v9 =	vld.idx.msk [tilespmem:v33+s13+$0x0], $0xffff  }
0xf2: {  	v35 =	vld.idx.msk [tilespmem:v34+s13+$0x0], $0xffff;
	_ =	sdelay $0x4  }
0xf3: {  	v36 =	vor.u32 $0x6, v8;
	v9 =	vmul.f32 v9, v7;
	v10 =	vmul.f32 v35, v6  }
0xf4: {  	v37 =	vor.u32 $0x46, v8  }
0xf5: {  	v9 =	vadd.f32 v10, v9;
	_ =	sdelay $0x1  }
0xf6: {  	[tilespmem:s0+$0xFFFFF280] =	vst v9  }
0xf7: {  	v9 =	vld.idx.msk [tilespmem:v36+s13+$0x0], $0xffff  }
0xf8: {  	v38 =	vld.idx.msk [tilespmem:v37+s13+$0x0], $0xffff;
	_ =	sdelay $0x4  }
0xf9: {  	v39 =	vor.u32 $0x7, v8;
	v9 =	vmul.f32 v9, v7;
	v10 =	vmul.f32 v38, v6  }
0xfa: {  	v40 =	vor.u32 $0x47, v8  }
0xfb: {  	v9 =	vadd.f32 v10, v9;
	_ =	sdelay $0x1  }
0xfc: {  	[tilespmem:s0+$0xFFFFF300] =	vst v9  }
0xfd: {  	v9 =	vld.idx.msk [tilespmem:v39+s13+$0x0], $0xffff  }
0xfe: {  	v41 =	vld.idx.msk [tilespmem:v40+s13+$0x0], $0xffff;
	_ =	sdelay $0x4  }
0xff: {  	v42 =	vor.u32 $0x8, v8;
	v9 =	vmul.f32 v9, v7;
	v10 =	vmul.f32 v41, v6  }
0x100: {  	v43 =	vor.u32 $0x48, v8  }
0x101: {  	v9 =	vadd.f32 v10, v9;
	_ =	sdelay $0x1  }
0x102: {  	[tilespmem:s0+$0xFFFFF380] =	vst v9  }
0x103: {  	v9 =	vld.idx.msk [tilespmem:v42+s13+$0x0], $0xffff  }
0x104: {  	v44 =	vld.idx.msk [tilespmem:v43+s13+$0x0], $0xffff;
	_ =	sdelay $0x4  }
0x105: {  	v45 =	vor.u32 $0x9, v8;
	v9 =	vmul.f32 v9, v7;
	v10 =	vmul.f32 v44, v6  }
0x106: {  	v46 =	vor.u32 $0x49, v8  }
0x107: {  	v9 =	vadd.f32 v10, v9;
	_ =	sdelay $0x1  }
0x108: {  	[tilespmem:s0+$0xFFFFF400] =	vst v9  }
0x109: {  	v9 =	vld.idx.msk [tilespmem:v45+s13+$0x0], $0xffff  }
0x10a: {  	v47 =	vld.idx.msk [tilespmem:v46+s13+$0x0], $0xffff;
	_ =	sdelay $0x4  }
0x10b: {  	v48 =	vor.u32 $0xA, v8;
	v9 =	vmul.f32 v9, v7;
	v10 =	vmul.f32 v47, v6  }
0x10c: {  	v49 =	vor.u32 $0x4A, v8  }
0x10d: {  	v9 =	vadd.f32 v10, v9;
	_ =	sdelay $0x1  }
0x10e: {  	[tilespmem:s0+$0xFFFFF480] =	vst v9  }
0x10f: {  	v9 =	vld.idx.msk [tilespmem:v48+s13+$0x0], $0xffff  }
0x110: {  	v50 =	vld.idx.msk [tilespmem:v49+s13+$0x0], $0xffff;
	_ =	sdelay $0x4  }
0x111: {  	v51 =	vor.u32 $0xB, v8;
	v9 =	vmul.f32 v9, v7;
	v10 =	vmul.f32 v50, v6  }
0x112: {  	v52 =	vor.u32 $0x4B, v8  }
0x113: {  	v9 =	vadd.f32 v10, v9;
	_ =	sdelay $0x1  }
0x114: {  	[tilespmem:s0+$0xFFFFF500] =	vst v9  }
0x115: {  	v9 =	vld.idx.msk [tilespmem:v51+s13+$0x0], $0xffff  }
0x116: {  	v53 =	vld.idx.msk [tilespmem:v52+s13+$0x0], $0xffff;
	_ =	sdelay $0x4  }
0x117: {  	v54 =	vor.u32 $0xC, v8;
	v9 =	vmul.f32 v9, v7;
	v10 =	vmul.f32 v53, v6  }
0x118: {  	v55 =	vor.u32 $0x4C, v8  }
0x119: {  	v9 =	vadd.f32 v10, v9;
	_ =	sdelay $0x1  }
0x11a: {  	[tilespmem:s0+$0xFFFFF580] =	vst v9  }
0x11b: {  	v9 =	vld.idx.msk [tilespmem:v54+s13+$0x0], $0xffff  }
0x11c: {  	v56 =	vld.idx.msk [tilespmem:v55+s13+$0x0], $0xffff;
	_ =	sdelay $0x4  }
0x11d: {  	v57 =	vor.u32 $0xD, v8;
	v9 =	vmul.f32 v9, v7;
	v10 =	vmul.f32 v56, v6  }
0x11e: {  	v58 =	vor.u32 $0x4D, v8  }
0x11f: {  	v9 =	vadd.f32 v10, v9;
	_ =	sdelay $0x1  }
0x120: {  	[tilespmem:s0+$0xFFFFF600] =	vst v9  }
0x121: {  	v9 =	vld.idx.msk [tilespmem:v57+s13+$0x0], $0xffff  }
0x122: {  	v59 =	vld.idx.msk [tilespmem:v58+s13+$0x0], $0xffff;
	_ =	sdelay $0x4  }
0x123: {  	v60 =	vor.u32 $0xE, v8;
	v9 =	vmul.f32 v9, v7;
	v10 =	vmul.f32 v59, v6  }
0x124: {  	v61 =	vor.u32 $0x4E, v8  }
0x125: {  	v9 =	vadd.f32 v10, v9;
	_ =	sdelay $0x1  }
0x126: {  	[tilespmem:s0+$0xFFFFF680] =	vst v9  }
0x127: {  	v9 =	vld.idx.msk [tilespmem:v60+s13+$0x0], $0xffff  }
0x128: {  	v62 =	vld.idx.msk [tilespmem:v61+s13+$0x0], $0xffff;
	_ =	sdelay $0x4  }
0x129: {  	v63 =	vor.u32 $0xF, v8;
	v9 =	vmul.f32 v9, v7;
	v10 =	vmul.f32 v62, v6  }
0x12a: {  	v16 =	vor.u32 $0x4F, v8  }
0x12b: {  	v9 =	vadd.f32 v10, v9;
	_ =	sdelay $0x1  }
0x12c: {  	[tilespmem:s0+$0xFFFFF700] =	vst v9  }
0x12d: {  	v9 =	vld.idx.msk [tilespmem:v63+s13+$0x0], $0xffff  }
0x12e: {  	v17 =	vld.idx.msk [tilespmem:v16+s13+$0x0], $0xffff;
	_ =	sdelay $0x4  }
0x12f: {  	v18 =	vor.u32 $0x10, v8;
	v9 =	vmul.f32 v9, v7;
	v10 =	vmul.f32 v17, v6  }
0x130: {  	v19 =	vor.u32 $0x50, v8  }
0x131: {  	v9 =	vadd.f32 v10, v9;
	_ =	sdelay $0x1  }
0x132: {  	[tilespmem:s0+$0xFFFFF780] =	vst v9  }
0x133: {  	v9 =	vld.idx.msk [tilespmem:v18+s13+$0x0], $0xffff  }
0x134: {  	v20 =	vld.idx.msk [tilespmem:v19+s13+$0x0], $0xffff;
	_ =	sdelay $0x4  }
0x135: {  	v21 =	vor.u32 $0x11, v8;
	v9 =	vmul.f32 v9, v7;
	v10 =	vmul.f32 v20, v6  }
0x136: {  	v22 =	vor.u32 $0x51, v8  }
0x137: {  	v9 =	vadd.f32 v10, v9;
	_ =	sdelay $0x1  }
0x138: {  	[tilespmem:s0+$0xFFFFF800] =	vst v9  }
0x139: {  	v9 =	vld.idx.msk [tilespmem:v21+s13+$0x0], $0xffff  }
0x13a: {  	v23 =	vld.idx.msk [tilespmem:v22+s13+$0x0], $0xffff;
	_ =	sdelay $0x4  }
0x13b: {  	v24 =	vor.u32 $0x12, v8;
	v9 =	vmul.f32 v9, v7;
	v10 =	vmul.f32 v23, v6  }
0x13c: {  	v25 =	vor.u32 $0x52, v8  }
0x13d: {  	v9 =	vadd.f32 v10, v9;
	_ =	sdelay $0x1  }
0x13e: {  	[tilespmem:s0+$0xFFFFF880] =	vst v9  }
0x13f: {  	v9 =	vld.idx.msk [tilespmem:v24+s13+$0x0], $0xffff  }
0x140: {  	v26 =	vld.idx.msk [tilespmem:v25+s13+$0x0], $0xffff;
	_ =	sdelay $0x4  }
0x141: {  	v27 =	vor.u32 $0x13, v8;
	v9 =	vmul.f32 v9, v7;
	v10 =	vmul.f32 v26, v6  }
0x142: {  	v28 =	vor.u32 $0x53, v8  }
0x143: {  	v9 =	vadd.f32 v10, v9;
	_ =	sdelay $0x1  }
0x144: {  	[tilespmem:s0+$0xFFFFF900] =	vst v9  }
0x145: {  	v9 =	vld.idx.msk [tilespmem:v27+s13+$0x0], $0xffff  }
0x146: {  	v29 =	vld.idx.msk [tilespmem:v28+s13+$0x0], $0xffff;
	_ =	sdelay $0x4  }
0x147: {  	v30 =	vor.u32 $0x14, v8;
	v9 =	vmul.f32 v9, v7;
	v10 =	vmul.f32 v29, v6  }
0x148: {  	v31 =	vor.u32 $0x54, v8  }
0x149: {  	v9 =	vadd.f32 v10, v9;
	_ =	sdelay $0x1  }
0x14a: {  	[tilespmem:s0+$0xFFFFF980] =	vst v9  }
0x14b: {  	v9 =	vld.idx.msk [tilespmem:v30+s13+$0x0], $0xffff  }
0x14c: {  	v32 =	vld.idx.msk [tilespmem:v31+s13+$0x0], $0xffff;
	_ =	sdelay $0x4  }
0x14d: {  	v33 =	vor.u32 $0x15, v8;
	v9 =	vmul.f32 v9, v7;
	v10 =	vmul.f32 v32, v6  }
0x14e: {  	v34 =	vor.u32 $0x55, v8  }
0x14f: {  	v9 =	vadd.f32 v10, v9;
	_ =	sdelay $0x1  }
0x150: {  	[tilespmem:s0+$0xFFFFFA00] =	vst v9  }
0x151: {  	v9 =	vld.idx.msk [tilespmem:v33+s13+$0x0], $0xffff  }
0x152: {  	v35 =	vld.idx.msk [tilespmem:v34+s13+$0x0], $0xffff;
	_ =	sdelay $0x4  }
0x153: {  	v36 =	vor.u32 $0x16, v8;
	v9 =	vmul.f32 v9, v7;
	v10 =	vmul.f32 v35, v6  }
0x154: {  	v37 =	vor.u32 $0x56, v8  }
0x155: {  	v9 =	vadd.f32 v10, v9;
	_ =	sdelay $0x1  }
0x156: {  	[tilespmem:s0+$0xFFFFFA80] =	vst v9  }
0x157: {  	v9 =	vld.idx.msk [tilespmem:v36+s13+$0x0], $0xffff  }
0x158: {  	v38 =	vld.idx.msk [tilespmem:v37+s13+$0x0], $0xffff;
	_ =	sdelay $0x4  }
0x159: {  	v39 =	vor.u32 $0x17, v8;
	v9 =	vmul.f32 v9, v7;
	v10 =	vmul.f32 v38, v6  }
0x15a: {  	v40 =	vor.u32 $0x57, v8  }
0x15b: {  	v9 =	vadd.f32 v10, v9;
	_ =	sdelay $0x1  }
0x15c: {  	[tilespmem:s0+$0xFFFFFB00] =	vst v9  }
0x15d: {  	v9 =	vld.idx.msk [tilespmem:v39+s13+$0x0], $0xffff  }
0x15e: {  	v41 =	vld.idx.msk [tilespmem:v40+s13+$0x0], $0xffff;
	_ =	sdelay $0x4  }
0x15f: {  	v42 =	vor.u32 $0x18, v8;
	v9 =	vmul.f32 v9, v7;
	v10 =	vmul.f32 v41, v6  }
0x160: {  	v43 =	vor.u32 $0x58, v8  }
0x161: {  	v9 =	vadd.f32 v10, v9;
	_ =	sdelay $0x1  }
0x162: {  	[tilespmem:s0+$0xFFFFFB80] =	vst v9  }
0x163: {  	v9 =	vld.idx.msk [tilespmem:v42+s13+$0x0], $0xffff  }
0x164: {  	v44 =	vld.idx.msk [tilespmem:v43+s13+$0x0], $0xffff;
	_ =	sdelay $0x4  }
0x165: {  	v45 =	vor.u32 $0x19, v8;
	v9 =	vmul.f32 v9, v7;
	v10 =	vmul.f32 v44, v6  }
0x166: {  	v46 =	vor.u32 $0x59, v8  }
0x167: {  	v9 =	vadd.f32 v10, v9;
	_ =	sdelay $0x1  }
0x168: {  	[tilespmem:s0+$0xFFFFFC00] =	vst v9  }
0x169: {  	v9 =	vld.idx.msk [tilespmem:v45+s13+$0x0], $0xffff  }
0x16a: {  	v47 =	vld.idx.msk [tilespmem:v46+s13+$0x0], $0xffff;
	_ =	sdelay $0x4  }
0x16b: {  	v48 =	vor.u32 $0x1A, v8;
	v9 =	vmul.f32 v9, v7;
	v10 =	vmul.f32 v47, v6  }
0x16c: {  	v49 =	vor.u32 $0x5A, v8  }
0x16d: {  	v9 =	vadd.f32 v10, v9;
	_ =	sdelay $0x1  }
0x16e: {  	[tilespmem:s0+$0xFFFFFC80] =	vst v9  }
0x16f: {  	v9 =	vld.idx.msk [tilespmem:v48+s13+$0x0], $0xffff  }
0x170: {  	v50 =	vld.idx.msk [tilespmem:v49+s13+$0x0], $0xffff;
	_ =	sdelay $0x4  }
0x171: {  	v51 =	vor.u32 $0x1B, v8;
	v9 =	vmul.f32 v9, v7;
	v10 =	vmul.f32 v50, v6  }
0x172: {  	v52 =	vor.u32 $0x5B, v8  }
0x173: {  	v9 =	vadd.f32 v10, v9;
	_ =	sdelay $0x1  }
0x174: {  	[tilespmem:s0+$0xFFFFFD00] =	vst v9  }
0x175: {  	v9 =	vld.idx.msk [tilespmem:v51+s13+$0x0], $0xffff  }
0x176: {  	v53 =	vld.idx.msk [tilespmem:v52+s13+$0x0], $0xffff;
	_ =	sdelay $0x4  }
0x177: {  	v54 =	vor.u32 $0x1C, v8;
	v9 =	vmul.f32 v9, v7;
	v10 =	vmul.f32 v53, v6  }
0x178: {  	v55 =	vor.u32 $0x5C, v8  }
0x179: {  	v9 =	vadd.f32 v10, v9;
	_ =	sdelay $0x1  }
0x17a: {  	[tilespmem:s0+$0xFFFFFD80] =	vst v9  }
0x17b: {  	v9 =	vld.idx.msk [tilespmem:v54+s13+$0x0], $0xffff  }
0x17c: {  	v56 =	vld.idx.msk [tilespmem:v55+s13+$0x0], $0xffff;
	_ =	sdelay $0x4  }
0x17d: {  	v57 =	vor.u32 $0x1D, v8;
	v9 =	vmul.f32 v9, v7;
	v10 =	vmul.f32 v56, v6  }
0x17e: {  	v58 =	vor.u32 $0x5D, v8  }
0x17f: {  	v9 =	vadd.f32 v10, v9;
	_ =	sdelay $0x1  }
0x180: {  	[tilespmem:s0+$0xFFFFFE00] =	vst v9  }
0x181: {  	v9 =	vld.idx.msk [tilespmem:v57+s13+$0x0], $0xffff  }
0x182: {  	v59 =	vld.idx.msk [tilespmem:v58+s13+$0x0], $0xffff;
	_ =	sdelay $0x4  }
0x183: {  	v60 =	vor.u32 $0x1E, v8;
	v9 =	vmul.f32 v9, v7;
	v10 =	vmul.f32 v59, v6  }
0x184: {  	v61 =	vor.u32 $0x5E, v8  }
0x185: {  	v9 =	vadd.f32 v10, v9;
	_ =	sdelay $0x1  }
0x186: {  	[tilespmem:s0+$0xFFFFFE80] =	vst v9  }
0x187: {  	v9 =	vld.idx.msk [tilespmem:v60+s13+$0x0], $0xffff  }
0x188: {  	v62 =	vld.idx.msk [tilespmem:v61+s13+$0x0], $0xffff;
	_ =	sdelay $0x4  }
0x189: {  	v63 =	vor.u32 $0x1F, v8;
	v9 =	vmul.f32 v9, v7;
	v10 =	vmul.f32 v62, v6  }
0x18a: {  	v16 =	vor.u32 $0x5F, v8  }
0x18b: {  	v9 =	vadd.f32 v10, v9;
	_ =	sdelay $0x1  }
0x18c: {  	[tilespmem:s0+$0xFFFFFF00] =	vst v9  }
0x18d: {  	v9 =	vld.idx.msk [tilespmem:v63+s13+$0x0], $0xffff  }
0x18e: {  	v17 =	vld.idx.msk [tilespmem:v16+s13+$0x0], $0xffff;
	_ =	sdelay $0x4  }
0x18f: {  	v18 =	vor.u32 $0x20, v8;
	v9 =	vmul.f32 v9, v7;
	v10 =	vmul.f32 v17, v6  }
0x190: {  	v19 =	vor.u32 $0x60, v8  }
0x191: {  	v9 =	vadd.f32 v10, v9;
	_ =	sdelay $0x1  }
0x192: {  	[tilespmem:s0+$0xFFFFFF80] =	vst v9  }
0x193: {  	v9 =	vld.idx.msk [tilespmem:v18+s13+$0x0], $0xffff  }
0x194: {  	v20 =	vld.idx.msk [tilespmem:v19+s13+$0x0], $0xffff;
	_ =	sdelay $0x4  }
0x195: {  	v21 =	vor.u32 $0x21, v8;
	v9 =	vmul.f32 v9, v7;
	v10 =	vmul.f32 v20, v6  }
0x196: {  	v22 =	vor.u32 $0x61, v8  }
0x197: {  	v9 =	vadd.f32 v10, v9;
	_ =	sdelay $0x1  }
0x198: {  	[tilespmem:s0+$0x0] =	vst v9  }
0x199: {  	v9 =	vld.idx.msk [tilespmem:v21+s13+$0x0], $0xffff  }
0x19a: {  	v23 =	vld.idx.msk [tilespmem:v22+s13+$0x0], $0xffff;
	_ =	sdelay $0x4  }
0x19b: {  	v24 =	vor.u32 $0x22, v8;
	v9 =	vmul.f32 v9, v7;
	v10 =	vmul.f32 v23, v6  }
0x19c: {  	v25 =	vor.u32 $0x62, v8  }
0x19d: {  	v9 =	vadd.f32 v10, v9;
	_ =	sdelay $0x1  }
0x19e: {  	[tilespmem:s0+$0x80] =	vst v9  }
0x19f: {  	v9 =	vld.idx.msk [tilespmem:v24+s13+$0x0], $0xffff  }
0x1a0: {  	v26 =	vld.idx.msk [tilespmem:v25+s13+$0x0], $0xffff;
	_ =	sdelay $0x4  }
0x1a1: {  	v27 =	vor.u32 $0x23, v8;
	v9 =	vmul.f32 v9, v7;
	v10 =	vmul.f32 v26, v6  }
0x1a2: {  	v28 =	vor.u32 $0x63, v8  }
0x1a3: {  	v9 =	vadd.f32 v10, v9;
	_ =	sdelay $0x1  }
0x1a4: {  	[tilespmem:s0+$0x100] =	vst v9  }
0x1a5: {  	v9 =	vld.idx.msk [tilespmem:v27+s13+$0x0], $0xffff  }
0x1a6: {  	v29 =	vld.idx.msk [tilespmem:v28+s13+$0x0], $0xffff;
	_ =	sdelay $0x4  }
0x1a7: {  	v30 =	vor.u32 $0x24, v8;
	v9 =	vmul.f32 v9, v7;
	v10 =	vmul.f32 v29, v6  }
0x1a8: {  	v31 =	vor.u32 $0x64, v8  }
0x1a9: {  	v9 =	vadd.f32 v10, v9;
	_ =	sdelay $0x1  }
0x1aa: {  	[tilespmem:s0+$0x180] =	vst v9  }
0x1ab: {  	v9 =	vld.idx.msk [tilespmem:v30+s13+$0x0], $0xffff  }
0x1ac: {  	v32 =	vld.idx.msk [tilespmem:v31+s13+$0x0], $0xffff;
	_ =	sdelay $0x4  }
0x1ad: {  	v33 =	vor.u32 $0x25, v8;
	v9 =	vmul.f32 v9, v7;
	v10 =	vmul.f32 v32, v6  }
0x1ae: {  	v34 =	vor.u32 $0x65, v8  }
0x1af: {  	v9 =	vadd.f32 v10, v9;
	_ =	sdelay $0x1  }
0x1b0: {  	[tilespmem:s0+$0x200] =	vst v9  }
0x1b1: {  	v9 =	vld.idx.msk [tilespmem:v33+s13+$0x0], $0xffff  }
0x1b2: {  	v35 =	vld.idx.msk [tilespmem:v34+s13+$0x0], $0xffff;
	_ =	sdelay $0x4  }
0x1b3: {  	v36 =	vor.u32 $0x26, v8;
	v9 =	vmul.f32 v9, v7;
	v10 =	vmul.f32 v35, v6  }
0x1b4: {  	v37 =	vor.u32 $0x66, v8  }
0x1b5: {  	v9 =	vadd.f32 v10, v9;
	_ =	sdelay $0x1  }
0x1b6: {  	[tilespmem:s0+$0x280] =	vst v9  }
0x1b7: {  	v9 =	vld.idx.msk [tilespmem:v36+s13+$0x0], $0xffff  }
0x1b8: {  	v38 =	vld.idx.msk [tilespmem:v37+s13+$0x0], $0xffff;
	_ =	sdelay $0x4  }
0x1b9: {  	v39 =	vor.u32 $0x27, v8;
	v9 =	vmul.f32 v9, v7;
	v10 =	vmul.f32 v38, v6  }
0x1ba: {  	v40 =	vor.u32 $0x67, v8  }
0x1bb: {  	v9 =	vadd.f32 v10, v9;
	_ =	sdelay $0x1  }
0x1bc: {  	[tilespmem:s0+$0x300] =	vst v9  }
0x1bd: {  	v9 =	vld.idx.msk [tilespmem:v39+s13+$0x0], $0xffff  }
0x1be: {  	v41 =	vld.idx.msk [tilespmem:v40+s13+$0x0], $0xffff;
	_ =	sdelay $0x4  }
0x1bf: {  	v42 =	vor.u32 $0x28, v8;
	v9 =	vmul.f32 v9, v7;
	v10 =	vmul.f32 v41, v6  }
0x1c0: {  	v43 =	vor.u32 $0x68, v8  }
0x1c1: {  	v9 =	vadd.f32 v10, v9;
	_ =	sdelay $0x1  }
0x1c2: {  	[tilespmem:s0+$0x380] =	vst v9  }
0x1c3: {  	v9 =	vld.idx.msk [tilespmem:v42+s13+$0x0], $0xffff  }
0x1c4: {  	v44 =	vld.idx.msk [tilespmem:v43+s13+$0x0], $0xffff;
	_ =	sdelay $0x4  }
0x1c5: {  	v45 =	vor.u32 $0x29, v8;
	v9 =	vmul.f32 v9, v7;
	v10 =	vmul.f32 v44, v6  }
0x1c6: {  	v46 =	vor.u32 $0x69, v8  }
0x1c7: {  	v9 =	vadd.f32 v10, v9;
	_ =	sdelay $0x1  }
0x1c8: {  	[tilespmem:s0+$0x400] =	vst v9  }
0x1c9: {  	v9 =	vld.idx.msk [tilespmem:v45+s13+$0x0], $0xffff  }
0x1ca: {  	v47 =	vld.idx.msk [tilespmem:v46+s13+$0x0], $0xffff;
	_ =	sdelay $0x4  }
0x1cb: {  	v48 =	vor.u32 $0x2A, v8;
	v9 =	vmul.f32 v9, v7;
	v10 =	vmul.f32 v47, v6  }
0x1cc: {  	v49 =	vor.u32 $0x6A, v8  }
0x1cd: {  	v9 =	vadd.f32 v10, v9;
	_ =	sdelay $0x1  }
0x1ce: {  	[tilespmem:s0+$0x480] =	vst v9  }
0x1cf: {  	v9 =	vld.idx.msk [tilespmem:v48+s13+$0x0], $0xffff  }
0x1d0: {  	v50 =	vld.idx.msk [tilespmem:v49+s13+$0x0], $0xffff;
	_ =	sdelay $0x4  }
0x1d1: {  	v51 =	vor.u32 $0x2B, v8;
	v9 =	vmul.f32 v9, v7;
	v10 =	vmul.f32 v50, v6  }
0x1d2: {  	v52 =	vor.u32 $0x6B, v8  }
0x1d3: {  	v9 =	vadd.f32 v10, v9;
	_ =	sdelay $0x1  }
0x1d4: {  	[tilespmem:s0+$0x500] =	vst v9  }
0x1d5: {  	v9 =	vld.idx.msk [tilespmem:v51+s13+$0x0], $0xffff  }
0x1d6: {  	v53 =	vld.idx.msk [tilespmem:v52+s13+$0x0], $0xffff;
	_ =	sdelay $0x4  }
0x1d7: {  	v54 =	vor.u32 $0x2C, v8;
	v9 =	vmul.f32 v9, v7;
	v10 =	vmul.f32 v53, v6  }
0x1d8: {  	v55 =	vor.u32 $0x6C, v8  }
0x1d9: {  	v9 =	vadd.f32 v10, v9;
	_ =	sdelay $0x1  }
0x1da: {  	[tilespmem:s0+$0x580] =	vst v9  }
0x1db: {  	v9 =	vld.idx.msk [tilespmem:v54+s13+$0x0], $0xffff  }
0x1dc: {  	v56 =	vld.idx.msk [tilespmem:v55+s13+$0x0], $0xffff;
	_ =	sdelay $0x4  }
0x1dd: {  	v57 =	vor.u32 $0x2D, v8;
	v9 =	vmul.f32 v9, v7;
	v10 =	vmul.f32 v56, v6  }
0x1de: {  	v58 =	vor.u32 $0x6D, v8  }
0x1df: {  	v9 =	vadd.f32 v10, v9;
	_ =	sdelay $0x1  }
0x1e0: {  	[tilespmem:s0+$0x600] =	vst v9  }
0x1e1: {  	v9 =	vld.idx.msk [tilespmem:v57+s13+$0x0], $0xffff  }
0x1e2: {  	v59 =	vld.idx.msk [tilespmem:v58+s13+$0x0], $0xffff;
	_ =	sdelay $0x4  }
0x1e3: {  	v60 =	vor.u32 $0x2E, v8;
	v9 =	vmul.f32 v9, v7;
	v10 =	vmul.f32 v59, v6  }
0x1e4: {  	v61 =	vor.u32 $0x6E, v8  }
0x1e5: {  	v9 =	vadd.f32 v10, v9;
	_ =	sdelay $0x1  }
0x1e6: {  	[tilespmem:s0+$0x680] =	vst v9  }
0x1e7: {  	v9 =	vld.idx.msk [tilespmem:v60+s13+$0x0], $0xffff  }
0x1e8: {  	v62 =	vld.idx.msk [tilespmem:v61+s13+$0x0], $0xffff;
	_ =	sdelay $0x4  }
0x1e9: {  	v63 =	vor.u32 $0x2F, v8;
	v9 =	vmul.f32 v9, v7;
	v10 =	vmul.f32 v62, v6  }
0x1ea: {  	v16 =	vor.u32 $0x6F, v8  }
0x1eb: {  	v9 =	vadd.f32 v10, v9;
	_ =	sdelay $0x1  }
0x1ec: {  	[tilespmem:s0+$0x700] =	vst v9  }
0x1ed: {  	v9 =	vld.idx.msk [tilespmem:v63+s13+$0x0], $0xffff  }
0x1ee: {  	v17 =	vld.idx.msk [tilespmem:v16+s13+$0x0], $0xffff;
	_ =	sdelay $0x4  }
0x1ef: {  	v18 =	vor.u32 $0x30, v8;
	v9 =	vmul.f32 v9, v7;
	v10 =	vmul.f32 v17, v6  }
0x1f0: {  	v19 =	vor.u32 $0x70, v8  }
0x1f1: {  	v9 =	vadd.f32 v10, v9;
	_ =	sdelay $0x1  }
0x1f2: {  	[tilespmem:s0+$0x780] =	vst v9  }
0x1f3: {  	v9 =	vld.idx.msk [tilespmem:v18+s13+$0x0], $0xffff  }
0x1f4: {  	v20 =	vld.idx.msk [tilespmem:v19+s13+$0x0], $0xffff;
	_ =	sdelay $0x4  }
0x1f5: {  	v21 =	vor.u32 $0x31, v8;
	v9 =	vmul.f32 v9, v7;
	v10 =	vmul.f32 v20, v6  }
0x1f6: {  	v22 =	vor.u32 $0x71, v8  }
0x1f7: {  	v9 =	vadd.f32 v10, v9;
	_ =	sdelay $0x1  }
0x1f8: {  	[tilespmem:s0+$0x800] =	vst v9  }
0x1f9: {  	v9 =	vld.idx.msk [tilespmem:v21+s13+$0x0], $0xffff  }
0x1fa: {  	v23 =	vld.idx.msk [tilespmem:v22+s13+$0x0], $0xffff;
	_ =	sdelay $0x4  }
0x1fb: {  	v24 =	vor.u32 $0x32, v8;
	v9 =	vmul.f32 v9, v7;
	v10 =	vmul.f32 v23, v6  }
0x1fc: {  	v25 =	vor.u32 $0x72, v8  }
0x1fd: {  	v9 =	vadd.f32 v10, v9;
	_ =	sdelay $0x1  }
0x1fe: {  	[tilespmem:s0+$0x880] =	vst v9  }
0x1ff: {  	v9 =	vld.idx.msk [tilespmem:v24+s13+$0x0], $0xffff  }
0x200: {  	v26 =	vld.idx.msk [tilespmem:v25+s13+$0x0], $0xffff;
	_ =	sdelay $0x4  }
0x201: {  	v27 =	vor.u32 $0x33, v8;
	v9 =	vmul.f32 v9, v7;
	v10 =	vmul.f32 v26, v6  }
0x202: {  	v28 =	vor.u32 $0x73, v8  }
0x203: {  	v9 =	vadd.f32 v10, v9;
	_ =	sdelay $0x1  }
0x204: {  	[tilespmem:s0+$0x900] =	vst v9  }
0x205: {  	v9 =	vld.idx.msk [tilespmem:v27+s13+$0x0], $0xffff  }
0x206: {  	v29 =	vld.idx.msk [tilespmem:v28+s13+$0x0], $0xffff;
	_ =	sdelay $0x4  }
0x207: {  	v30 =	vor.u32 $0x34, v8;
	v9 =	vmul.f32 v9, v7;
	v10 =	vmul.f32 v29, v6  }
0x208: {  	v31 =	vor.u32 $0x74, v8  }
0x209: {  	v9 =	vadd.f32 v10, v9;
	_ =	sdelay $0x1  }
0x20a: {  	[tilespmem:s0+$0x980] =	vst v9  }
0x20b: {  	v9 =	vld.idx.msk [tilespmem:v30+s13+$0x0], $0xffff  }
0x20c: {  	v32 =	vld.idx.msk [tilespmem:v31+s13+$0x0], $0xffff;
	_ =	sdelay $0x4  }
0x20d: {  	v33 =	vor.u32 $0x35, v8;
	v9 =	vmul.f32 v9, v7;
	v10 =	vmul.f32 v32, v6  }
0x20e: {  	v34 =	vor.u32 $0x75, v8  }
0x20f: {  	v9 =	vadd.f32 v10, v9;
	_ =	sdelay $0x1  }
0x210: {  	[tilespmem:s0+$0xA00] =	vst v9  }
0x211: {  	v9 =	vld.idx.msk [tilespmem:v33+s13+$0x0], $0xffff  }
0x212: {  	v35 =	vld.idx.msk [tilespmem:v34+s13+$0x0], $0xffff;
	_ =	sdelay $0x4  }
0x213: {  	v36 =	vor.u32 $0x36, v8;
	v9 =	vmul.f32 v9, v7;
	v10 =	vmul.f32 v35, v6  }
0x214: {  	v37 =	vor.u32 $0x76, v8  }
0x215: {  	v9 =	vadd.f32 v10, v9;
	_ =	sdelay $0x1  }
0x216: {  	[tilespmem:s0+$0xA80] =	vst v9  }
0x217: {  	v9 =	vld.idx.msk [tilespmem:v36+s13+$0x0], $0xffff  }
0x218: {  	v38 =	vld.idx.msk [tilespmem:v37+s13+$0x0], $0xffff;
	_ =	sdelay $0x4  }
0x219: {  	v39 =	vor.u32 $0x37, v8;
	v9 =	vmul.f32 v9, v7;
	v10 =	vmul.f32 v38, v6  }
0x21a: {  	v40 =	vor.u32 $0x77, v8  }
0x21b: {  	v9 =	vadd.f32 v10, v9;
	_ =	sdelay $0x1  }
0x21c: {  	[tilespmem:s0+$0xB00] =	vst v9  }
0x21d: {  	v9 =	vld.idx.msk [tilespmem:v39+s13+$0x0], $0xffff  }
0x21e: {  	v41 =	vld.idx.msk [tilespmem:v40+s13+$0x0], $0xffff;
	_ =	sdelay $0x4  }
0x21f: {  	v42 =	vor.u32 $0x38, v8;
	v9 =	vmul.f32 v9, v7;
	v10 =	vmul.f32 v41, v6  }
0x220: {  	v43 =	vor.u32 $0x78, v8  }
0x221: {  	v9 =	vadd.f32 v10, v9;
	_ =	sdelay $0x1  }
0x222: {  	[tilespmem:s0+$0xB80] =	vst v9  }
0x223: {  	v9 =	vld.idx.msk [tilespmem:v42+s13+$0x0], $0xffff  }
0x224: {  	v44 =	vld.idx.msk [tilespmem:v43+s13+$0x0], $0xffff;
	_ =	sdelay $0x4  }
0x225: {  	v45 =	vor.u32 $0x39, v8;
	v9 =	vmul.f32 v9, v7;
	v10 =	vmul.f32 v44, v6  }
0x226: {  	v46 =	vor.u32 $0x79, v8  }
0x227: {  	v9 =	vadd.f32 v10, v9;
	_ =	sdelay $0x1  }
0x228: {  	[tilespmem:s0+$0xC00] =	vst v9  }
0x229: {  	v9 =	vld.idx.msk [tilespmem:v45+s13+$0x0], $0xffff  }
0x22a: {  	v47 =	vld.idx.msk [tilespmem:v46+s13+$0x0], $0xffff;
	_ =	sdelay $0x4  }
0x22b: {  	v48 =	vor.u32 $0x3A, v8;
	v9 =	vmul.f32 v9, v7;
	v10 =	vmul.f32 v47, v6  }
0x22c: {  	v49 =	vor.u32 $0x7A, v8  }
0x22d: {  	v9 =	vadd.f32 v10, v9;
	_ =	sdelay $0x1  }
0x22e: {  	[tilespmem:s0+$0xC80] =	vst v9  }
0x22f: {  	v9 =	vld.idx.msk [tilespmem:v48+s13+$0x0], $0xffff  }
0x230: {  	v50 =	vld.idx.msk [tilespmem:v49+s13+$0x0], $0xffff;
	_ =	sdelay $0x4  }
0x231: {  	v51 =	vor.u32 $0x3B, v8;
	v9 =	vmul.f32 v9, v7;
	v10 =	vmul.f32 v50, v6  }
0x232: {  	v52 =	vor.u32 $0x7B, v8  }
0x233: {  	v9 =	vadd.f32 v10, v9;
	_ =	sdelay $0x1  }
0x234: {  	[tilespmem:s0+$0xD00] =	vst v9  }
0x235: {  	v9 =	vld.idx.msk [tilespmem:v51+s13+$0x0], $0xffff  }
0x236: {  	v53 =	vld.idx.msk [tilespmem:v52+s13+$0x0], $0xffff;
	_ =	sdelay $0x4  }
0x237: {  	v54 =	vor.u32 $0x3C, v8;
	v9 =	vmul.f32 v9, v7;
	v10 =	vmul.f32 v53, v6  }
0x238: {  	v55 =	vor.u32 $0x7C, v8  }
0x239: {  	v9 =	vadd.f32 v10, v9;
	_ =	sdelay $0x1  }
0x23a: {  	[tilespmem:s0+$0xD80] =	vst v9  }
0x23b: {  	v9 =	vld.idx.msk [tilespmem:v54+s13+$0x0], $0xffff  }
0x23c: {  	v56 =	vld.idx.msk [tilespmem:v55+s13+$0x0], $0xffff;
	_ =	sdelay $0x4  }
0x23d: {  	v57 =	vor.u32 $0x3D, v8;
	v9 =	vmul.f32 v9, v7;
	v10 =	vmul.f32 v56, v6  }
0x23e: {  	v58 =	vor.u32 $0x7D, v8  }
0x23f: {  	v9 =	vadd.f32 v10, v9;
	_ =	sdelay $0x1  }
0x240: {  	[tilespmem:s0+$0xE00] =	vst v9  }
0x241: {  	v9 =	vld.idx.msk [tilespmem:v57+s13+$0x0], $0xffff  }
0x242: {  	v59 =	vld.idx.msk [tilespmem:v58+s13+$0x0], $0xffff;
	_ =	sdelay $0x4  }
0x243: {  	v60 =	vor.u32 $0x3E, v8;
	v9 =	vmul.f32 v9, v7;
	v10 =	vmul.f32 v59, v6  }
0x244: {  	v61 =	vor.u32 $0x7E, v8  }
0x245: {  	v9 =	vadd.f32 v10, v9;
	_ =	sdelay $0x1  }
0x246: {  	[tilespmem:s0+$0xE80] =	vst v9  }
0x247: {  	v9 =	vld.idx.msk [tilespmem:v60+s13+$0x0], $0xffff  }
0x248: {  	v62 =	vld.idx.msk [tilespmem:v61+s13+$0x0], $0xffff;
	_ =	sdelay $0x4  }
0x249: {  	v63 =	vor.u32 $0x3F, v8;
	v9 =	vmul.f32 v9, v7;
	v10 =	vmul.f32 v62, v6  }
0x24a: {  	v8 =	vor.u32 $0x7F, v8  }
0x24b: {  	v9 =	vadd.f32 v10, v9;
	_ =	sdelay $0x1  }
0x24c: {  	[tilespmem:s0+$0xF00] =	vst v9  }
0x24d: {  	v9 =	vld.idx.msk [tilespmem:v63+s13+$0x0], $0xffff  }
0x24e: {  	v8 =	vld.idx.msk [tilespmem:v8+s13+$0x0], $0xffff;
	_ =	sdelay $0x3  }
0x24f: {  	p1 =	sne.s32 s31, $0x70  }
.Ltmp2:
0x250: {  	v7 =	vmul.f32 v9, v7;
	v6 =	vmul.f32 v8, v6;
	(pc) =	sbr.rel @p1 .LBB2_7-.Ltmp2, $3  }
0x251: {  	_ = 	snop  }
0x252: {  	v6 =	vadd.f32 v6, v7;
	_ =	sdelay $0x1  }
0x253: {  	s31 =	sadd.s32 $0x10, s31;
	s2 =	sadd.s32 $0x10, s2;
	[tilespmem:s0+$0xF80] =	vst v6;
	s0 =	sadd.s32 $0x10, s0  }
0x254: {  	p1 =	seq.s32 s28, $0x63  }
.Ltmp3:
0x255: {  	s0 =	sshll.u32 s28, $0xB;
	(pc) =	sbr.rel @p1 .LBB2_12-.Ltmp3, $4  }
0x256: {  	s0 =	sadd.s32 s7, s0  }
0x257: {  	s0 =	sshrl.u32 s0, $0x3  }
0x258: {  	s0 =	sadd.s32 s3, s0  }
0x259: {  	[hbm4b:s0+s18] =	stream.strided.scatter [tilespmem:s20], [sflag:$0x3], $0x2000, s19, s18, $0x38;
	[tilespmem:$0x12680] =	vst v63  }
0x25a: {  	s0 =	sadd.s32 $0x0, s29  }
0x25b: {  	v6 =	vld [tilespmem:s0+$0x0];
	_ =	sdelay $0x4  }
0x25c: {  	v6 =	vmax.f32 v6, v3  }
0x25d: {  	v6 =	vmin.f32 v6, v4  }
0x25e: {  	v7 =	vsub.f32 v6, v3;
	_ =	sdelay $0x1  }
0x25f: {  	v7 =	vmul.f32 v7, v5;
	_ =	sdelay $0x1  }
0x260: {  	v7 =	vtrunc.f32 v7  }
0x261: {  	v7 =	vcvt.f32.s32 v7;
	_ =	sdelay $0x1  }
0x262: {  	v8 =	vcvt.s32.f32 v7;
	_ =	sdelay $0x1  }
0x263: {  	v8 =	vmul.f32 v8, v2;
	_ =	sdelay $0x1  }
0x264: {  	v8 =	vadd.f32 v8, v3;
	_ =	sdelay $0x1  }
0x265: {  	vm0 =	vlt.f32 v6, v8  }
0x266: {  	v8 =	vsel vm0, $0xFFFFFFFF, v0  }
0x267: {  	v7 =	vadd.s32 v7, v8  }
0x268: {  	v8 =	vadd.s32 $0x1, v7  }
0x269: {  	v9 =	vcvt.s32.f32 v8;
	_ =	sdelay $0x1  }
0x26a: {  	v9 =	vmul.f32 v9, v2;
	_ =	sdelay $0x1  }
0x26b: {  	v9 =	vadd.f32 v9, v3;
	_ =	sdelay $0x1  }
0x26c: {  	vm15 =	vge.f32 v6, v9  }
0x26d: {  	v7 =	vsel vm15, v8, v7  }
0x26e: {  	vm0 =	vgt.s32 v7, $0x0  }
0x26f: {  	v7 =	vnsel vm0, $0x0, v7  }
0x270: {  	v7 =	vmin.u32 v7, $0x1869E  }
0x271: {  	v8 =	vadd.s32 $0x1, v7  }
0x272: {  	v63 =	vcvt.s32.f32 v7;
	v8 =	vcvt.s32.f32 v8;
	_ =	sdelay $0x1  }
0x273: {  	v9 =	vmul.f32 v63, v2;
	v8 =	vmul.f32 v8, v2;
	_ =	sdelay $0x1  }
0x274: {  	v9 =	vadd.f32 v9, v3;
	v8 =	vadd.f32 v8, v3;
	_ =	sdelay $0x1  }
0x275: {  	v8 =	vsub.f32 v8, v9;
	_ =	sdelay $0x1  }
0x276: {  	(erf) = vrcp.f32 v8;
	_ =	sdelay $0x7  }
0x277: {  	v6 =	vsub.f32 v6, v9  }
0x278: {  	v8 =	vpop (erf)  }
0x279: {  	s0 =	simm.s32 $0x0;
	v6 =	vmul.f32 v8, v6  }
0x27a: {  	s31 =	simm.s32 $0x10;
	s2 =	simm.s32 $0x80;
	[tilespmem:s0+$0x6580] =	vst v7  }
.LBB2_10:
0x27b: {  	p1 =	sne.s32 s2, $0x1C0;
	s1 =	sadd.s32 s31, s29;
	[tilespmem:s0+$0x6480] =	vst v6;
	s0 =	smov.u32 s31  }
0x27c: {  	v6 =	vld [tilespmem:s1+$0x0];
	_ =	sdelay $0x4  }
0x27d: {  	v6 =	vmax.f32 v6, v3  }
0x27e: {  	v6 =	vmin.f32 v6, v4  }
0x27f: {  	v7 =	vsub.f32 v6, v3;
	_ =	sdelay $0x1  }
0x280: {  	v7 =	vmul.f32 v7, v5;
	_ =	sdelay $0x1  }
0x281: {  	v7 =	vtrunc.f32 v7  }
0x282: {  	v7 =	vcvt.f32.s32 v7;
	_ =	sdelay $0x1  }
0x283: {  	v8 =	vcvt.s32.f32 v7;
	_ =	sdelay $0x1  }
0x284: {  	v8 =	vmul.f32 v8, v2;
	_ =	sdelay $0x1  }
0x285: {  	v8 =	vadd.f32 v8, v3;
	_ =	sdelay $0x1  }
0x286: {  	vm0 =	vlt.f32 v6, v8  }
0x287: {  	v8 =	vsel vm0, $0xFFFFFFFF, v0  }
0x288: {  	v7 =	vadd.s32 v7, v8  }
0x289: {  	v8 =	vadd.s32 $0x1, v7  }
0x28a: {  	v9 =	vcvt.s32.f32 v8;
	_ =	sdelay $0x1  }
0x28b: {  	v9 =	vmul.f32 v9, v2;
	_ =	sdelay $0x1  }
0x28c: {  	v9 =	vadd.f32 v9, v3;
	_ =	sdelay $0x1  }
0x28d: {  	vm0 =	vge.f32 v6, v9  }
0x28e: {  	v7 =	vsel vm0, v8, v7  }
0x28f: {  	vm0 =	vgt.s32 v7, $0x0  }
0x290: {  	v7 =	vnsel vm0, $0x0, v7  }
0x291: {  	v7 =	vmin.u32 v7, $0x1869E  }
0x292: {  	v8 =	vadd.s32 $0x1, v7;
	[tilespmem:s0+$0x6580] =	vst v7  }
0x293: {  	v7 =	vcvt.s32.f32 v7;
	v8 =	vcvt.s32.f32 v8;
	_ =	sdelay $0x1  }
0x294: {  	v7 =	vmul.f32 v7, v2;
	v8 =	vmul.f32 v8, v2;
	_ =	sdelay $0x1  }
0x295: {  	v7 =	vadd.f32 v7, v3;
	v8 =	vadd.f32 v8, v3;
	_ =	sdelay $0x1  }
0x296: {  	v8 =	vsub.f32 v8, v7;
	_ =	sdelay $0x1  }
0x297: {  	(erf) = vrcp.f32 v8;
	_ =	sdelay $0x6  }
.Ltmp4:
0x298: {  	(pc) =	sbr.rel @p1 .LBB2_10-.Ltmp4, $4  }
0x299: {  	v6 =	vsub.f32 v6, v7  }
0x29a: {  	v7 =	vpop (erf)  }
0x29b: {  	v6 =	vmul.f32 v7, v6  }
0x29c: {  	s31 =	sshra.s32 s2, $0x2;
	s2 =	sadd.s32 $0x40, s2  }
0x29d: {  	s1 =	sadd.s32 s31, s29;
	[tilespmem:s0+$0x6480] =	vst v6  }
0x29e: {  	v6 =	vld [tilespmem:s1+$0x0];
	_ =	sdelay $0x4  }
0x29f: {  	v6 =	vmax.f32 v6, v3  }
0x2a0: {  	v6 =	vmin.f32 v6, v4  }
0x2a1: {  	v7 =	vsub.f32 v6, v3;
	_ =	sdelay $0x1  }
0x2a2: {  	v7 =	vmul.f32 v7, v5;
	_ =	sdelay $0x1  }
0x2a3: {  	v7 =	vtrunc.f32 v7  }
0x2a4: {  	v7 =	vcvt.f32.s32 v7;
	_ =	sdelay $0x1  }
0x2a5: {  	v8 =	vcvt.s32.f32 v7;
	_ =	sdelay $0x1  }
0x2a6: {  	v8 =	vmul.f32 v8, v2;
	_ =	sdelay $0x1  }
0x2a7: {  	v8 =	vadd.f32 v8, v3;
	_ =	sdelay $0x1  }
0x2a8: {  	vm0 =	vlt.f32 v6, v8  }
0x2a9: {  	v8 =	vsel vm0, $0xFFFFFFFF, v0  }
0x2aa: {  	v7 =	vadd.s32 v7, v8  }
0x2ab: {  	v8 =	vadd.s32 $0x1, v7  }
0x2ac: {  	v9 =	vcvt.s32.f32 v8;
	_ =	sdelay $0x1  }
0x2ad: {  	v9 =	vmul.f32 v9, v2;
	_ =	sdelay $0x1  }
0x2ae: {  	v9 =	vadd.f32 v9, v3;
	_ =	sdelay $0x1  }
0x2af: {  	vm15 =	vge.f32 v6, v9  }
0x2b0: {  	v7 =	vsel vm15, v8, v7  }
0x2b1: {  	vm0 =	vgt.s32 v7, $0x0  }
0x2b2: {  	v7 =	vnsel vm0, $0x0, v7  }
0x2b3: {  	v7 =	vmin.u32 v7, $0x1869E  }
0x2b4: {  	v62 =	vadd.s32 $0x1, v7  }
0x2b5: {  	v63 =	vcvt.s32.f32 v7;
	v8 =	vcvt.s32.f32 v62;
	_ =	sdelay $0x1  }
0x2b6: {  	v9 =	vmul.f32 v63, v2;
	v8 =	vmul.f32 v8, v2;
	_ =	sdelay $0x1  }
0x2b7: {  	v9 =	vadd.f32 v9, v3;
	v8 =	vadd.f32 v8, v3;
	_ =	sdelay $0x1  }
0x2b8: {  	v8 =	vsub.f32 v8, v9;
	_ =	sdelay $0x1  }
0x2b9: {  	(erf) = vrcp.f32 v8;
	_ =	sdelay $0x7  }
0x2ba: {  	v6 =	vsub.f32 v6, v9  }
.Ltmp5:
0x2bb: {  	v8 =	vpop (erf);
	(pc) =	sbr.rel @p0 .LBB2_13-.Ltmp5, $4  }
0x2bc: {  	v6 =	vmul.f32 v8, v6  }
0x2bd: {  	[tilespmem:s31+$0x6580] =	vst v7  }
0x2be: {  	[tilespmem:s31+$0x6480] =	vst v6  }
0x2bf: {  	[tilespmem:s13], [sflag:$0x1] =	stream.indirect.gather [hbm4b:s5+s14], $0x80, s12, s14, $0xb8;
	[tilespmem:$0x12680] =	vst v63  }
.LBB2_12:
0x2c0: {  	_ =	swait.ge [sflag:s21], $0x2000  }
0x2c1: {  	[sflag:s21] =	ssyncset.done $0x0  }
0x2c2: {  	[sflag:s21] =	ssyncadd.s32 $0xFFFFE000  }
.LBB2_13:
0x2c3: {  	_ =	swait.ge [sflag:s22], $0x4000  }
0x2c4: {  	s31 =	simm.s32 $0x0;
	[sflag:s22] =	ssyncset.done $0x0  }
0x2c5: {  	s2 =	simm.s32 $0x6500;
	s0 =	simm.s32 $0x11680;
	[sflag:s22] =	ssyncadd.s32 $0xFFFFC000  }
.LBB2_14:
0x2c6: {  	v6 =	vmov s31  }
0x2c7: {  	v6 =	vshll.u32 v6, $0x7  }
0x2c8: {  	v8 =	vor.u32 v1, v6  }
0x2c9: {  	v7 =	vor.u32 $0x40, v8;
	_ =	sdelay $0x2  }
0x2ca: {  	v6 =	vld [tilespmem:s2+$0x0]  }
0x2cb: {  	v9 =	vld.idx.msk [tilespmem:v8+s16+$0x0], $0xffff  }
0x2cc: {  	v10 =	vld.idx.msk [tilespmem:v7+s16+$0x0], $0xffff;
	_ =	sdelay $0x2  }
0x2cd: {  	v7 =	vsub.f32 $1.000000000e+00, v6;
	_ =	sdelay $0x1  }
0x2ce: {  	v11 =	vor.u32 $0x1, v8;
	v9 =	vmul.f32 v9, v7;
	v10 =	vmul.f32 v10, v6  }
0x2cf: {  	v12 =	vor.u32 $0x41, v8  }
0x2d0: {  	v9 =	vadd.f32 v10, v9;
	_ =	sdelay $0x1  }
0x2d1: {  	[tilespmem:s0+$0xFFFFF000] =	vst v9  }
0x2d2: {  	v9 =	vld.idx.msk [tilespmem:v11+s16+$0x0], $0xffff  }
0x2d3: {  	v23 =	vld.idx.msk [tilespmem:v12+s16+$0x0], $0xffff;
	_ =	sdelay $0x4  }
0x2d4: {  	v24 =	vor.u32 $0x2, v8;
	v9 =	vmul.f32 v9, v7;
	v10 =	vmul.f32 v23, v6  }
0x2d5: {  	v25 =	vor.u32 $0x42, v8  }
0x2d6: {  	v9 =	vadd.f32 v10, v9;
	_ =	sdelay $0x1  }
0x2d7: {  	[tilespmem:s0+$0xFFFFF080] =	vst v9  }
0x2d8: {  	v9 =	vld.idx.msk [tilespmem:v24+s16+$0x0], $0xffff  }
0x2d9: {  	v26 =	vld.idx.msk [tilespmem:v25+s16+$0x0], $0xffff;
	_ =	sdelay $0x4  }
0x2da: {  	v27 =	vor.u32 $0x3, v8;
	v9 =	vmul.f32 v9, v7;
	v10 =	vmul.f32 v26, v6  }
0x2db: {  	v28 =	vor.u32 $0x43, v8  }
0x2dc: {  	v9 =	vadd.f32 v10, v9;
	_ =	sdelay $0x1  }
0x2dd: {  	[tilespmem:s0+$0xFFFFF100] =	vst v9  }
0x2de: {  	v9 =	vld.idx.msk [tilespmem:v27+s16+$0x0], $0xffff  }
0x2df: {  	v29 =	vld.idx.msk [tilespmem:v28+s16+$0x0], $0xffff;
	_ =	sdelay $0x4  }
0x2e0: {  	v30 =	vor.u32 $0x4, v8;
	v9 =	vmul.f32 v9, v7;
	v10 =	vmul.f32 v29, v6  }
0x2e1: {  	v31 =	vor.u32 $0x44, v8  }
0x2e2: {  	v9 =	vadd.f32 v10, v9;
	_ =	sdelay $0x1  }
0x2e3: {  	[tilespmem:s0+$0xFFFFF180] =	vst v9  }
0x2e4: {  	v9 =	vld.idx.msk [tilespmem:v30+s16+$0x0], $0xffff  }
0x2e5: {  	v32 =	vld.idx.msk [tilespmem:v31+s16+$0x0], $0xffff;
	_ =	sdelay $0x4  }
0x2e6: {  	v33 =	vor.u32 $0x5, v8;
	v9 =	vmul.f32 v9, v7;
	v10 =	vmul.f32 v32, v6  }
0x2e7: {  	v34 =	vor.u32 $0x45, v8  }
0x2e8: {  	v9 =	vadd.f32 v10, v9;
	_ =	sdelay $0x1  }
0x2e9: {  	[tilespmem:s0+$0xFFFFF200] =	vst v9  }
0x2ea: {  	v9 =	vld.idx.msk [tilespmem:v33+s16+$0x0], $0xffff  }
0x2eb: {  	v35 =	vld.idx.msk [tilespmem:v34+s16+$0x0], $0xffff;
	_ =	sdelay $0x4  }
0x2ec: {  	v36 =	vor.u32 $0x6, v8;
	v9 =	vmul.f32 v9, v7;
	v10 =	vmul.f32 v35, v6  }
0x2ed: {  	v37 =	vor.u32 $0x46, v8  }
0x2ee: {  	v9 =	vadd.f32 v10, v9;
	_ =	sdelay $0x1  }
0x2ef: {  	[tilespmem:s0+$0xFFFFF280] =	vst v9  }
0x2f0: {  	v9 =	vld.idx.msk [tilespmem:v36+s16+$0x0], $0xffff  }
0x2f1: {  	v38 =	vld.idx.msk [tilespmem:v37+s16+$0x0], $0xffff;
	_ =	sdelay $0x4  }
0x2f2: {  	v39 =	vor.u32 $0x7, v8;
	v9 =	vmul.f32 v9, v7;
	v10 =	vmul.f32 v38, v6  }
0x2f3: {  	v40 =	vor.u32 $0x47, v8  }
0x2f4: {  	v9 =	vadd.f32 v10, v9;
	_ =	sdelay $0x1  }
0x2f5: {  	[tilespmem:s0+$0xFFFFF300] =	vst v9  }
0x2f6: {  	v9 =	vld.idx.msk [tilespmem:v39+s16+$0x0], $0xffff  }
0x2f7: {  	v41 =	vld.idx.msk [tilespmem:v40+s16+$0x0], $0xffff;
	_ =	sdelay $0x4  }
0x2f8: {  	v42 =	vor.u32 $0x8, v8;
	v9 =	vmul.f32 v9, v7;
	v10 =	vmul.f32 v41, v6  }
0x2f9: {  	v43 =	vor.u32 $0x48, v8  }
0x2fa: {  	v9 =	vadd.f32 v10, v9;
	_ =	sdelay $0x1  }
0x2fb: {  	[tilespmem:s0+$0xFFFFF380] =	vst v9  }
0x2fc: {  	v9 =	vld.idx.msk [tilespmem:v42+s16+$0x0], $0xffff  }
0x2fd: {  	v44 =	vld.idx.msk [tilespmem:v43+s16+$0x0], $0xffff;
	_ =	sdelay $0x4  }
0x2fe: {  	v45 =	vor.u32 $0x9, v8;
	v9 =	vmul.f32 v9, v7;
	v10 =	vmul.f32 v44, v6  }
0x2ff: {  	v46 =	vor.u32 $0x49, v8  }
0x300: {  	v9 =	vadd.f32 v10, v9;
	_ =	sdelay $0x1  }
0x301: {  	[tilespmem:s0+$0xFFFFF400] =	vst v9  }
0x302: {  	v9 =	vld.idx.msk [tilespmem:v45+s16+$0x0], $0xffff  }
0x303: {  	v47 =	vld.idx.msk [tilespmem:v46+s16+$0x0], $0xffff;
	_ =	sdelay $0x4  }
0x304: {  	v48 =	vor.u32 $0xA, v8;
	v9 =	vmul.f32 v9, v7;
	v10 =	vmul.f32 v47, v6  }
0x305: {  	v49 =	vor.u32 $0x4A, v8  }
0x306: {  	v9 =	vadd.f32 v10, v9;
	_ =	sdelay $0x1  }
0x307: {  	[tilespmem:s0+$0xFFFFF480] =	vst v9  }
0x308: {  	v9 =	vld.idx.msk [tilespmem:v48+s16+$0x0], $0xffff  }
0x309: {  	v50 =	vld.idx.msk [tilespmem:v49+s16+$0x0], $0xffff;
	_ =	sdelay $0x4  }
0x30a: {  	v51 =	vor.u32 $0xB, v8;
	v9 =	vmul.f32 v9, v7;
	v10 =	vmul.f32 v50, v6  }
0x30b: {  	v52 =	vor.u32 $0x4B, v8  }
0x30c: {  	v9 =	vadd.f32 v10, v9;
	_ =	sdelay $0x1  }
0x30d: {  	[tilespmem:s0+$0xFFFFF500] =	vst v9  }
0x30e: {  	v9 =	vld.idx.msk [tilespmem:v51+s16+$0x0], $0xffff  }
0x30f: {  	v53 =	vld.idx.msk [tilespmem:v52+s16+$0x0], $0xffff;
	_ =	sdelay $0x4  }
0x310: {  	v54 =	vor.u32 $0xC, v8;
	v9 =	vmul.f32 v9, v7;
	v10 =	vmul.f32 v53, v6  }
0x311: {  	v55 =	vor.u32 $0x4C, v8  }
0x312: {  	v9 =	vadd.f32 v10, v9;
	_ =	sdelay $0x1  }
0x313: {  	[tilespmem:s0+$0xFFFFF580] =	vst v9  }
0x314: {  	v9 =	vld.idx.msk [tilespmem:v54+s16+$0x0], $0xffff  }
0x315: {  	v56 =	vld.idx.msk [tilespmem:v55+s16+$0x0], $0xffff;
	_ =	sdelay $0x4  }
0x316: {  	v57 =	vor.u32 $0xD, v8;
	v9 =	vmul.f32 v9, v7;
	v10 =	vmul.f32 v56, v6  }
0x317: {  	v58 =	vor.u32 $0x4D, v8  }
0x318: {  	v9 =	vadd.f32 v10, v9;
	_ =	sdelay $0x1  }
0x319: {  	[tilespmem:s0+$0xFFFFF600] =	vst v9  }
0x31a: {  	v9 =	vld.idx.msk [tilespmem:v57+s16+$0x0], $0xffff  }
0x31b: {  	v59 =	vld.idx.msk [tilespmem:v58+s16+$0x0], $0xffff;
	_ =	sdelay $0x4  }
0x31c: {  	v60 =	vor.u32 $0xE, v8;
	v9 =	vmul.f32 v9, v7;
	v10 =	vmul.f32 v59, v6  }
0x31d: {  	v61 =	vor.u32 $0x4E, v8  }
0x31e: {  	v9 =	vadd.f32 v10, v9;
	_ =	sdelay $0x1  }
0x31f: {  	[tilespmem:s0+$0xFFFFF680] =	vst v9  }
0x320: {  	v9 =	vld.idx.msk [tilespmem:v60+s16+$0x0], $0xffff  }
0x321: {  	v62 =	vld.idx.msk [tilespmem:v61+s16+$0x0], $0xffff;
	_ =	sdelay $0x4  }
0x322: {  	v63 =	vor.u32 $0xF, v8;
	v9 =	vmul.f32 v9, v7;
	v10 =	vmul.f32 v62, v6  }
0x323: {  	v16 =	vor.u32 $0x4F, v8  }
0x324: {  	v9 =	vadd.f32 v10, v9;
	_ =	sdelay $0x1  }
0x325: {  	[tilespmem:s0+$0xFFFFF700] =	vst v9  }
0x326: {  	v9 =	vld.idx.msk [tilespmem:v63+s16+$0x0], $0xffff  }
0x327: {  	v17 =	vld.idx.msk [tilespmem:v16+s16+$0x0], $0xffff;
	_ =	sdelay $0x4  }
0x328: {  	v18 =	vor.u32 $0x10, v8;
	v9 =	vmul.f32 v9, v7;
	v10 =	vmul.f32 v17, v6  }
0x329: {  	v19 =	vor.u32 $0x50, v8  }
0x32a: {  	v9 =	vadd.f32 v10, v9;
	_ =	sdelay $0x1  }
0x32b: {  	[tilespmem:s0+$0xFFFFF780] =	vst v9  }
0x32c: {  	v9 =	vld.idx.msk [tilespmem:v18+s16+$0x0], $0xffff  }
0x32d: {  	v20 =	vld.idx.msk [tilespmem:v19+s16+$0x0], $0xffff;
	_ =	sdelay $0x4  }
0x32e: {  	v21 =	vor.u32 $0x11, v8;
	v9 =	vmul.f32 v9, v7;
	v10 =	vmul.f32 v20, v6  }
0x32f: {  	v22 =	vor.u32 $0x51, v8  }
0x330: {  	v9 =	vadd.f32 v10, v9;
	_ =	sdelay $0x1  }
0x331: {  	[tilespmem:s0+$0xFFFFF800] =	vst v9  }
0x332: {  	v9 =	vld.idx.msk [tilespmem:v21+s16+$0x0], $0xffff  }
0x333: {  	v23 =	vld.idx.msk [tilespmem:v22+s16+$0x0], $0xffff;
	_ =	sdelay $0x4  }
0x334: {  	v24 =	vor.u32 $0x12, v8;
	v9 =	vmul.f32 v9, v7;
	v10 =	vmul.f32 v23, v6  }
0x335: {  	v25 =	vor.u32 $0x52, v8  }
0x336: {  	v9 =	vadd.f32 v10, v9;
	_ =	sdelay $0x1  }
0x337: {  	[tilespmem:s0+$0xFFFFF880] =	vst v9  }
0x338: {  	v9 =	vld.idx.msk [tilespmem:v24+s16+$0x0], $0xffff  }
0x339: {  	v26 =	vld.idx.msk [tilespmem:v25+s16+$0x0], $0xffff;
	_ =	sdelay $0x4  }
0x33a: {  	v27 =	vor.u32 $0x13, v8;
	v9 =	vmul.f32 v9, v7;
	v10 =	vmul.f32 v26, v6  }
0x33b: {  	v28 =	vor.u32 $0x53, v8  }
0x33c: {  	v9 =	vadd.f32 v10, v9;
	_ =	sdelay $0x1  }
0x33d: {  	[tilespmem:s0+$0xFFFFF900] =	vst v9  }
0x33e: {  	v9 =	vld.idx.msk [tilespmem:v27+s16+$0x0], $0xffff  }
0x33f: {  	v29 =	vld.idx.msk [tilespmem:v28+s16+$0x0], $0xffff;
	_ =	sdelay $0x4  }
0x340: {  	v30 =	vor.u32 $0x14, v8;
	v9 =	vmul.f32 v9, v7;
	v10 =	vmul.f32 v29, v6  }
0x341: {  	v31 =	vor.u32 $0x54, v8  }
0x342: {  	v9 =	vadd.f32 v10, v9;
	_ =	sdelay $0x1  }
0x343: {  	[tilespmem:s0+$0xFFFFF980] =	vst v9  }
0x344: {  	v9 =	vld.idx.msk [tilespmem:v30+s16+$0x0], $0xffff  }
0x345: {  	v32 =	vld.idx.msk [tilespmem:v31+s16+$0x0], $0xffff;
	_ =	sdelay $0x4  }
0x346: {  	v33 =	vor.u32 $0x15, v8;
	v9 =	vmul.f32 v9, v7;
	v10 =	vmul.f32 v32, v6  }
0x347: {  	v34 =	vor.u32 $0x55, v8  }
0x348: {  	v9 =	vadd.f32 v10, v9;
	_ =	sdelay $0x1  }
0x349: {  	[tilespmem:s0+$0xFFFFFA00] =	vst v9  }
0x34a: {  	v9 =	vld.idx.msk [tilespmem:v33+s16+$0x0], $0xffff  }
0x34b: {  	v35 =	vld.idx.msk [tilespmem:v34+s16+$0x0], $0xffff;
	_ =	sdelay $0x4  }
0x34c: {  	v36 =	vor.u32 $0x16, v8;
	v9 =	vmul.f32 v9, v7;
	v10 =	vmul.f32 v35, v6  }
0x34d: {  	v37 =	vor.u32 $0x56, v8  }
0x34e: {  	v9 =	vadd.f32 v10, v9;
	_ =	sdelay $0x1  }
0x34f: {  	[tilespmem:s0+$0xFFFFFA80] =	vst v9  }
0x350: {  	v9 =	vld.idx.msk [tilespmem:v36+s16+$0x0], $0xffff  }
0x351: {  	v38 =	vld.idx.msk [tilespmem:v37+s16+$0x0], $0xffff;
	_ =	sdelay $0x4  }
0x352: {  	v39 =	vor.u32 $0x17, v8;
	v9 =	vmul.f32 v9, v7;
	v10 =	vmul.f32 v38, v6  }
0x353: {  	v40 =	vor.u32 $0x57, v8  }
0x354: {  	v9 =	vadd.f32 v10, v9;
	_ =	sdelay $0x1  }
0x355: {  	[tilespmem:s0+$0xFFFFFB00] =	vst v9  }
0x356: {  	v9 =	vld.idx.msk [tilespmem:v39+s16+$0x0], $0xffff  }
0x357: {  	v41 =	vld.idx.msk [tilespmem:v40+s16+$0x0], $0xffff;
	_ =	sdelay $0x4  }
0x358: {  	v42 =	vor.u32 $0x18, v8;
	v9 =	vmul.f32 v9, v7;
	v10 =	vmul.f32 v41, v6  }
0x359: {  	v43 =	vor.u32 $0x58, v8  }
0x35a: {  	v9 =	vadd.f32 v10, v9;
	_ =	sdelay $0x1  }
0x35b: {  	[tilespmem:s0+$0xFFFFFB80] =	vst v9  }
0x35c: {  	v9 =	vld.idx.msk [tilespmem:v42+s16+$0x0], $0xffff  }
0x35d: {  	v44 =	vld.idx.msk [tilespmem:v43+s16+$0x0], $0xffff;
	_ =	sdelay $0x4  }
0x35e: {  	v45 =	vor.u32 $0x19, v8;
	v9 =	vmul.f32 v9, v7;
	v10 =	vmul.f32 v44, v6  }
0x35f: {  	v46 =	vor.u32 $0x59, v8  }
0x360: {  	v9 =	vadd.f32 v10, v9;
	_ =	sdelay $0x1  }
0x361: {  	[tilespmem:s0+$0xFFFFFC00] =	vst v9  }
0x362: {  	v9 =	vld.idx.msk [tilespmem:v45+s16+$0x0], $0xffff  }
0x363: {  	v47 =	vld.idx.msk [tilespmem:v46+s16+$0x0], $0xffff;
	_ =	sdelay $0x4  }
0x364: {  	v48 =	vor.u32 $0x1A, v8;
	v9 =	vmul.f32 v9, v7;
	v10 =	vmul.f32 v47, v6  }
0x365: {  	v49 =	vor.u32 $0x5A, v8  }
0x366: {  	v9 =	vadd.f32 v10, v9;
	_ =	sdelay $0x1  }
0x367: {  	[tilespmem:s0+$0xFFFFFC80] =	vst v9  }
0x368: {  	v9 =	vld.idx.msk [tilespmem:v48+s16+$0x0], $0xffff  }
0x369: {  	v50 =	vld.idx.msk [tilespmem:v49+s16+$0x0], $0xffff;
	_ =	sdelay $0x4  }
0x36a: {  	v51 =	vor.u32 $0x1B, v8;
	v9 =	vmul.f32 v9, v7;
	v10 =	vmul.f32 v50, v6  }
0x36b: {  	v52 =	vor.u32 $0x5B, v8  }
0x36c: {  	v9 =	vadd.f32 v10, v9;
	_ =	sdelay $0x1  }
0x36d: {  	[tilespmem:s0+$0xFFFFFD00] =	vst v9  }
0x36e: {  	v9 =	vld.idx.msk [tilespmem:v51+s16+$0x0], $0xffff  }
0x36f: {  	v53 =	vld.idx.msk [tilespmem:v52+s16+$0x0], $0xffff;
	_ =	sdelay $0x4  }
0x370: {  	v54 =	vor.u32 $0x1C, v8;
	v9 =	vmul.f32 v9, v7;
	v10 =	vmul.f32 v53, v6  }
0x371: {  	v55 =	vor.u32 $0x5C, v8  }
0x372: {  	v9 =	vadd.f32 v10, v9;
	_ =	sdelay $0x1  }
0x373: {  	[tilespmem:s0+$0xFFFFFD80] =	vst v9  }
0x374: {  	v9 =	vld.idx.msk [tilespmem:v54+s16+$0x0], $0xffff  }
0x375: {  	v56 =	vld.idx.msk [tilespmem:v55+s16+$0x0], $0xffff;
	_ =	sdelay $0x4  }
0x376: {  	v57 =	vor.u32 $0x1D, v8;
	v9 =	vmul.f32 v9, v7;
	v10 =	vmul.f32 v56, v6  }
0x377: {  	v58 =	vor.u32 $0x5D, v8  }
0x378: {  	v9 =	vadd.f32 v10, v9;
	_ =	sdelay $0x1  }
0x379: {  	[tilespmem:s0+$0xFFFFFE00] =	vst v9  }
0x37a: {  	v9 =	vld.idx.msk [tilespmem:v57+s16+$0x0], $0xffff  }
0x37b: {  	v59 =	vld.idx.msk [tilespmem:v58+s16+$0x0], $0xffff;
	_ =	sdelay $0x4  }
0x37c: {  	v60 =	vor.u32 $0x1E, v8;
	v9 =	vmul.f32 v9, v7;
	v10 =	vmul.f32 v59, v6  }
0x37d: {  	v61 =	vor.u32 $0x5E, v8  }
0x37e: {  	v9 =	vadd.f32 v10, v9;
	_ =	sdelay $0x1  }
0x37f: {  	[tilespmem:s0+$0xFFFFFE80] =	vst v9  }
0x380: {  	v9 =	vld.idx.msk [tilespmem:v60+s16+$0x0], $0xffff  }
0x381: {  	v62 =	vld.idx.msk [tilespmem:v61+s16+$0x0], $0xffff;
	_ =	sdelay $0x4  }
0x382: {  	v63 =	vor.u32 $0x1F, v8;
	v9 =	vmul.f32 v9, v7;
	v10 =	vmul.f32 v62, v6  }
0x383: {  	v16 =	vor.u32 $0x5F, v8  }
0x384: {  	v9 =	vadd.f32 v10, v9;
	_ =	sdelay $0x1  }
0x385: {  	[tilespmem:s0+$0xFFFFFF00] =	vst v9  }
0x386: {  	v9 =	vld.idx.msk [tilespmem:v63+s16+$0x0], $0xffff  }
0x387: {  	v17 =	vld.idx.msk [tilespmem:v16+s16+$0x0], $0xffff;
	_ =	sdelay $0x4  }
0x388: {  	v18 =	vor.u32 $0x20, v8;
	v9 =	vmul.f32 v9, v7;
	v10 =	vmul.f32 v17, v6  }
0x389: {  	v19 =	vor.u32 $0x60, v8  }
0x38a: {  	v9 =	vadd.f32 v10, v9;
	_ =	sdelay $0x1  }
0x38b: {  	[tilespmem:s0+$0xFFFFFF80] =	vst v9  }
0x38c: {  	v9 =	vld.idx.msk [tilespmem:v18+s16+$0x0], $0xffff  }
0x38d: {  	v20 =	vld.idx.msk [tilespmem:v19+s16+$0x0], $0xffff;
	_ =	sdelay $0x4  }
0x38e: {  	v21 =	vor.u32 $0x21, v8;
	v9 =	vmul.f32 v9, v7;
	v10 =	vmul.f32 v20, v6  }
0x38f: {  	v22 =	vor.u32 $0x61, v8  }
0x390: {  	v9 =	vadd.f32 v10, v9;
	_ =	sdelay $0x1  }
0x391: {  	[tilespmem:s0+$0x0] =	vst v9  }
0x392: {  	v9 =	vld.idx.msk [tilespmem:v21+s16+$0x0], $0xffff  }
0x393: {  	v23 =	vld.idx.msk [tilespmem:v22+s16+$0x0], $0xffff;
	_ =	sdelay $0x4  }
0x394: {  	v24 =	vor.u32 $0x22, v8;
	v9 =	vmul.f32 v9, v7;
	v10 =	vmul.f32 v23, v6  }
0x395: {  	v25 =	vor.u32 $0x62, v8  }
0x396: {  	v9 =	vadd.f32 v10, v9;
	_ =	sdelay $0x1  }
0x397: {  	[tilespmem:s0+$0x80] =	vst v9  }
0x398: {  	v9 =	vld.idx.msk [tilespmem:v24+s16+$0x0], $0xffff  }
0x399: {  	v26 =	vld.idx.msk [tilespmem:v25+s16+$0x0], $0xffff;
	_ =	sdelay $0x4  }
0x39a: {  	v27 =	vor.u32 $0x23, v8;
	v9 =	vmul.f32 v9, v7;
	v10 =	vmul.f32 v26, v6  }
0x39b: {  	v28 =	vor.u32 $0x63, v8  }
0x39c: {  	v9 =	vadd.f32 v10, v9;
	_ =	sdelay $0x1  }
0x39d: {  	[tilespmem:s0+$0x100] =	vst v9  }
0x39e: {  	v9 =	vld.idx.msk [tilespmem:v27+s16+$0x0], $0xffff  }
0x39f: {  	v29 =	vld.idx.msk [tilespmem:v28+s16+$0x0], $0xffff;
	_ =	sdelay $0x4  }
0x3a0: {  	v30 =	vor.u32 $0x24, v8;
	v9 =	vmul.f32 v9, v7;
	v10 =	vmul.f32 v29, v6  }
0x3a1: {  	v31 =	vor.u32 $0x64, v8  }
0x3a2: {  	v9 =	vadd.f32 v10, v9;
	_ =	sdelay $0x1  }
0x3a3: {  	[tilespmem:s0+$0x180] =	vst v9  }
0x3a4: {  	v9 =	vld.idx.msk [tilespmem:v30+s16+$0x0], $0xffff  }
0x3a5: {  	v32 =	vld.idx.msk [tilespmem:v31+s16+$0x0], $0xffff;
	_ =	sdelay $0x4  }
0x3a6: {  	v33 =	vor.u32 $0x25, v8;
	v9 =	vmul.f32 v9, v7;
	v10 =	vmul.f32 v32, v6  }
0x3a7: {  	v34 =	vor.u32 $0x65, v8  }
0x3a8: {  	v9 =	vadd.f32 v10, v9;
	_ =	sdelay $0x1  }
0x3a9: {  	[tilespmem:s0+$0x200] =	vst v9  }
0x3aa: {  	v9 =	vld.idx.msk [tilespmem:v33+s16+$0x0], $0xffff  }
0x3ab: {  	v35 =	vld.idx.msk [tilespmem:v34+s16+$0x0], $0xffff;
	_ =	sdelay $0x4  }
0x3ac: {  	v36 =	vor.u32 $0x26, v8;
	v9 =	vmul.f32 v9, v7;
	v10 =	vmul.f32 v35, v6  }
0x3ad: {  	v37 =	vor.u32 $0x66, v8  }
0x3ae: {  	v9 =	vadd.f32 v10, v9;
	_ =	sdelay $0x1  }
0x3af: {  	[tilespmem:s0+$0x280] =	vst v9  }
0x3b0: {  	v9 =	vld.idx.msk [tilespmem:v36+s16+$0x0], $0xffff  }
0x3b1: {  	v38 =	vld.idx.msk [tilespmem:v37+s16+$0x0], $0xffff;
	_ =	sdelay $0x4  }
0x3b2: {  	v39 =	vor.u32 $0x27, v8;
	v9 =	vmul.f32 v9, v7;
	v10 =	vmul.f32 v38, v6  }
0x3b3: {  	v40 =	vor.u32 $0x67, v8  }
0x3b4: {  	v9 =	vadd.f32 v10, v9;
	_ =	sdelay $0x1  }
0x3b5: {  	[tilespmem:s0+$0x300] =	vst v9  }
0x3b6: {  	v9 =	vld.idx.msk [tilespmem:v39+s16+$0x0], $0xffff  }
0x3b7: {  	v41 =	vld.idx.msk [tilespmem:v40+s16+$0x0], $0xffff;
	_ =	sdelay $0x4  }
0x3b8: {  	v42 =	vor.u32 $0x28, v8;
	v9 =	vmul.f32 v9, v7;
	v10 =	vmul.f32 v41, v6  }
0x3b9: {  	v43 =	vor.u32 $0x68, v8  }
0x3ba: {  	v9 =	vadd.f32 v10, v9;
	_ =	sdelay $0x1  }
0x3bb: {  	[tilespmem:s0+$0x380] =	vst v9  }
0x3bc: {  	v9 =	vld.idx.msk [tilespmem:v42+s16+$0x0], $0xffff  }
0x3bd: {  	v44 =	vld.idx.msk [tilespmem:v43+s16+$0x0], $0xffff;
	_ =	sdelay $0x4  }
0x3be: {  	v45 =	vor.u32 $0x29, v8;
	v9 =	vmul.f32 v9, v7;
	v10 =	vmul.f32 v44, v6  }
0x3bf: {  	v46 =	vor.u32 $0x69, v8  }
0x3c0: {  	v9 =	vadd.f32 v10, v9;
	_ =	sdelay $0x1  }
0x3c1: {  	[tilespmem:s0+$0x400] =	vst v9  }
0x3c2: {  	v9 =	vld.idx.msk [tilespmem:v45+s16+$0x0], $0xffff  }
0x3c3: {  	v47 =	vld.idx.msk [tilespmem:v46+s16+$0x0], $0xffff;
	_ =	sdelay $0x4  }
0x3c4: {  	v48 =	vor.u32 $0x2A, v8;
	v9 =	vmul.f32 v9, v7;
	v10 =	vmul.f32 v47, v6  }
0x3c5: {  	v49 =	vor.u32 $0x6A, v8  }
0x3c6: {  	v9 =	vadd.f32 v10, v9;
	_ =	sdelay $0x1  }
0x3c7: {  	[tilespmem:s0+$0x480] =	vst v9  }
0x3c8: {  	v9 =	vld.idx.msk [tilespmem:v48+s16+$0x0], $0xffff  }
0x3c9: {  	v50 =	vld.idx.msk [tilespmem:v49+s16+$0x0], $0xffff;
	_ =	sdelay $0x4  }
0x3ca: {  	v51 =	vor.u32 $0x2B, v8;
	v9 =	vmul.f32 v9, v7;
	v10 =	vmul.f32 v50, v6  }
0x3cb: {  	v52 =	vor.u32 $0x6B, v8  }
0x3cc: {  	v9 =	vadd.f32 v10, v9;
	_ =	sdelay $0x1  }
0x3cd: {  	[tilespmem:s0+$0x500] =	vst v9  }
0x3ce: {  	v9 =	vld.idx.msk [tilespmem:v51+s16+$0x0], $0xffff  }
0x3cf: {  	v53 =	vld.idx.msk [tilespmem:v52+s16+$0x0], $0xffff;
	_ =	sdelay $0x4  }
0x3d0: {  	v54 =	vor.u32 $0x2C, v8;
	v9 =	vmul.f32 v9, v7;
	v10 =	vmul.f32 v53, v6  }
0x3d1: {  	v55 =	vor.u32 $0x6C, v8  }
0x3d2: {  	v9 =	vadd.f32 v10, v9;
	_ =	sdelay $0x1  }
0x3d3: {  	[tilespmem:s0+$0x580] =	vst v9  }
0x3d4: {  	v9 =	vld.idx.msk [tilespmem:v54+s16+$0x0], $0xffff  }
0x3d5: {  	v56 =	vld.idx.msk [tilespmem:v55+s16+$0x0], $0xffff;
	_ =	sdelay $0x4  }
0x3d6: {  	v57 =	vor.u32 $0x2D, v8;
	v9 =	vmul.f32 v9, v7;
	v10 =	vmul.f32 v56, v6  }
0x3d7: {  	v58 =	vor.u32 $0x6D, v8  }
0x3d8: {  	v9 =	vadd.f32 v10, v9;
	_ =	sdelay $0x1  }
0x3d9: {  	[tilespmem:s0+$0x600] =	vst v9  }
0x3da: {  	v9 =	vld.idx.msk [tilespmem:v57+s16+$0x0], $0xffff  }
0x3db: {  	v59 =	vld.idx.msk [tilespmem:v58+s16+$0x0], $0xffff;
	_ =	sdelay $0x4  }
0x3dc: {  	v60 =	vor.u32 $0x2E, v8;
	v9 =	vmul.f32 v9, v7;
	v10 =	vmul.f32 v59, v6  }
0x3dd: {  	v61 =	vor.u32 $0x6E, v8  }
0x3de: {  	v9 =	vadd.f32 v10, v9;
	_ =	sdelay $0x1  }
0x3df: {  	[tilespmem:s0+$0x680] =	vst v9  }
0x3e0: {  	v9 =	vld.idx.msk [tilespmem:v60+s16+$0x0], $0xffff  }
0x3e1: {  	v62 =	vld.idx.msk [tilespmem:v61+s16+$0x0], $0xffff;
	_ =	sdelay $0x4  }
0x3e2: {  	v63 =	vor.u32 $0x2F, v8;
	v9 =	vmul.f32 v9, v7;
	v10 =	vmul.f32 v62, v6  }
0x3e3: {  	v16 =	vor.u32 $0x6F, v8  }
0x3e4: {  	v9 =	vadd.f32 v10, v9;
	_ =	sdelay $0x1  }
0x3e5: {  	[tilespmem:s0+$0x700] =	vst v9  }
0x3e6: {  	v9 =	vld.idx.msk [tilespmem:v63+s16+$0x0], $0xffff  }
0x3e7: {  	v17 =	vld.idx.msk [tilespmem:v16+s16+$0x0], $0xffff;
	_ =	sdelay $0x4  }
0x3e8: {  	v18 =	vor.u32 $0x30, v8;
	v9 =	vmul.f32 v9, v7;
	v10 =	vmul.f32 v17, v6  }
0x3e9: {  	v19 =	vor.u32 $0x70, v8  }
0x3ea: {  	v9 =	vadd.f32 v10, v9;
	_ =	sdelay $0x1  }
0x3eb: {  	[tilespmem:s0+$0x780] =	vst v9  }
0x3ec: {  	v9 =	vld.idx.msk [tilespmem:v18+s16+$0x0], $0xffff  }
0x3ed: {  	v20 =	vld.idx.msk [tilespmem:v19+s16+$0x0], $0xffff;
	_ =	sdelay $0x4  }
0x3ee: {  	v21 =	vor.u32 $0x31, v8;
	v9 =	vmul.f32 v9, v7;
	v10 =	vmul.f32 v20, v6  }
0x3ef: {  	v22 =	vor.u32 $0x71, v8  }
0x3f0: {  	v9 =	vadd.f32 v10, v9;
	_ =	sdelay $0x1  }
0x3f1: {  	[tilespmem:s0+$0x800] =	vst v9  }
0x3f2: {  	v9 =	vld.idx.msk [tilespmem:v21+s16+$0x0], $0xffff  }
0x3f3: {  	v23 =	vld.idx.msk [tilespmem:v22+s16+$0x0], $0xffff;
	_ =	sdelay $0x4  }
0x3f4: {  	v24 =	vor.u32 $0x32, v8;
	v9 =	vmul.f32 v9, v7;
	v10 =	vmul.f32 v23, v6  }
0x3f5: {  	v25 =	vor.u32 $0x72, v8  }
0x3f6: {  	v9 =	vadd.f32 v10, v9;
	_ =	sdelay $0x1  }
0x3f7: {  	[tilespmem:s0+$0x880] =	vst v9  }
0x3f8: {  	v9 =	vld.idx.msk [tilespmem:v24+s16+$0x0], $0xffff  }
0x3f9: {  	v26 =	vld.idx.msk [tilespmem:v25+s16+$0x0], $0xffff;
	_ =	sdelay $0x4  }
0x3fa: {  	v27 =	vor.u32 $0x33, v8;
	v9 =	vmul.f32 v9, v7;
	v10 =	vmul.f32 v26, v6  }
0x3fb: {  	v28 =	vor.u32 $0x73, v8  }
0x3fc: {  	v9 =	vadd.f32 v10, v9;
	_ =	sdelay $0x1  }
0x3fd: {  	[tilespmem:s0+$0x900] =	vst v9  }
0x3fe: {  	v9 =	vld.idx.msk [tilespmem:v27+s16+$0x0], $0xffff  }
0x3ff: {  	v29 =	vld.idx.msk [tilespmem:v28+s16+$0x0], $0xffff;
	_ =	sdelay $0x4  }
0x400: {  	v30 =	vor.u32 $0x34, v8;
	v9 =	vmul.f32 v9, v7;
	v10 =	vmul.f32 v29, v6  }
0x401: {  	v31 =	vor.u32 $0x74, v8  }
0x402: {  	v9 =	vadd.f32 v10, v9;
	_ =	sdelay $0x1  }
0x403: {  	[tilespmem:s0+$0x980] =	vst v9  }
0x404: {  	v9 =	vld.idx.msk [tilespmem:v30+s16+$0x0], $0xffff  }
0x405: {  	v32 =	vld.idx.msk [tilespmem:v31+s16+$0x0], $0xffff;
	_ =	sdelay $0x4  }
0x406: {  	v33 =	vor.u32 $0x35, v8;
	v9 =	vmul.f32 v9, v7;
	v10 =	vmul.f32 v32, v6  }
0x407: {  	v34 =	vor.u32 $0x75, v8  }
0x408: {  	v9 =	vadd.f32 v10, v9;
	_ =	sdelay $0x1  }
0x409: {  	[tilespmem:s0+$0xA00] =	vst v9  }
0x40a: {  	v9 =	vld.idx.msk [tilespmem:v33+s16+$0x0], $0xffff  }
0x40b: {  	v35 =	vld.idx.msk [tilespmem:v34+s16+$0x0], $0xffff;
	_ =	sdelay $0x4  }
0x40c: {  	v36 =	vor.u32 $0x36, v8;
	v9 =	vmul.f32 v9, v7;
	v10 =	vmul.f32 v35, v6  }
0x40d: {  	v37 =	vor.u32 $0x76, v8  }
0x40e: {  	v9 =	vadd.f32 v10, v9;
	_ =	sdelay $0x1  }
0x40f: {  	[tilespmem:s0+$0xA80] =	vst v9  }
0x410: {  	v9 =	vld.idx.msk [tilespmem:v36+s16+$0x0], $0xffff  }
0x411: {  	v38 =	vld.idx.msk [tilespmem:v37+s16+$0x0], $0xffff;
	_ =	sdelay $0x4  }
0x412: {  	v39 =	vor.u32 $0x37, v8;
	v9 =	vmul.f32 v9, v7;
	v10 =	vmul.f32 v38, v6  }
0x413: {  	v40 =	vor.u32 $0x77, v8  }
0x414: {  	v9 =	vadd.f32 v10, v9;
	_ =	sdelay $0x1  }
0x415: {  	[tilespmem:s0+$0xB00] =	vst v9  }
0x416: {  	v9 =	vld.idx.msk [tilespmem:v39+s16+$0x0], $0xffff  }
0x417: {  	v41 =	vld.idx.msk [tilespmem:v40+s16+$0x0], $0xffff;
	_ =	sdelay $0x4  }
0x418: {  	v42 =	vor.u32 $0x38, v8;
	v9 =	vmul.f32 v9, v7;
	v10 =	vmul.f32 v41, v6  }
0x419: {  	v43 =	vor.u32 $0x78, v8  }
0x41a: {  	v9 =	vadd.f32 v10, v9;
	_ =	sdelay $0x1  }
0x41b: {  	[tilespmem:s0+$0xB80] =	vst v9  }
0x41c: {  	v9 =	vld.idx.msk [tilespmem:v42+s16+$0x0], $0xffff  }
0x41d: {  	v44 =	vld.idx.msk [tilespmem:v43+s16+$0x0], $0xffff;
	_ =	sdelay $0x4  }
0x41e: {  	v45 =	vor.u32 $0x39, v8;
	v9 =	vmul.f32 v9, v7;
	v10 =	vmul.f32 v44, v6  }
0x41f: {  	v46 =	vor.u32 $0x79, v8  }
0x420: {  	v9 =	vadd.f32 v10, v9;
	_ =	sdelay $0x1  }
0x421: {  	[tilespmem:s0+$0xC00] =	vst v9  }
0x422: {  	v9 =	vld.idx.msk [tilespmem:v45+s16+$0x0], $0xffff  }
0x423: {  	v47 =	vld.idx.msk [tilespmem:v46+s16+$0x0], $0xffff;
	_ =	sdelay $0x4  }
0x424: {  	v48 =	vor.u32 $0x3A, v8;
	v9 =	vmul.f32 v9, v7;
	v10 =	vmul.f32 v47, v6  }
0x425: {  	v49 =	vor.u32 $0x7A, v8  }
0x426: {  	v9 =	vadd.f32 v10, v9;
	_ =	sdelay $0x1  }
0x427: {  	[tilespmem:s0+$0xC80] =	vst v9  }
0x428: {  	v9 =	vld.idx.msk [tilespmem:v48+s16+$0x0], $0xffff  }
0x429: {  	v50 =	vld.idx.msk [tilespmem:v49+s16+$0x0], $0xffff;
	_ =	sdelay $0x4  }
0x42a: {  	v51 =	vor.u32 $0x3B, v8;
	v9 =	vmul.f32 v9, v7;
	v10 =	vmul.f32 v50, v6  }
0x42b: {  	v52 =	vor.u32 $0x7B, v8  }
0x42c: {  	v9 =	vadd.f32 v10, v9;
	_ =	sdelay $0x1  }
0x42d: {  	[tilespmem:s0+$0xD00] =	vst v9  }
0x42e: {  	v9 =	vld.idx.msk [tilespmem:v51+s16+$0x0], $0xffff  }
0x42f: {  	v53 =	vld.idx.msk [tilespmem:v52+s16+$0x0], $0xffff;
	_ =	sdelay $0x4  }
0x430: {  	v54 =	vor.u32 $0x3C, v8;
	v9 =	vmul.f32 v9, v7;
	v10 =	vmul.f32 v53, v6  }
0x431: {  	v55 =	vor.u32 $0x7C, v8  }
0x432: {  	v9 =	vadd.f32 v10, v9;
	_ =	sdelay $0x1  }
0x433: {  	[tilespmem:s0+$0xD80] =	vst v9  }
0x434: {  	v9 =	vld.idx.msk [tilespmem:v54+s16+$0x0], $0xffff  }
0x435: {  	v56 =	vld.idx.msk [tilespmem:v55+s16+$0x0], $0xffff;
	_ =	sdelay $0x4  }
0x436: {  	v57 =	vor.u32 $0x3D, v8;
	v9 =	vmul.f32 v9, v7;
	v10 =	vmul.f32 v56, v6  }
0x437: {  	v58 =	vor.u32 $0x7D, v8  }
0x438: {  	v9 =	vadd.f32 v10, v9;
	_ =	sdelay $0x1  }
0x439: {  	[tilespmem:s0+$0xE00] =	vst v9  }
0x43a: {  	v9 =	vld.idx.msk [tilespmem:v57+s16+$0x0], $0xffff  }
0x43b: {  	v59 =	vld.idx.msk [tilespmem:v58+s16+$0x0], $0xffff;
	_ =	sdelay $0x4  }
0x43c: {  	v60 =	vor.u32 $0x3E, v8;
	v9 =	vmul.f32 v9, v7;
	v10 =	vmul.f32 v59, v6  }
0x43d: {  	v61 =	vor.u32 $0x7E, v8  }
0x43e: {  	v9 =	vadd.f32 v10, v9;
	_ =	sdelay $0x1  }
0x43f: {  	[tilespmem:s0+$0xE80] =	vst v9  }
0x440: {  	v9 =	vld.idx.msk [tilespmem:v60+s16+$0x0], $0xffff  }
0x441: {  	v62 =	vld.idx.msk [tilespmem:v61+s16+$0x0], $0xffff;
	_ =	sdelay $0x4  }
0x442: {  	v63 =	vor.u32 $0x3F, v8;
	v9 =	vmul.f32 v9, v7;
	v10 =	vmul.f32 v62, v6  }
0x443: {  	v8 =	vor.u32 $0x7F, v8  }
0x444: {  	v9 =	vadd.f32 v10, v9;
	_ =	sdelay $0x1  }
0x445: {  	[tilespmem:s0+$0xF00] =	vst v9  }
0x446: {  	v9 =	vld.idx.msk [tilespmem:v63+s16+$0x0], $0xffff  }
0x447: {  	v8 =	vld.idx.msk [tilespmem:v8+s16+$0x0], $0xffff;
	_ =	sdelay $0x3  }
0x448: {  	p0 =	sne.s32 s31, $0x70  }
.Ltmp6:
0x449: {  	v7 =	vmul.f32 v9, v7;
	v6 =	vmul.f32 v8, v6;
	(pc) =	sbr.rel @p0 .LBB2_14-.Ltmp6, $3  }
0x44a: {  	_ = 	snop  }
0x44b: {  	v6 =	vadd.f32 v6, v7;
	_ =	sdelay $0x1  }
0x44c: {  	s31 =	sadd.s32 $0x10, s31;
	s2 =	sadd.s32 $0x10, s2;
	[tilespmem:s0+$0xF80] =	vst v6;
	s0 =	sadd.s32 $0x10, s0  }
0x44d: {  	s28 =	sadd.s32 $0x1, s28  }
0x44e: {  	p0 =	sne.s32 s28, $0x64  }
.Ltmp7:
0x44f: {  	_ = 	snop;
	(pc) =	sbr.rel @p0 .LBB2_4-.Ltmp7, $4  }
0x450: {  	_ = 	snop  }
0x451: {  	s0 =	sshll.u32 s30, $0x7  }
0x452: {  	s26 =	sadd.s32 $0x100, s26;
	s29 =	sadd.s32 $0x100, s29;
	s0 =	sadd.s32 s0, s8  }
0x453: {  	[hbm4b:s0+s18] =	stream.strided.scatter [tilespmem:s23], [sflag:$0x4], $0x2000, s19, s18, $0x38;
	[tilespmem:$0x12680] =	vst v63  }
0x454: {  	s25 =	sadd.s32 $0x1, s25  }
0x455: {  	_ =	swait.ge [sflag:s24], $0x2000;
	p0 =	sne.s32 s25, s9  }
.Ltmp8:
0x456: {  	[sflag:s24] =	ssyncset.done $0x0;
	(pc) =	sbr.rel @p0 .LBB2_1-.Ltmp8, $4  }
0x457: {  	[sflag:s24] =	ssyncadd.s32 $0xFFFFE000  }
0x458: {  	_ =	swait.ge [sflag:s21], $0x2000  }
0x459: {  	[sflag:s21] =	ssyncset.done $0x0  }
0x45a: {  	[sflag:s21] =	ssyncadd.s32 $0xFFFFE000  }
0x45b: {  	_ =	sfence.sel $0x180000  }
0x45c: {  	[bflag:$0x0] =	sbarrier.arrive $0xFFFF  }
0x45d: {  	_ =	strace $0x90000047  }
0x45e: {  	s0 =	stileid.u32;
	[bflag:$0x2] =	sbarrier.arrive $0xFFFF  }
0x45f: {  	p0 =	sne.s32 s0, $0x0;
	s0 =	rddreg [dreg:$0x4]  }
0x460: {  	s0 =	sadd.s32 @!p0 $0x100000, s0  }
0x461: {  	[sflag:s0] =	ssyncadd.tile.s32 @!p0 $0x1;
	_ =	shalt  }
.Lfunc_end2:
_tile_overlayer_lowered:
.L_overlay_start_2:
0x462: {  	(tag) =	ssettag $0x2  }
0x463: {  	s0 =	rddreg [dreg:$0x0];
	s2 =	stileid.u32  }
0x464: {  	s1 =	rddreg [dreg:$0x1];
	p0 =	sne.s32 s2, $0x0  }
0x465: {  	s3 =	rddreg [dreg:$0x2];
	[bflag:$0x3] =	sbarrier.arrive $0xFFFF;
	s2 =	simm.s32 @!p0 $0x1C05  }
0x466: {  	[timem:s3], [sflag:s2] =	dma.local @!p0 [hbm:s0], s1  }
0x467: {  	s0 =	simm.s32 @!p0 $0x5  }
0x468: {  	_ =	swait.ge @!p0 [sflag:s0], s1  }
0x469: {  	s1 =	ssub.s32 @!p0 $0x0, s1;
	[sflag:s0] =	ssyncset.done @!p0 $0x0  }
0x46a: {  	[sflag:s0] =	ssyncadd.s32 @!p0 s1  }
0x46b: {  	[bflag:$0x3] =	sbarrier.arrive $0xFFFF  }
0x46c: {  	_ =	shalt  }

</sc_bundles>
